<compile_context>
chip_gen: v7x
topology: tpu7x:2x2x1
jax: 0.10.2.dev20260603
libtpu: 0.0.44.dev20260713+nightly
codegen_flags: <defaults>
</compile_context>

<pallas_src>
import functools

import jax
import jax.numpy as jnp
from jax import lax
from jax.experimental import pallas as pl
from jax.experimental.pallas import tpu as pltpu
from jax.experimental.pallas import tpu_sc as plsc

N_NODES = 10000
N_EDGES = 320000
D = 128

NC = 2
NS = 16
NW = NC * NS
EPW = N_EDGES // NW
CH = 40
NCH = EPW // CH
NBUF = 7
RPT = 624
TAIL = N_NODES - NS * RPT

ROW_BLK = 1000


def _finalize_body(p0_ref, p1_ref, w_ref, norm_ref, b_ref, o_ref):
    acc = p0_ref[0] + p1_ref[0]
    o_ref[...] = (jnp.dot(acc, w_ref[...], preferred_element_type=jnp.float32)
                  * norm_ref[...] + b_ref[...])


def _finalize(partial, W, norm, b2d):
    grid = (N_NODES // ROW_BLK,)
    return pl.pallas_call(
        _finalize_body,
        grid=grid,
        in_specs=[
            pl.BlockSpec((1, ROW_BLK, D), lambda i: (0, i, 0)),
            pl.BlockSpec((1, ROW_BLK, D), lambda i: (1, i, 0)),
            pl.BlockSpec((D, D), lambda i: (0, 0)),
            pl.BlockSpec((ROW_BLK, 1), lambda i: (i, 0)),
            pl.BlockSpec((1, D), lambda i: (0, 0)),
        ],
        out_specs=pl.BlockSpec((ROW_BLK, D), lambda i: (i, 0)),
        out_shape=jax.ShapeDtypeStruct((N_NODES, D), jnp.float32),
    )(partial, partial, W, norm, b2d)


_SC_MESH = plsc.VectorSubcoreMesh(core_axis_name="c", subcore_axis_name="s")


@functools.partial(
    pl.kernel,
    mesh=_SC_MESH,
    out_type=jax.ShapeDtypeStruct((NC, N_NODES, D), jnp.float32),
    scratch_types=[
        pltpu.VMEM((EPW,), jnp.int32),
        pltpu.VMEM((NBUF * CH,), jnp.int32),
        pltpu.VMEM((NBUF, CH, D), jnp.float32),
        pltpu.VMEM_SHARED((N_NODES, D), jnp.float32),
    ] + [pltpu.SemaphoreType.DMA] * (2 * NBUF),
)
def _edge_kernel(h_hbm, src_hbm, dst_hbm, zeros_hbm, out_hbm,
                 src_v, dst_v, rows_v, acc_sh, *sems):
    gsems = sems[:NBUF]
    dsems = sems[NBUF:]
    cid = lax.axis_index("c")
    sid = lax.axis_index("s")
    wid = sid * NC + cid

    pltpu.sync_copy(src_hbm.at[wid], src_v)

    def dst_start(j, b):
        pltpu.async_copy(dst_hbm.at[pl.ds(wid * EPW + j * CH, CH)],
                         dst_v.at[pl.ds(b * CH, CH)], dsems[b])

    def dst_wait(j, b):
        pltpu.make_async_copy(dst_hbm.at[pl.ds(wid * EPW + j * CH, CH)],
                              dst_v.at[pl.ds(b * CH, CH)], dsems[b]).wait()

    def gather_start(j, b):
        pltpu.async_copy(h_hbm.at[src_v.at[pl.ds(j * CH, CH)]],
                         rows_v.at[b], gsems[b])

    def gather_wait(j, b):
        pltpu.make_async_copy(h_hbm.at[src_v.at[pl.ds(j * CH, CH)]],
                              rows_v.at[b], gsems[b]).wait()

    for _b in range(NBUF):
        dst_start(_b, _b)
        gather_start(_b, _b)

    row0 = sid * RPT
    pltpu.sync_copy(zeros_hbm.at[pl.ds(0, RPT)], acc_sh.at[pl.ds(row0, RPT)])

    @pl.when(sid == NS - 1)
    def _():
        pltpu.sync_copy(zeros_hbm.at[pl.ds(0, TAIL)],
                        acc_sh.at[pl.ds(NS * RPT, TAIL)])

    plsc.subcore_barrier()

    def process(j, b):
        gather_wait(j, b)
        dst_wait(j, b)
        pltpu.sync_copy(rows_v.at[b],
                        acc_sh.at[dst_v.at[pl.ds(b * CH, CH)]], add=True)

    STEADY = (NCH - NBUF) // NBUF

    def body(i, carry):
        for b in range(NBUF):
            j = i * NBUF + b
            process(j, b)
            dst_start(j + NBUF, b)
            gather_start(j + NBUF, b)
        return carry

    lax.fori_loop(0, STEADY, body, 0)
    for k in range(STEADY * NBUF, NCH):
        b = k % NBUF
        process(k, b)
        if k + NBUF < NCH:
            dst_start(k + NBUF, b)
            gather_start(k + NBUF, b)
    plsc.subcore_barrier()

    pltpu.sync_copy(acc_sh.at[pl.ds(row0, RPT)],
                    out_hbm.at[cid, pl.ds(row0, RPT)])

    @pl.when(sid == NS - 1)
    def _():
        pltpu.sync_copy(acc_sh.at[pl.ds(NS * RPT, TAIL)],
                        out_hbm.at[cid, pl.ds(NS * RPT, TAIL)])


def kernel(x, edge_index, norm, W, b):
    src = edge_index[0].astype(jnp.int32).reshape(NW, EPW)
    dst = edge_index[1].astype(jnp.int32)
    zeros = jnp.zeros((RPT, D), jnp.float32)
    xn = x * norm
    partial = _edge_kernel(xn, src, dst, zeros)
    return _finalize(partial, W, norm, b.reshape(1, D))

# --- scband reference (transcript-rebuilt; emitter-appended) ---
"""Pipeline reference for scband-gcnlayer-22127671509502 (READ-ONLY COPY).

The authoritative reference and input builder live on the scoring server;
editing this copy changes nothing except your own understanding.
"""

import jax, jax.numpy as jnp
import numpy as np

N_NODES = 10000
N_EDGES = 320000
D_IN = 128
D_OUT = 128

def setup_inputs(seed: int = 0) -> dict:
    key = jax.random.key(seed)
    k1, k2, k3, k4, k5 = jax.random.split(key, 5)
    x = jax.random.normal(k1, (N_NODES, D_IN), dtype=jnp.float32)
    edge_index = jax.random.randint(k2, (2, N_EDGES), 0, N_NODES, dtype=jnp.int64)
    # symmetric-normalization-style node norm (e.g., deg^{-1/2}); random positive here
    norm = jax.random.uniform(k3, (N_NODES, 1), dtype=jnp.float32)
    # xavier_uniform weight
    limit = float(np.sqrt(6.0 / (D_IN + D_OUT)))
    W = jax.random.uniform(k4, (D_IN, D_OUT), dtype=jnp.float32, minval=-limit, maxval=limit)
    # bias init uniform_(0,1)
    b = jax.random.uniform(k5, (D_OUT,), dtype=jnp.float32)
    return {"x": x, "edge_index": edge_index, "norm": norm, "W": W, "b": b}

def reference(x, edge_index, norm, W, b):
    # dropout=False, activation=None in this configuration
    h = jnp.dot(x, W)                       # g.ndata['h'] = h @ W
    src = edge_index[0]
    dst = edge_index[1]
    # gcn_msg: m = src.h * src.norm
    msg = h[src] * norm[src]
    # gcn_reduce: accum = sum(mailbox) * dst.norm
    accum = jax.ops.segment_sum(msg, dst, num_segments=x.shape[0])
    h_out = accum * norm
    # NodeApplyModule: h = h + bias (no activation)
    h_out = h_out + b
    return h_out

if __name__ == "__main__":
    import jax
    _d = setup_inputs()
    print(jax.jit(kernel)(*tuple(_d.values())))

</pallas_src>

<mosaic_0001>
#map = affine_map<(d0, d1) -> (0, 0)>
#map1 = affine_map<(d0, d1) -> (0)>
#map2 = affine_map<(d0, d1) -> (0, 0, 0)>
module attributes {stable_mosaic.version = 14 : i64} {
  func.func @_edge_kernel(%arg0: i32, %arg1: i32, %arg2: memref<10000x128xf32, #tpu.memory_space<hbm>>, %arg3: memref<32x10000xi32, #tpu.memory_space<hbm>>, %arg4: memref<320000xi32, #tpu.memory_space<hbm>>, %arg5: memref<624x128xf32, #tpu.memory_space<hbm>>, %arg6: memref<2x10000x128xf32, #tpu.memory_space<hbm>>, %arg7: memref<10000xi32, #tpu.memory_space<vmem>>, %arg8: memref<280xi32, #tpu.memory_space<vmem>>, %arg9: memref<7x40x128xf32, #tpu.memory_space<vmem>>, %arg10: memref<10000x128xf32, #tpu.memory_space<vmem_shared>>, %arg11: memref<!tpu.dma_semaphore, #tpu.memory_space<semaphore_mem>>, %arg12: memref<!tpu.dma_semaphore, #tpu.memory_space<semaphore_mem>>, %arg13: memref<!tpu.dma_semaphore, #tpu.memory_space<semaphore_mem>>, %arg14: memref<!tpu.dma_semaphore, #tpu.memory_space<semaphore_mem>>, %arg15: memref<!tpu.dma_semaphore, #tpu.memory_space<semaphore_mem>>, %arg16: memref<!tpu.dma_semaphore, #tpu.memory_space<semaphore_mem>>, %arg17: memref<!tpu.dma_semaphore, #tpu.memory_space<semaphore_mem>>, %arg18: memref<!tpu.dma_semaphore, #tpu.memory_space<semaphore_mem>>, %arg19: memref<!tpu.dma_semaphore, #tpu.memory_space<semaphore_mem>>, %arg20: memref<!tpu.dma_semaphore, #tpu.memory_space<semaphore_mem>>, %arg21: memref<!tpu.dma_semaphore, #tpu.memory_space<semaphore_mem>>, %arg22: memref<!tpu.dma_semaphore, #tpu.memory_space<semaphore_mem>>, %arg23: memref<!tpu.dma_semaphore, #tpu.memory_space<semaphore_mem>>, %arg24: memref<!tpu.dma_semaphore, #tpu.memory_space<semaphore_mem>>) attributes {dimension_semantics = [#tpu.dimension_semantics<core_parallel>, #tpu.dimension_semantics<subcore_parallel>], iteration_bounds = array<i64: 2, 16>, scalar_prefetch = 0 : i64, scratch_operands = 18 : i64, tpu.core_type = #tpu.core_type<sc_vector_subcore>, window_params = [{transform_indices = #map}, {transform_indices = #map}, {transform_indices = #map1}, {transform_indices = #map}, {transform_indices = #map2}]} {
    %mul3A = arith.constant 2 : i32
    %mul3A_0 = arith.muli %arg1, %mul3A : i32
    %add3A = arith.addi %mul3A_0, %arg0 : i32
    "tpu.region"() ({
      %run_scoped3A_505 = tpu.sem_alloc : memref<!tpu.dma_semaphore, #tpu.memory_space<semaphore_mem>>
      %dma_start3A_506 = arith.constant 0 : i32
      %dma_start3A_507 = tpu.memref_slice %arg3[%add3A, %dma_start3A_506] : memref<32x10000xi32, #tpu.memory_space<hbm>> -> memref<1x10000xi32, #tpu.memory_space<hbm>>
      %dma_start3A_508 = tpu.memref_squeeze %dma_start3A_507 : memref<1x10000xi32, #tpu.memory_space<hbm>> -> memref<10000xi32, #tpu.memory_space<hbm>>
      %dma_start3A_509 = arith.constant 0 : i32
      %dma_start3A_510 = tpu.memref_slice %arg3[%add3A, %dma_start3A_509] : memref<32x10000xi32, #tpu.memory_space<hbm>> -> memref<1x10000xi32, #tpu.memory_space<hbm>>
      %dma_start3A_511 = tpu.memref_squeeze %dma_start3A_510 : memref<1x10000xi32, #tpu.memory_space<hbm>> -> memref<10000xi32, #tpu.memory_space<hbm>>
      tpu.enqueue_dma source(%dma_start3A_511 : memref<10000xi32, #tpu.memory_space<hbm>>) target(%arg7 : memref<10000xi32, #tpu.memory_space<vmem>>) target_semaphore(%run_scoped3A_505 : memref<!tpu.dma_semaphore, #tpu.memory_space<semaphore_mem>>)
      %dma_wait3A_512 = arith.constant 0 : i32
      %dma_wait3A_513 = tpu.memref_slice %arg3[%add3A, %dma_wait3A_512] : memref<32x10000xi32, #tpu.memory_space<hbm>> -> memref<1x10000xi32, #tpu.memory_space<hbm>>
      %dma_wait3A_514 = tpu.memref_squeeze %dma_wait3A_513 : memref<1x10000xi32, #tpu.memory_space<hbm>> -> memref<10000xi32, #tpu.memory_space<hbm>>
      %dma_wait3A_515 = arith.constant 0 : i32
      %dma_wait3A_516 = tpu.memref_slice %arg3[%add3A, %dma_wait3A_515] : memref<32x10000xi32, #tpu.memory_space<hbm>> -> memref<1x10000xi32, #tpu.memory_space<hbm>>
      %dma_wait3A_517 = tpu.memref_squeeze %dma_wait3A_516 : memref<1x10000xi32, #tpu.memory_space<hbm>> -> memref<10000xi32, #tpu.memory_space<hbm>>
      tpu.wait_dma2 semaphore(%run_scoped3A_505 : memref<!tpu.dma_semaphore, #tpu.memory_space<semaphore_mem>>) src(%dma_wait3A_517 : memref<10000xi32, #tpu.memory_space<hbm>>) dst(%arg7 : memref<10000xi32, #tpu.memory_space<vmem>>)
      tpu.yield
    }) : () -> ()
    %mul3A_1 = arith.constant 10000 : i32
    %mul3A_2 = arith.muli %add3A, %mul3A_1 : i32
    %add3A_3 = arith.constant 0 : i32
    %add3A_4 = arith.addi %mul3A_2, %add3A_3 : i32
    %dma_start3A = arith.constant 0 : i32
    %dma_start3A_5 = tpu.memref_slice %arg8[%dma_start3A] : memref<280xi32, #tpu.memory_space<vmem>> -> memref<40xi32, #tpu.memory_space<vmem>>
    %dma_start3A_6 = tpu.memref_slice %arg4[%add3A_4] : memref<320000xi32, #tpu.memory_space<hbm>> -> memref<40xi32, #tpu.memory_space<hbm>>
    %dma_start3A_7 = arith.constant 0 : i32
    %dma_start3A_8 = tpu.memref_slice %arg8[%dma_start3A_7] : memref<280xi32, #tpu.memory_space<vmem>> -> memref<40xi32, #tpu.memory_space<vmem>>
    %dma_start3A_9 = tpu.memref_slice %arg4[%add3A_4] : memref<320000xi32, #tpu.memory_space<hbm>> -> memref<40xi32, #tpu.memory_space<hbm>>
    tpu.enqueue_dma source(%dma_start3A_9 : memref<40xi32, #tpu.memory_space<hbm>>) target(%dma_start3A_8 : memref<40xi32, #tpu.memory_space<vmem>>) target_semaphore(%arg18 : memref<!tpu.dma_semaphore, #tpu.memory_space<semaphore_mem>>)
    %dma_start3A_10 = arith.constant 0 : i32
    %dma_start3A_11 = arith.constant 0 : i32
    %dma_start3A_12 = arith.constant 0 : i32
    %dma_start3A_13 = tpu.memref_slice %arg9[%dma_start3A_10, %dma_start3A_11, %dma_start3A_12] : memref<7x40x128xf32, #tpu.memory_space<vmem>> -> memref<1x40x128xf32, #tpu.memory_space<vmem>>
    %dma_start3A_14 = tpu.memref_squeeze %dma_start3A_13 : memref<1x40x128xf32, #tpu.memory_space<vmem>> -> memref<40x128xf32, #tpu.memory_space<vmem>>
    %dma_start3A_15 = arith.constant 0 : i32
    %dma_start3A_16 = tpu.memref_slice %arg7[%dma_start3A_15] : memref<10000xi32, #tpu.memory_space<vmem>> -> memref<40xi32, #tpu.memory_space<vmem>>
    %dma_start3A_17 = arith.constant 0 : i32
    %dma_start3A_18 = arith.constant 0 : i32
    %dma_start3A_19 = tpu.memref_slice %arg2[%dma_start3A_17, %dma_start3A_18] : memref<10000x128xf32, #tpu.memory_space<hbm>> -> memref<10000x128xf32, #tpu.memory_space<hbm>>
    tpu.enqueue_indirect_dma source(%dma_start3A_19 : memref<10000x128xf32, #tpu.memory_space<hbm>>) target(%dma_start3A_14 : memref<40x128xf32, #tpu.memory_space<vmem>>) offsets(%dma_start3A_16 : memref<40xi32, #tpu.memory_space<vmem>>) semaphore(%arg11 : memref<!tpu.dma_semaphore, #tpu.memory_space<semaphore_mem>>)
    %mul3A_20 = arith.constant 10000 : i32
    %mul3A_21 = arith.muli %add3A, %mul3A_20 : i32
    %add3A_22 = arith.constant 40 : i32
    %add3A_23 = arith.addi %mul3A_21, %add3A_22 : i32
    %dma_start3A_24 = arith.constant 40 : i32
    %dma_start3A_25 = tpu.memref_slice %arg8[%dma_start3A_24] : memref<280xi32, #tpu.memory_space<vmem>> -> memref<40xi32, #tpu.memory_space<vmem>>
    %dma_start3A_26 = tpu.memref_slice %arg4[%add3A_23] : memref<320000xi32, #tpu.memory_space<hbm>> -> memref<40xi32, #tpu.memory_space<hbm>>
    %dma_start3A_27 = arith.constant 40 : i32
    %dma_start3A_28 = tpu.memref_slice %arg8[%dma_start3A_27] : memref<280xi32, #tpu.memory_space<vmem>> -> memref<40xi32, #tpu.memory_space<vmem>>
    %dma_start3A_29 = tpu.memref_slice %arg4[%add3A_23] : memref<320000xi32, #tpu.memory_space<hbm>> -> memref<40xi32, #tpu.memory_space<hbm>>
    tpu.enqueue_dma source(%dma_start3A_29 : memref<40xi32, #tpu.memory_space<hbm>>) target(%dma_start3A_28 : memref<40xi32, #tpu.memory_space<vmem>>) target_semaphore(%arg19 : memref<!tpu.dma_semaphore, #tpu.memory_space<semaphore_mem>>)
    %dma_start3A_30 = arith.constant 1 : i32
    %dma_start3A_31 = arith.constant 0 : i32
    %dma_start3A_32 = arith.constant 0 : i32
    %dma_start3A_33 = tpu.memref_slice %arg9[%dma_start3A_30, %dma_start3A_31, %dma_start3A_32] : memref<7x40x128xf32, #tpu.memory_space<vmem>> -> memref<1x40x128xf32, #tpu.memory_space<vmem>>
    %dma_start3A_34 = tpu.memref_squeeze %dma_start3A_33 : memref<1x40x128xf32, #tpu.memory_space<vmem>> -> memref<40x128xf32, #tpu.memory_space<vmem>>
    %dma_start3A_35 = arith.constant 40 : i32
    %dma_start3A_36 = tpu.memref_slice %arg7[%dma_start3A_35] : memref<10000xi32, #tpu.memory_space<vmem>> -> memref<40xi32, #tpu.memory_space<vmem>>
    %dma_start3A_37 = arith.constant 0 : i32
    %dma_start3A_38 = arith.constant 0 : i32
    %dma_start3A_39 = tpu.memref_slice %arg2[%dma_start3A_37, %dma_start3A_38] : memref<10000x128xf32, #tpu.memory_space<hbm>> -> memref<10000x128xf32, #tpu.memory_space<hbm>>
    tpu.enqueue_indirect_dma source(%dma_start3A_39 : memref<10000x128xf32, #tpu.memory_space<hbm>>) target(%dma_start3A_34 : memref<40x128xf32, #tpu.memory_space<vmem>>) offsets(%dma_start3A_36 : memref<40xi32, #tpu.memory_space<vmem>>) semaphore(%arg12 : memref<!tpu.dma_semaphore, #tpu.memory_space<semaphore_mem>>)
    %mul3A_40 = arith.constant 10000 : i32
    %mul3A_41 = arith.muli %add3A, %mul3A_40 : i32
    %add3A_42 = arith.constant 80 : i32
    %add3A_43 = arith.addi %mul3A_41, %add3A_42 : i32
    %dma_start3A_44 = arith.constant 80 : i32
    %dma_start3A_45 = tpu.memref_slice %arg8[%dma_start3A_44] : memref<280xi32, #tpu.memory_space<vmem>> -> memref<40xi32, #tpu.memory_space<vmem>>
    %dma_start3A_46 = tpu.memref_slice %arg4[%add3A_43] : memref<320000xi32, #tpu.memory_space<hbm>> -> memref<40xi32, #tpu.memory_space<hbm>>
    %dma_start3A_47 = arith.constant 80 : i32
    %dma_start3A_48 = tpu.memref_slice %arg8[%dma_start3A_47] : memref<280xi32, #tpu.memory_space<vmem>> -> memref<40xi32, #tpu.memory_space<vmem>>
    %dma_start3A_49 = tpu.memref_slice %arg4[%add3A_43] : memref<320000xi32, #tpu.memory_space<hbm>> -> memref<40xi32, #tpu.memory_space<hbm>>
    tpu.enqueue_dma source(%dma_start3A_49 : memref<40xi32, #tpu.memory_space<hbm>>) target(%dma_start3A_48 : memref<40xi32, #tpu.memory_space<vmem>>) target_semaphore(%arg20 : memref<!tpu.dma_semaphore, #tpu.memory_space<semaphore_mem>>)
    %dma_start3A_50 = arith.constant 2 : i32
    %dma_start3A_51 = arith.constant 0 : i32
    %dma_start3A_52 = arith.constant 0 : i32
    %dma_start3A_53 = tpu.memref_slice %arg9[%dma_start3A_50, %dma_start3A_51, %dma_start3A_52] : memref<7x40x128xf32, #tpu.memory_space<vmem>> -> memref<1x40x128xf32, #tpu.memory_space<vmem>>
    %dma_start3A_54 = tpu.memref_squeeze %dma_start3A_53 : memref<1x40x128xf32, #tpu.memory_space<vmem>> -> memref<40x128xf32, #tpu.memory_space<vmem>>
    %dma_start3A_55 = arith.constant 80 : i32
    %dma_start3A_56 = tpu.memref_slice %arg7[%dma_start3A_55] : memref<10000xi32, #tpu.memory_space<vmem>> -> memref<40xi32, #tpu.memory_space<vmem>>
    %dma_start3A_57 = arith.constant 0 : i32
    %dma_start3A_58 = arith.constant 0 : i32
    %dma_start3A_59 = tpu.memref_slice %arg2[%dma_start3A_57, %dma_start3A_58] : memref<10000x128xf32, #tpu.memory_space<hbm>> -> memref<10000x128xf32, #tpu.memory_space<hbm>>
    tpu.enqueue_indirect_dma source(%dma_start3A_59 : memref<10000x128xf32, #tpu.memory_space<hbm>>) target(%dma_start3A_54 : memref<40x128xf32, #tpu.memory_space<vmem>>) offsets(%dma_start3A_56 : memref<40xi32, #tpu.memory_space<vmem>>) semaphore(%arg13 : memref<!tpu.dma_semaphore, #tpu.memory_space<semaphore_mem>>)
    %mul3A_60 = arith.constant 10000 : i32
    %mul3A_61 = arith.muli %add3A, %mul3A_60 : i32
    %add3A_62 = arith.constant 120 : i32
    %add3A_63 = arith.addi %mul3A_61, %add3A_62 : i32
    %dma_start3A_64 = arith.constant 120 : i32
    %dma_start3A_65 = tpu.memref_slice %arg8[%dma_start3A_64] : memref<280xi32, #tpu.memory_space<vmem>> -> memref<40xi32, #tpu.memory_space<vmem>>
    %dma_start3A_66 = tpu.memref_slice %arg4[%add3A_63] : memref<320000xi32, #tpu.memory_space<hbm>> -> memref<40xi32, #tpu.memory_space<hbm>>
    %dma_start3A_67 = arith.constant 120 : i32
    %dma_start3A_68 = tpu.memref_slice %arg8[%dma_start3A_67] : memref<280xi32, #tpu.memory_space<vmem>> -> memref<40xi32, #tpu.memory_space<vmem>>
    %dma_start3A_69 = tpu.memref_slice %arg4[%add3A_63] : memref<320000xi32, #tpu.memory_space<hbm>> -> memref<40xi32, #tpu.memory_space<hbm>>
    tpu.enqueue_dma source(%dma_start3A_69 : memref<40xi32, #tpu.memory_space<hbm>>) target(%dma_start3A_68 : memref<40xi32, #tpu.memory_space<vmem>>) target_semaphore(%arg21 : memref<!tpu.dma_semaphore, #tpu.memory_space<semaphore_mem>>)
    %dma_start3A_70 = arith.constant 3 : i32
    %dma_start3A_71 = arith.constant 0 : i32
    %dma_start3A_72 = arith.constant 0 : i32
    %dma_start3A_73 = tpu.memref_slice %arg9[%dma_start3A_70, %dma_start3A_71, %dma_start3A_72] : memref<7x40x128xf32, #tpu.memory_space<vmem>> -> memref<1x40x128xf32, #tpu.memory_space<vmem>>
    %dma_start3A_74 = tpu.memref_squeeze %dma_start3A_73 : memref<1x40x128xf32, #tpu.memory_space<vmem>> -> memref<40x128xf32, #tpu.memory_space<vmem>>
    %dma_start3A_75 = arith.constant 120 : i32
    %dma_start3A_76 = tpu.memref_slice %arg7[%dma_start3A_75] : memref<10000xi32, #tpu.memory_space<vmem>> -> memref<40xi32, #tpu.memory_space<vmem>>
    %dma_start3A_77 = arith.constant 0 : i32
    %dma_start3A_78 = arith.constant 0 : i32
    %dma_start3A_79 = tpu.memref_slice %arg2[%dma_start3A_77, %dma_start3A_78] : memref<10000x128xf32, #tpu.memory_space<hbm>> -> memref<10000x128xf32, #tpu.memory_space<hbm>>
    tpu.enqueue_indirect_dma source(%dma_start3A_79 : memref<10000x128xf32, #tpu.memory_space<hbm>>) target(%dma_start3A_74 : memref<40x128xf32, #tpu.memory_space<vmem>>) offsets(%dma_start3A_76 : memref<40xi32, #tpu.memory_space<vmem>>) semaphore(%arg14 : memref<!tpu.dma_semaphore, #tpu.memory_space<semaphore_mem>>)
    %mul3A_80 = arith.constant 10000 : i32
    %mul3A_81 = arith.muli %add3A, %mul3A_80 : i32
    %add3A_82 = arith.constant 160 : i32
    %add3A_83 = arith.addi %mul3A_81, %add3A_82 : i32
    %dma_start3A_84 = arith.constant 160 : i32
    %dma_start3A_85 = tpu.memref_slice %arg8[%dma_start3A_84] : memref<280xi32, #tpu.memory_space<vmem>> -> memref<40xi32, #tpu.memory_space<vmem>>
    %dma_start3A_86 = tpu.memref_slice %arg4[%add3A_83] : memref<320000xi32, #tpu.memory_space<hbm>> -> memref<40xi32, #tpu.memory_space<hbm>>
    %dma_start3A_87 = arith.constant 160 : i32
    %dma_start3A_88 = tpu.memref_slice %arg8[%dma_start3A_87] : memref<280xi32, #tpu.memory_space<vmem>> -> memref<40xi32, #tpu.memory_space<vmem>>
    %dma_start3A_89 = tpu.memref_slice %arg4[%add3A_83] : memref<320000xi32, #tpu.memory_space<hbm>> -> memref<40xi32, #tpu.memory_space<hbm>>
    tpu.enqueue_dma source(%dma_start3A_89 : memref<40xi32, #tpu.memory_space<hbm>>) target(%dma_start3A_88 : memref<40xi32, #tpu.memory_space<vmem>>) target_semaphore(%arg22 : memref<!tpu.dma_semaphore, #tpu.memory_space<semaphore_mem>>)
    %dma_start3A_90 = arith.constant 4 : i32
    %dma_start3A_91 = arith.constant 0 : i32
    %dma_start3A_92 = arith.constant 0 : i32
    %dma_start3A_93 = tpu.memref_slice %arg9[%dma_start3A_90, %dma_start3A_91, %dma_start3A_92] : memref<7x40x128xf32, #tpu.memory_space<vmem>> -> memref<1x40x128xf32, #tpu.memory_space<vmem>>
    %dma_start3A_94 = tpu.memref_squeeze %dma_start3A_93 : memref<1x40x128xf32, #tpu.memory_space<vmem>> -> memref<40x128xf32, #tpu.memory_space<vmem>>
    %dma_start3A_95 = arith.constant 160 : i32
    %dma_start3A_96 = tpu.memref_slice %arg7[%dma_start3A_95] : memref<10000xi32, #tpu.memory_space<vmem>> -> memref<40xi32, #tpu.memory_space<vmem>>
    %dma_start3A_97 = arith.constant 0 : i32
    %dma_start3A_98 = arith.constant 0 : i32
    %dma_start3A_99 = tpu.memref_slice %arg2[%dma_start3A_97, %dma_start3A_98] : memref<10000x128xf32, #tpu.memory_space<hbm>> -> memref<10000x128xf32, #tpu.memory_space<hbm>>
    tpu.enqueue_indirect_dma source(%dma_start3A_99 : memref<10000x128xf32, #tpu.memory_space<hbm>>) target(%dma_start3A_94 : memref<40x128xf32, #tpu.memory_space<vmem>>) offsets(%dma_start3A_96 : memref<40xi32, #tpu.memory_space<vmem>>) semaphore(%arg15 : memref<!tpu.dma_semaphore, #tpu.memory_space<semaphore_mem>>)
    %mul3A_100 = arith.constant 10000 : i32
    %mul3A_101 = arith.muli %add3A, %mul3A_100 : i32
    %add3A_102 = arith.constant 200 : i32
    %add3A_103 = arith.addi %mul3A_101, %add3A_102 : i32
    %dma_start3A_104 = arith.constant 200 : i32
    %dma_start3A_105 = tpu.memref_slice %arg8[%dma_start3A_104] : memref<280xi32, #tpu.memory_space<vmem>> -> memref<40xi32, #tpu.memory_space<vmem>>
    %dma_start3A_106 = tpu.memref_slice %arg4[%add3A_103] : memref<320000xi32, #tpu.memory_space<hbm>> -> memref<40xi32, #tpu.memory_space<hbm>>
    %dma_start3A_107 = arith.constant 200 : i32
    %dma_start3A_108 = tpu.memref_slice %arg8[%dma_start3A_107] : memref<280xi32, #tpu.memory_space<vmem>> -> memref<40xi32, #tpu.memory_space<vmem>>
    %dma_start3A_109 = tpu.memref_slice %arg4[%add3A_103] : memref<320000xi32, #tpu.memory_space<hbm>> -> memref<40xi32, #tpu.memory_space<hbm>>
    tpu.enqueue_dma source(%dma_start3A_109 : memref<40xi32, #tpu.memory_space<hbm>>) target(%dma_start3A_108 : memref<40xi32, #tpu.memory_space<vmem>>) target_semaphore(%arg23 : memref<!tpu.dma_semaphore, #tpu.memory_space<semaphore_mem>>)
    %dma_start3A_110 = arith.constant 5 : i32
    %dma_start3A_111 = arith.constant 0 : i32
    %dma_start3A_112 = arith.constant 0 : i32
    %dma_start3A_113 = tpu.memref_slice %arg9[%dma_start3A_110, %dma_start3A_111, %dma_start3A_112] : memref<7x40x128xf32, #tpu.memory_space<vmem>> -> memref<1x40x128xf32, #tpu.memory_space<vmem>>
    %dma_start3A_114 = tpu.memref_squeeze %dma_start3A_113 : memref<1x40x128xf32, #tpu.memory_space<vmem>> -> memref<40x128xf32, #tpu.memory_space<vmem>>
    %dma_start3A_115 = arith.constant 200 : i32
    %dma_start3A_116 = tpu.memref_slice %arg7[%dma_start3A_115] : memref<10000xi32, #tpu.memory_space<vmem>> -> memref<40xi32, #tpu.memory_space<vmem>>
    %dma_start3A_117 = arith.constant 0 : i32
    %dma_start3A_118 = arith.constant 0 : i32
    %dma_start3A_119 = tpu.memref_slice %arg2[%dma_start3A_117, %dma_start3A_118] : memref<10000x128xf32, #tpu.memory_space<hbm>> -> memref<10000x128xf32, #tpu.memory_space<hbm>>
    tpu.enqueue_indirect_dma source(%dma_start3A_119 : memref<10000x128xf32, #tpu.memory_space<hbm>>) target(%dma_start3A_114 : memref<40x128xf32, #tpu.memory_space<vmem>>) offsets(%dma_start3A_116 : memref<40xi32, #tpu.memory_space<vmem>>) semaphore(%arg16 : memref<!tpu.dma_semaphore, #tpu.memory_space<semaphore_mem>>)
    %mul3A_120 = arith.constant 10000 : i32
    %mul3A_121 = arith.muli %add3A, %mul3A_120 : i32
    %add3A_122 = arith.constant 240 : i32
    %add3A_123 = arith.addi %mul3A_121, %add3A_122 : i32
    %dma_start3A_124 = arith.constant 240 : i32
    %dma_start3A_125 = tpu.memref_slice %arg8[%dma_start3A_124] : memref<280xi32, #tpu.memory_space<vmem>> -> memref<40xi32, #tpu.memory_space<vmem>>
    %dma_start3A_126 = tpu.memref_slice %arg4[%add3A_123] : memref<320000xi32, #tpu.memory_space<hbm>> -> memref<40xi32, #tpu.memory_space<hbm>>
    %dma_start3A_127 = arith.constant 240 : i32
    %dma_start3A_128 = tpu.memref_slice %arg8[%dma_start3A_127] : memref<280xi32, #tpu.memory_space<vmem>> -> memref<40xi32, #tpu.memory_space<vmem>>
    %dma_start3A_129 = tpu.memref_slice %arg4[%add3A_123] : memref<320000xi32, #tpu.memory_space<hbm>> -> memref<40xi32, #tpu.memory_space<hbm>>
    tpu.enqueue_dma source(%dma_start3A_129 : memref<40xi32, #tpu.memory_space<hbm>>) target(%dma_start3A_128 : memref<40xi32, #tpu.memory_space<vmem>>) target_semaphore(%arg24 : memref<!tpu.dma_semaphore, #tpu.memory_space<semaphore_mem>>)
    %dma_start3A_130 = arith.constant 6 : i32
    %dma_start3A_131 = arith.constant 0 : i32
    %dma_start3A_132 = arith.constant 0 : i32
    %dma_start3A_133 = tpu.memref_slice %arg9[%dma_start3A_130, %dma_start3A_131, %dma_start3A_132] : memref<7x40x128xf32, #tpu.memory_space<vmem>> -> memref<1x40x128xf32, #tpu.memory_space<vmem>>
    %dma_start3A_134 = tpu.memref_squeeze %dma_start3A_133 : memref<1x40x128xf32, #tpu.memory_space<vmem>> -> memref<40x128xf32, #tpu.memory_space<vmem>>
    %dma_start3A_135 = arith.constant 240 : i32
    %dma_start3A_136 = tpu.memref_slice %arg7[%dma_start3A_135] : memref<10000xi32, #tpu.memory_space<vmem>> -> memref<40xi32, #tpu.memory_space<vmem>>
    %dma_start3A_137 = arith.constant 0 : i32
    %dma_start3A_138 = arith.constant 0 : i32
    %dma_start3A_139 = tpu.memref_slice %arg2[%dma_start3A_137, %dma_start3A_138] : memref<10000x128xf32, #tpu.memory_space<hbm>> -> memref<10000x128xf32, #tpu.memory_space<hbm>>
    tpu.enqueue_indirect_dma source(%dma_start3A_139 : memref<10000x128xf32, #tpu.memory_space<hbm>>) target(%dma_start3A_134 : memref<40x128xf32, #tpu.memory_space<vmem>>) offsets(%dma_start3A_136 : memref<40xi32, #tpu.memory_space<vmem>>) semaphore(%arg17 : memref<!tpu.dma_semaphore, #tpu.memory_space<semaphore_mem>>)
    %mul3A_140 = arith.constant 624 : i32
    %mul3A_141 = arith.muli %arg1, %mul3A_140 : i32
    "tpu.region"() ({
      %run_scoped3A_505 = tpu.sem_alloc : memref<!tpu.dma_semaphore, #tpu.memory_space<semaphore_mem>>
      %dma_start3A_506 = arith.constant 0 : i32
      %dma_start3A_507 = tpu.memref_slice %arg10[%mul3A_141, %dma_start3A_506] : memref<10000x128xf32, #tpu.memory_space<vmem_shared>> -> memref<624x128xf32, #tpu.memory_space<vmem_shared>>
      %dma_start3A_508 = arith.constant 0 : i32
      %dma_start3A_509 = arith.constant 0 : i32
      %dma_start3A_510 = tpu.memref_slice %arg5[%dma_start3A_508, %dma_start3A_509] : memref<624x128xf32, #tpu.memory_space<hbm>> -> memref<624x128xf32, #tpu.memory_space<hbm>>
      tpu.enqueue_dma source(%dma_start3A_510 : memref<624x128xf32, #tpu.memory_space<hbm>>) target(%dma_start3A_507 : memref<624x128xf32, #tpu.memory_space<vmem_shared>>) target_semaphore(%run_scoped3A_505 : memref<!tpu.dma_semaphore, #tpu.memory_space<semaphore_mem>>)
      %dma_wait3A_511 = arith.constant 0 : i32
      %dma_wait3A_512 = tpu.memref_slice %arg10[%mul3A_141, %dma_wait3A_511] : memref<10000x128xf32, #tpu.memory_space<vmem_shared>> -> memref<624x128xf32, #tpu.memory_space<vmem_shared>>
      %dma_wait3A_513 = arith.constant 0 : i32
      %dma_wait3A_514 = arith.constant 0 : i32
      %dma_wait3A_515 = tpu.memref_slice %arg5[%dma_wait3A_513, %dma_wait3A_514] : memref<624x128xf32, #tpu.memory_space<hbm>> -> memref<624x128xf32, #tpu.memory_space<hbm>>
      tpu.wait_dma2 semaphore(%run_scoped3A_505 : memref<!tpu.dma_semaphore, #tpu.memory_space<semaphore_mem>>) src(%dma_wait3A_515 : memref<624x128xf32, #tpu.memory_space<hbm>>) dst(%dma_wait3A_512 : memref<624x128xf32, #tpu.memory_space<vmem_shared>>)
      tpu.yield
    }) : () -> ()
    %eq3A = arith.constant 15 : i32
    %eq3A_142 = arith.cmpi eq, %arg1, %eq3A : i32
    %convert_element_type3A = arith.extui %eq3A_142 : i1 to i32
    %cond3A = arith.constant 0 : i32
    %cond3A_143 = arith.cmpi ne, %convert_element_type3A, %cond3A : i32
    scf.if %cond3A_143 {
      "tpu.region"() ({
        %run_scoped3A_505 = tpu.sem_alloc : memref<!tpu.dma_semaphore, #tpu.memory_space<semaphore_mem>>
        %dma_start3A_506 = arith.constant 9984 : i32
        %dma_start3A_507 = arith.constant 0 : i32
        %dma_start3A_508 = tpu.memref_slice %arg10[%dma_start3A_506, %dma_start3A_507] : memref<10000x128xf32, #tpu.memory_space<vmem_shared>> -> memref<16x128xf32, #tpu.memory_space<vmem_shared>>
        %dma_start3A_509 = arith.constant 0 : i32
        %dma_start3A_510 = arith.constant 0 : i32
        %dma_start3A_511 = tpu.memref_slice %arg5[%dma_start3A_509, %dma_start3A_510] : memref<624x128xf32, #tpu.memory_space<hbm>> -> memref<16x128xf32, #tpu.memory_space<hbm>>
        tpu.enqueue_dma source(%dma_start3A_511 : memref<16x128xf32, #tpu.memory_space<hbm>>) target(%dma_start3A_508 : memref<16x128xf32, #tpu.memory_space<vmem_shared>>) target_semaphore(%run_scoped3A_505 : memref<!tpu.dma_semaphore, #tpu.memory_space<semaphore_mem>>)
        %dma_wait3A_512 = arith.constant 9984 : i32
        %dma_wait3A_513 = arith.constant 0 : i32
        %dma_wait3A_514 = tpu.memref_slice %arg10[%dma_wait3A_512, %dma_wait3A_513] : memref<10000x128xf32, #tpu.memory_space<vmem_shared>> -> memref<16x128xf32, #tpu.memory_space<vmem_shared>>
        %dma_wait3A_515 = arith.constant 0 : i32
        %dma_wait3A_516 = arith.constant 0 : i32
        %dma_wait3A_517 = tpu.memref_slice %arg5[%dma_wait3A_515, %dma_wait3A_516] : memref<624x128xf32, #tpu.memory_space<hbm>> -> memref<16x128xf32, #tpu.memory_space<hbm>>
        tpu.wait_dma2 semaphore(%run_scoped3A_505 : memref<!tpu.dma_semaphore, #tpu.memory_space<semaphore_mem>>) src(%dma_wait3A_517 : memref<16x128xf32, #tpu.memory_space<hbm>>) dst(%dma_wait3A_514 : memref<16x128xf32, #tpu.memory_space<vmem_shared>>)
        tpu.yield
      }) : () -> ()
    } else {
    }
    %barrier3A = arith.constant 0 : index
    tpu.barrier barrier_id(%barrier3A)
    %scan3A = arith.constant 0 : i32
    %scan3A_144 = arith.constant 0 : i32
    %scan3A_145 = arith.constant 34 : i32
    %scan3A_146 = arith.addi %scan3A_144, %scan3A_145 : i32
    %scan3A_147 = arith.constant 1 : i32
    scf.for %scan3A_505 = %scan3A_144 to %scan3A_146 step %scan3A_147  : i32 {
      %mul3A_506 = arith.constant 7 : i32
      %mul3A_507 = arith.muli %scan3A_505, %mul3A_506 : i32
      %add3A_508 = arith.constant 0 : i32
      %add3A_509 = arith.addi %mul3A_507, %add3A_508 : i32
      %mul3A_510 = arith.constant 40 : i32
      %mul3A_511 = arith.muli %add3A_509, %mul3A_510 : i32
      %dma_wait3A_512 = arith.constant 0 : i32
      %dma_wait3A_513 = arith.constant 0 : i32
      %dma_wait3A_514 = arith.constant 0 : i32
      %dma_wait3A_515 = tpu.memref_slice %arg9[%dma_wait3A_512, %dma_wait3A_513, %dma_wait3A_514] : memref<7x40x128xf32, #tpu.memory_space<vmem>> -> memref<1x40x128xf32, #tpu.memory_space<vmem>>
      %dma_wait3A_516 = tpu.memref_squeeze %dma_wait3A_515 : memref<1x40x128xf32, #tpu.memory_space<vmem>> -> memref<40x128xf32, #tpu.memory_space<vmem>>
      %dma_wait3A_517 = tpu.memref_slice %arg7[%mul3A_511] : memref<10000xi32, #tpu.memory_space<vmem>> -> memref<40xi32, #tpu.memory_space<vmem>>
      %dma_wait3A_518 = arith.constant 0 : i32
      %dma_wait3A_519 = arith.constant 0 : i32
      %dma_wait3A_520 = tpu.memref_slice %arg2[%dma_wait3A_518, %dma_wait3A_519] : memref<10000x128xf32, #tpu.memory_space<hbm>> -> memref<10000x128xf32, #tpu.memory_space<hbm>>
      tpu.wait_indirect_dma semaphore(%arg11 : memref<!tpu.dma_semaphore, #tpu.memory_space<semaphore_mem>>) src(%dma_wait3A_520 : memref<10000x128xf32, #tpu.memory_space<hbm>>) dst(%dma_wait3A_516 : memref<40x128xf32, #tpu.memory_space<vmem>>)
      %mul3A_521 = arith.constant 10000 : i32
      %mul3A_522 = arith.muli %add3A, %mul3A_521 : i32
      %mul3A_523 = arith.constant 40 : i32
      %mul3A_524 = arith.muli %add3A_509, %mul3A_523 : i32
      %add3A_525 = arith.addi %mul3A_522, %mul3A_524 : i32
      %dma_wait3A_526 = arith.constant 0 : i32
      %dma_wait3A_527 = tpu.memref_slice %arg8[%dma_wait3A_526] : memref<280xi32, #tpu.memory_space<vmem>> -> memref<40xi32, #tpu.memory_space<vmem>>
      %dma_wait3A_528 = tpu.memref_slice %arg4[%add3A_525] : memref<320000xi32, #tpu.memory_space<hbm>> -> memref<40xi32, #tpu.memory_space<hbm>>
      %dma_wait3A_529 = arith.constant 0 : i32
      %dma_wait3A_530 = tpu.memref_slice %arg8[%dma_wait3A_529] : memref<280xi32, #tpu.memory_space<vmem>> -> memref<40xi32, #tpu.memory_space<vmem>>
      %dma_wait3A_531 = tpu.memref_slice %arg4[%add3A_525] : memref<320000xi32, #tpu.memory_space<hbm>> -> memref<40xi32, #tpu.memory_space<hbm>>
      tpu.wait_dma2 semaphore(%arg18 : memref<!tpu.dma_semaphore, #tpu.memory_space<semaphore_mem>>) src(%dma_wait3A_531 : memref<40xi32, #tpu.memory_space<hbm>>) dst(%dma_wait3A_530 : memref<40xi32, #tpu.memory_space<vmem>>)
      %run_scoped3A_532 = arith.constant 0 : i32
      "tpu.region"() ({
        %run_scoped3A_877 = tpu.sem_alloc : memref<!tpu.dma_semaphore, #tpu.memory_space<semaphore_mem>>
        %dma_start3A_878 = arith.constant 0 : i32
        %dma_start3A_879 = arith.constant 0 : i32
        %dma_start3A_880 = tpu.memref_slice %arg9[%run_scoped3A_532, %dma_start3A_878, %dma_start3A_879] : memref<7x40x128xf32, #tpu.memory_space<vmem>> -> memref<1x40x128xf32, #tpu.memory_space<vmem>>
        %dma_start3A_881 = tpu.memref_squeeze %dma_start3A_880 : memref<1x40x128xf32, #tpu.memory_space<vmem>> -> memref<40x128xf32, #tpu.memory_space<vmem>>
        %dma_start3A_882 = arith.constant 0 : i32
        %dma_start3A_883 = tpu.memref_slice %arg8[%dma_start3A_882] : memref<280xi32, #tpu.memory_space<vmem>> -> memref<40xi32, #tpu.memory_space<vmem>>
        %dma_start3A_884 = arith.constant 0 : i32
        %dma_start3A_885 = arith.constant 0 : i32
        %dma_start3A_886 = tpu.memref_slice %arg10[%dma_start3A_884, %dma_start3A_885] : memref<10000x128xf32, #tpu.memory_space<vmem_shared>> -> memref<10000x128xf32, #tpu.memory_space<vmem_shared>>
        tpu.enqueue_indirect_dma source(%dma_start3A_881 : memref<40x128xf32, #tpu.memory_space<vmem>>) target(%dma_start3A_886 : memref<10000x128xf32, #tpu.memory_space<vmem_shared>>) offsets(%dma_start3A_883 : memref<40xi32, #tpu.memory_space<vmem>>) semaphore(%run_scoped3A_877 : memref<!tpu.dma_semaphore, #tpu.memory_space<semaphore_mem>>) {add = true}
        %dma_wait3A_887 = arith.constant 0 : i32
        %dma_wait3A_888 = arith.constant 0 : i32
        %dma_wait3A_889 = tpu.memref_slice %arg9[%run_scoped3A_532, %dma_wait3A_887, %dma_wait3A_888] : memref<7x40x128xf32, #tpu.memory_space<vmem>> -> memref<1x40x128xf32, #tpu.memory_space<vmem>>
        %dma_wait3A_890 = tpu.memref_squeeze %dma_wait3A_889 : memref<1x40x128xf32, #tpu.memory_space<vmem>> -> memref<40x128xf32, #tpu.memory_space<vmem>>
        %dma_wait3A_891 = arith.constant 0 : i32
        %dma_wait3A_892 = tpu.memref_slice %arg8[%dma_wait3A_891] : memref<280xi32, #tpu.memory_space<vmem>> -> memref<40xi32, #tpu.memory_space<vmem>>
        %dma_wait3A_893 = arith.constant 0 : i32
        %dma_wait3A_894 = arith.constant 0 : i32
        %dma_wait3A_895 = tpu.memref_slice %arg10[%dma_wait3A_893, %dma_wait3A_894] : memref<10000x128xf32, #tpu.memory_space<vmem_shared>> -> memref<10000x128xf32, #tpu.memory_space<vmem_shared>>
        tpu.wait_indirect_dma semaphore(%run_scoped3A_877 : memref<!tpu.dma_semaphore, #tpu.memory_space<semaphore_mem>>) src(%dma_wait3A_890 : memref<40x128xf32, #tpu.memory_space<vmem>>) dst(%dma_wait3A_895 : memref<10000x128xf32, #tpu.memory_space<vmem_shared>>)
        tpu.yield
      }) : () -> ()
      %add3A_533 = arith.constant 7 : i32
      %add3A_534 = arith.addi %add3A_509, %add3A_533 : i32
      %mul3A_535 = arith.constant 10000 : i32
      %mul3A_536 = arith.muli %add3A, %mul3A_535 : i32
      %mul3A_537 = arith.constant 40 : i32
      %mul3A_538 = arith.muli %add3A_534, %mul3A_537 : i32
      %add3A_539 = arith.addi %mul3A_536, %mul3A_538 : i32
      %dma_start3A_540 = arith.constant 0 : i32
      %dma_start3A_541 = tpu.memref_slice %arg8[%dma_start3A_540] : memref<280xi32, #tpu.memory_space<vmem>> -> memref<40xi32, #tpu.memory_space<vmem>>
      %dma_start3A_542 = tpu.memref_slice %arg4[%add3A_539] : memref<320000xi32, #tpu.memory_space<hbm>> -> memref<40xi32, #tpu.memory_space<hbm>>
      %dma_start3A_543 = arith.constant 0 : i32
      %dma_start3A_544 = tpu.memref_slice %arg8[%dma_start3A_543] : memref<280xi32, #tpu.memory_space<vmem>> -> memref<40xi32, #tpu.memory_space<vmem>>
      %dma_start3A_545 = tpu.memref_slice %arg4[%add3A_539] : memref<320000xi32, #tpu.memory_space<hbm>> -> memref<40xi32, #tpu.memory_space<hbm>>
      tpu.enqueue_dma source(%dma_start3A_545 : memref<40xi32, #tpu.memory_space<hbm>>) target(%dma_start3A_544 : memref<40xi32, #tpu.memory_space<vmem>>) target_semaphore(%arg18 : memref<!tpu.dma_semaphore, #tpu.memory_space<semaphore_mem>>)
      %add3A_546 = arith.constant 7 : i32
      %add3A_547 = arith.addi %add3A_509, %add3A_546 : i32
      %mul3A_548 = arith.constant 40 : i32
      %mul3A_549 = arith.muli %add3A_547, %mul3A_548 : i32
      %dma_start3A_550 = arith.constant 0 : i32
      %dma_start3A_551 = arith.constant 0 : i32
      %dma_start3A_552 = arith.constant 0 : i32
      %dma_start3A_553 = tpu.memref_slice %arg9[%dma_start3A_550, %dma_start3A_551, %dma_start3A_552] : memref<7x40x128xf32, #tpu.memory_space<vmem>> -> memref<1x40x128xf32, #tpu.memory_space<vmem>>
      %dma_start3A_554 = tpu.memref_squeeze %dma_start3A_553 : memref<1x40x128xf32, #tpu.memory_space<vmem>> -> memref<40x128xf32, #tpu.memory_space<vmem>>
      %dma_start3A_555 = tpu.memref_slice %arg7[%mul3A_549] : memref<10000xi32, #tpu.memory_space<vmem>> -> memref<40xi32, #tpu.memory_space<vmem>>
      %dma_start3A_556 = arith.constant 0 : i32
      %dma_start3A_557 = arith.constant 0 : i32
      %dma_start3A_558 = tpu.memref_slice %arg2[%dma_start3A_556, %dma_start3A_557] : memref<10000x128xf32, #tpu.memory_space<hbm>> -> memref<10000x128xf32, #tpu.memory_space<hbm>>
      tpu.enqueue_indirect_dma source(%dma_start3A_558 : memref<10000x128xf32, #tpu.memory_space<hbm>>) target(%dma_start3A_554 : memref<40x128xf32, #tpu.memory_space<vmem>>) offsets(%dma_start3A_555 : memref<40xi32, #tpu.memory_space<vmem>>) semaphore(%arg11 : memref<!tpu.dma_semaphore, #tpu.memory_space<semaphore_mem>>)
      %mul3A_559 = arith.constant 7 : i32
      %mul3A_560 = arith.muli %scan3A_505, %mul3A_559 : i32
      %add3A_561 = arith.constant 1 : i32
      %add3A_562 = arith.addi %mul3A_560, %add3A_561 : i32
      %mul3A_563 = arith.constant 40 : i32
      %mul3A_564 = arith.muli %add3A_562, %mul3A_563 : i32
      %dma_wait3A_565 = arith.constant 1 : i32
      %dma_wait3A_566 = arith.constant 0 : i32
      %dma_wait3A_567 = arith.constant 0 : i32
      %dma_wait3A_568 = tpu.memref_slice %arg9[%dma_wait3A_565, %dma_wait3A_566, %dma_wait3A_567] : memref<7x40x128xf32, #tpu.memory_space<vmem>> -> memref<1x40x128xf32, #tpu.memory_space<vmem>>
      %dma_wait3A_569 = tpu.memref_squeeze %dma_wait3A_568 : memref<1x40x128xf32, #tpu.memory_space<vmem>> -> memref<40x128xf32, #tpu.memory_space<vmem>>
      %dma_wait3A_570 = tpu.memref_slice %arg7[%mul3A_564] : memref<10000xi32, #tpu.memory_space<vmem>> -> memref<40xi32, #tpu.memory_space<vmem>>
      %dma_wait3A_571 = arith.constant 0 : i32
      %dma_wait3A_572 = arith.constant 0 : i32
      %dma_wait3A_573 = tpu.memref_slice %arg2[%dma_wait3A_571, %dma_wait3A_572] : memref<10000x128xf32, #tpu.memory_space<hbm>> -> memref<10000x128xf32, #tpu.memory_space<hbm>>
      tpu.wait_indirect_dma semaphore(%arg12 : memref<!tpu.dma_semaphore, #tpu.memory_space<semaphore_mem>>) src(%dma_wait3A_573 : memref<10000x128xf32, #tpu.memory_space<hbm>>) dst(%dma_wait3A_569 : memref<40x128xf32, #tpu.memory_space<vmem>>)
      %mul3A_574 = arith.constant 10000 : i32
      %mul3A_575 = arith.muli %add3A, %mul3A_574 : i32
      %mul3A_576 = arith.constant 40 : i32
      %mul3A_577 = arith.muli %add3A_562, %mul3A_576 : i32
      %add3A_578 = arith.addi %mul3A_575, %mul3A_577 : i32
      %dma_wait3A_579 = arith.constant 40 : i32
      %dma_wait3A_580 = tpu.memref_slice %arg8[%dma_wait3A_579] : memref<280xi32, #tpu.memory_space<vmem>> -> memref<40xi32, #tpu.memory_space<vmem>>
      %dma_wait3A_581 = tpu.memref_slice %arg4[%add3A_578] : memref<320000xi32, #tpu.memory_space<hbm>> -> memref<40xi32, #tpu.memory_space<hbm>>
      %dma_wait3A_582 = arith.constant 40 : i32
      %dma_wait3A_583 = tpu.memref_slice %arg8[%dma_wait3A_582] : memref<280xi32, #tpu.memory_space<vmem>> -> memref<40xi32, #tpu.memory_space<vmem>>
      %dma_wait3A_584 = tpu.memref_slice %arg4[%add3A_578] : memref<320000xi32, #tpu.memory_space<hbm>> -> memref<40xi32, #tpu.memory_space<hbm>>
      tpu.wait_dma2 semaphore(%arg19 : memref<!tpu.dma_semaphore, #tpu.memory_space<semaphore_mem>>) src(%dma_wait3A_584 : memref<40xi32, #tpu.memory_space<hbm>>) dst(%dma_wait3A_583 : memref<40xi32, #tpu.memory_space<vmem>>)
      %run_scoped3A_585 = arith.constant 1 : i32
      "tpu.region"() ({
        %run_scoped3A_877 = tpu.sem_alloc : memref<!tpu.dma_semaphore, #tpu.memory_space<semaphore_mem>>
        %dma_start3A_878 = arith.constant 0 : i32
        %dma_start3A_879 = arith.constant 0 : i32
        %dma_start3A_880 = tpu.memref_slice %arg9[%run_scoped3A_585, %dma_start3A_878, %dma_start3A_879] : memref<7x40x128xf32, #tpu.memory_space<vmem>> -> memref<1x40x128xf32, #tpu.memory_space<vmem>>
        %dma_start3A_881 = tpu.memref_squeeze %dma_start3A_880 : memref<1x40x128xf32, #tpu.memory_space<vmem>> -> memref<40x128xf32, #tpu.memory_space<vmem>>
        %dma_start3A_882 = arith.constant 40 : i32
        %dma_start3A_883 = tpu.memref_slice %arg8[%dma_start3A_882] : memref<280xi32, #tpu.memory_space<vmem>> -> memref<40xi32, #tpu.memory_space<vmem>>
        %dma_start3A_884 = arith.constant 0 : i32
        %dma_start3A_885 = arith.constant 0 : i32
        %dma_start3A_886 = tpu.memref_slice %arg10[%dma_start3A_884, %dma_start3A_885] : memref<10000x128xf32, #tpu.memory_space<vmem_shared>> -> memref<10000x128xf32, #tpu.memory_space<vmem_shared>>
        tpu.enqueue_indirect_dma source(%dma_start3A_881 : memref<40x128xf32, #tpu.memory_space<vmem>>) target(%dma_start3A_886 : memref<10000x128xf32, #tpu.memory_space<vmem_shared>>) offsets(%dma_start3A_883 : memref<40xi32, #tpu.memory_space<vmem>>) semaphore(%run_scoped3A_877 : memref<!tpu.dma_semaphore, #tpu.memory_space<semaphore_mem>>) {add = true}
        %dma_wait3A_887 = arith.constant 0 : i32
        %dma_wait3A_888 = arith.constant 0 : i32
        %dma_wait3A_889 = tpu.memref_slice %arg9[%run_scoped3A_585, %dma_wait3A_887, %dma_wait3A_888] : memref<7x40x128xf32, #tpu.memory_space<vmem>> -> memref<1x40x128xf32, #tpu.memory_space<vmem>>
        %dma_wait3A_890 = tpu.memref_squeeze %dma_wait3A_889 : memref<1x40x128xf32, #tpu.memory_space<vmem>> -> memref<40x128xf32, #tpu.memory_space<vmem>>
        %dma_wait3A_891 = arith.constant 40 : i32
        %dma_wait3A_892 = tpu.memref_slice %arg8[%dma_wait3A_891] : memref<280xi32, #tpu.memory_space<vmem>> -> memref<40xi32, #tpu.memory_space<vmem>>
        %dma_wait3A_893 = arith.constant 0 : i32
        %dma_wait3A_894 = arith.constant 0 : i32
        %dma_wait3A_895 = tpu.memref_slice %arg10[%dma_wait3A_893, %dma_wait3A_894] : memref<10000x128xf32, #tpu.memory_space<vmem_shared>> -> memref<10000x128xf32, #tpu.memory_space<vmem_shared>>
        tpu.wait_indirect_dma semaphore(%run_scoped3A_877 : memref<!tpu.dma_semaphore, #tpu.memory_space<semaphore_mem>>) src(%dma_wait3A_890 : memref<40x128xf32, #tpu.memory_space<vmem>>) dst(%dma_wait3A_895 : memref<10000x128xf32, #tpu.memory_space<vmem_shared>>)
        tpu.yield
      }) : () -> ()
      %add3A_586 = arith.constant 7 : i32
      %add3A_587 = arith.addi %add3A_562, %add3A_586 : i32
      %mul3A_588 = arith.constant 10000 : i32
      %mul3A_589 = arith.muli %add3A, %mul3A_588 : i32
      %mul3A_590 = arith.constant 40 : i32
      %mul3A_591 = arith.muli %add3A_587, %mul3A_590 : i32
      %add3A_592 = arith.addi %mul3A_589, %mul3A_591 : i32
      %dma_start3A_593 = arith.constant 40 : i32
      %dma_start3A_594 = tpu.memref_slice %arg8[%dma_start3A_593] : memref<280xi32, #tpu.memory_space<vmem>> -> memref<40xi32, #tpu.memory_space<vmem>>
      %dma_start3A_595 = tpu.memref_slice %arg4[%add3A_592] : memref<320000xi32, #tpu.memory_space<hbm>> -> memref<40xi32, #tpu.memory_space<hbm>>
      %dma_start3A_596 = arith.constant 40 : i32
      %dma_start3A_597 = tpu.memref_slice %arg8[%dma_start3A_596] : memref<280xi32, #tpu.memory_space<vmem>> -> memref<40xi32, #tpu.memory_space<vmem>>
      %dma_start3A_598 = tpu.memref_slice %arg4[%add3A_592] : memref<320000xi32, #tpu.memory_space<hbm>> -> memref<40xi32, #tpu.memory_space<hbm>>
      tpu.enqueue_dma source(%dma_start3A_598 : memref<40xi32, #tpu.memory_space<hbm>>) target(%dma_start3A_597 : memref<40xi32, #tpu.memory_space<vmem>>) target_semaphore(%arg19 : memref<!tpu.dma_semaphore, #tpu.memory_space<semaphore_mem>>)
      %add3A_599 = arith.constant 7 : i32
      %add3A_600 = arith.addi %add3A_562, %add3A_599 : i32
      %mul3A_601 = arith.constant 40 : i32
      %mul3A_602 = arith.muli %add3A_600, %mul3A_601 : i32
      %dma_start3A_603 = arith.constant 1 : i32
      %dma_start3A_604 = arith.constant 0 : i32
      %dma_start3A_605 = arith.constant 0 : i32
      %dma_start3A_606 = tpu.memref_slice %arg9[%dma_start3A_603, %dma_start3A_604, %dma_start3A_605] : memref<7x40x128xf32, #tpu.memory_space<vmem>> -> memref<1x40x128xf32, #tpu.memory_space<vmem>>
      %dma_start3A_607 = tpu.memref_squeeze %dma_start3A_606 : memref<1x40x128xf32, #tpu.memory_space<vmem>> -> memref<40x128xf32, #tpu.memory_space<vmem>>
      %dma_start3A_608 = tpu.memref_slice %arg7[%mul3A_602] : memref<10000xi32, #tpu.memory_space<vmem>> -> memref<40xi32, #tpu.memory_space<vmem>>
      %dma_start3A_609 = arith.constant 0 : i32
      %dma_start3A_610 = arith.constant 0 : i32
      %dma_start3A_611 = tpu.memref_slice %arg2[%dma_start3A_609, %dma_start3A_610] : memref<10000x128xf32, #tpu.memory_space<hbm>> -> memref<10000x128xf32, #tpu.memory_space<hbm>>
      tpu.enqueue_indirect_dma source(%dma_start3A_611 : memref<10000x128xf32, #tpu.memory_space<hbm>>) target(%dma_start3A_607 : memref<40x128xf32, #tpu.memory_space<vmem>>) offsets(%dma_start3A_608 : memref<40xi32, #tpu.memory_space<vmem>>) semaphore(%arg12 : memref<!tpu.dma_semaphore, #tpu.memory_space<semaphore_mem>>)
      %mul3A_612 = arith.constant 7 : i32
      %mul3A_613 = arith.muli %scan3A_505, %mul3A_612 : i32
      %add3A_614 = arith.constant 2 : i32
      %add3A_615 = arith.addi %mul3A_613, %add3A_614 : i32
      %mul3A_616 = arith.constant 40 : i32
      %mul3A_617 = arith.muli %add3A_615, %mul3A_616 : i32
      %dma_wait3A_618 = arith.constant 2 : i32
      %dma_wait3A_619 = arith.constant 0 : i32
      %dma_wait3A_620 = arith.constant 0 : i32
      %dma_wait3A_621 = tpu.memref_slice %arg9[%dma_wait3A_618, %dma_wait3A_619, %dma_wait3A_620] : memref<7x40x128xf32, #tpu.memory_space<vmem>> -> memref<1x40x128xf32, #tpu.memory_space<vmem>>
      %dma_wait3A_622 = tpu.memref_squeeze %dma_wait3A_621 : memref<1x40x128xf32, #tpu.memory_space<vmem>> -> memref<40x128xf32, #tpu.memory_space<vmem>>
      %dma_wait3A_623 = tpu.memref_slice %arg7[%mul3A_617] : memref<10000xi32, #tpu.memory_space<vmem>> -> memref<40xi32, #tpu.memory_space<vmem>>
      %dma_wait3A_624 = arith.constant 0 : i32
      %dma_wait3A_625 = arith.constant 0 : i32
      %dma_wait3A_626 = tpu.memref_slice %arg2[%dma_wait3A_624, %dma_wait3A_625] : memref<10000x128xf32, #tpu.memory_space<hbm>> -> memref<10000x128xf32, #tpu.memory_space<hbm>>
      tpu.wait_indirect_dma semaphore(%arg13 : memref<!tpu.dma_semaphore, #tpu.memory_space<semaphore_mem>>) src(%dma_wait3A_626 : memref<10000x128xf32, #tpu.memory_space<hbm>>) dst(%dma_wait3A_622 : memref<40x128xf32, #tpu.memory_space<vmem>>)
      %mul3A_627 = arith.constant 10000 : i32
      %mul3A_628 = arith.muli %add3A, %mul3A_627 : i32
      %mul3A_629 = arith.constant 40 : i32
      %mul3A_630 = arith.muli %add3A_615, %mul3A_629 : i32
      %add3A_631 = arith.addi %mul3A_628, %mul3A_630 : i32
      %dma_wait3A_632 = arith.constant 80 : i32
      %dma_wait3A_633 = tpu.memref_slice %arg8[%dma_wait3A_632] : memref<280xi32, #tpu.memory_space<vmem>> -> memref<40xi32, #tpu.memory_space<vmem>>
      %dma_wait3A_634 = tpu.memref_slice %arg4[%add3A_631] : memref<320000xi32, #tpu.memory_space<hbm>> -> memref<40xi32, #tpu.memory_space<hbm>>
      %dma_wait3A_635 = arith.constant 80 : i32
      %dma_wait3A_636 = tpu.memref_slice %arg8[%dma_wait3A_635] : memref<280xi32, #tpu.memory_space<vmem>> -> memref<40xi32, #tpu.memory_space<vmem>>
      %dma_wait3A_637 = tpu.memref_slice %arg4[%add3A_631] : memref<320000xi32, #tpu.memory_space<hbm>> -> memref<40xi32, #tpu.memory_space<hbm>>
      tpu.wait_dma2 semaphore(%arg20 : memref<!tpu.dma_semaphore, #tpu.memory_space<semaphore_mem>>) src(%dma_wait3A_637 : memref<40xi32, #tpu.memory_space<hbm>>) dst(%dma_wait3A_636 : memref<40xi32, #tpu.memory_space<vmem>>)
      %run_scoped3A_638 = arith.constant 2 : i32
      "tpu.region"() ({
        %run_scoped3A_877 = tpu.sem_alloc : memref<!tpu.dma_semaphore, #tpu.memory_space<semaphore_mem>>
        %dma_start3A_878 = arith.constant 0 : i32
        %dma_start3A_879 = arith.constant 0 : i32
        %dma_start3A_880 = tpu.memref_slice %arg9[%run_scoped3A_638, %dma_start3A_878, %dma_start3A_879] : memref<7x40x128xf32, #tpu.memory_space<vmem>> -> memref<1x40x128xf32, #tpu.memory_space<vmem>>
        %dma_start3A_881 = tpu.memref_squeeze %dma_start3A_880 : memref<1x40x128xf32, #tpu.memory_space<vmem>> -> memref<40x128xf32, #tpu.memory_space<vmem>>
        %dma_start3A_882 = arith.constant 80 : i32
        %dma_start3A_883 = tpu.memref_slice %arg8[%dma_start3A_882] : memref<280xi32, #tpu.memory_space<vmem>> -> memref<40xi32, #tpu.memory_space<vmem>>
        %dma_start3A_884 = arith.constant 0 : i32
        %dma_start3A_885 = arith.constant 0 : i32
        %dma_start3A_886 = tpu.memref_slice %arg10[%dma_start3A_884, %dma_start3A_885] : memref<10000x128xf32, #tpu.memory_space<vmem_shared>> -> memref<10000x128xf32, #tpu.memory_space<vmem_shared>>
        tpu.enqueue_indirect_dma source(%dma_start3A_881 : memref<40x128xf32, #tpu.memory_space<vmem>>) target(%dma_start3A_886 : memref<10000x128xf32, #tpu.memory_space<vmem_shared>>) offsets(%dma_start3A_883 : memref<40xi32, #tpu.memory_space<vmem>>) semaphore(%run_scoped3A_877 : memref<!tpu.dma_semaphore, #tpu.memory_space<semaphore_mem>>) {add = true}
        %dma_wait3A_887 = arith.constant 0 : i32
        %dma_wait3A_888 = arith.constant 0 : i32
        %dma_wait3A_889 = tpu.memref_slice %arg9[%run_scoped3A_638, %dma_wait3A_887, %dma_wait3A_888] : memref<7x40x128xf32, #tpu.memory_space<vmem>> -> memref<1x40x128xf32, #tpu.memory_space<vmem>>
        %dma_wait3A_890 = tpu.memref_squeeze %dma_wait3A_889 : memref<1x40x128xf32, #tpu.memory_space<vmem>> -> memref<40x128xf32, #tpu.memory_space<vmem>>
        %dma_wait3A_891 = arith.constant 80 : i32
        %dma_wait3A_892 = tpu.memref_slice %arg8[%dma_wait3A_891] : memref<280xi32, #tpu.memory_space<vmem>> -> memref<40xi32, #tpu.memory_space<vmem>>
        %dma_wait3A_893 = arith.constant 0 : i32
        %dma_wait3A_894 = arith.constant 0 : i32
        %dma_wait3A_895 = tpu.memref_slice %arg10[%dma_wait3A_893, %dma_wait3A_894] : memref<10000x128xf32, #tpu.memory_space<vmem_shared>> -> memref<10000x128xf32, #tpu.memory_space<vmem_shared>>
        tpu.wait_indirect_dma semaphore(%run_scoped3A_877 : memref<!tpu.dma_semaphore, #tpu.memory_space<semaphore_mem>>) src(%dma_wait3A_890 : memref<40x128xf32, #tpu.memory_space<vmem>>) dst(%dma_wait3A_895 : memref<10000x128xf32, #tpu.memory_space<vmem_shared>>)
        tpu.yield
      }) : () -> ()
      %add3A_639 = arith.constant 7 : i32
      %add3A_640 = arith.addi %add3A_615, %add3A_639 : i32
      %mul3A_641 = arith.constant 10000 : i32
      %mul3A_642 = arith.muli %add3A, %mul3A_641 : i32
      %mul3A_643 = arith.constant 40 : i32
      %mul3A_644 = arith.muli %add3A_640, %mul3A_643 : i32
      %add3A_645 = arith.addi %mul3A_642, %mul3A_644 : i32
      %dma_start3A_646 = arith.constant 80 : i32
      %dma_start3A_647 = tpu.memref_slice %arg8[%dma_start3A_646] : memref<280xi32, #tpu.memory_space<vmem>> -> memref<40xi32, #tpu.memory_space<vmem>>
      %dma_start3A_648 = tpu.memref_slice %arg4[%add3A_645] : memref<320000xi32, #tpu.memory_space<hbm>> -> memref<40xi32, #tpu.memory_space<hbm>>
      %dma_start3A_649 = arith.constant 80 : i32
      %dma_start3A_650 = tpu.memref_slice %arg8[%dma_start3A_649] : memref<280xi32, #tpu.memory_space<vmem>> -> memref<40xi32, #tpu.memory_space<vmem>>
      %dma_start3A_651 = tpu.memref_slice %arg4[%add3A_645] : memref<320000xi32, #tpu.memory_space<hbm>> -> memref<40xi32, #tpu.memory_space<hbm>>
      tpu.enqueue_dma source(%dma_start3A_651 : memref<40xi32, #tpu.memory_space<hbm>>) target(%dma_start3A_650 : memref<40xi32, #tpu.memory_space<vmem>>) target_semaphore(%arg20 : memref<!tpu.dma_semaphore, #tpu.memory_space<semaphore_mem>>)
      %add3A_652 = arith.constant 7 : i32
      %add3A_653 = arith.addi %add3A_615, %add3A_652 : i32
      %mul3A_654 = arith.constant 40 : i32
      %mul3A_655 = arith.muli %add3A_653, %mul3A_654 : i32
      %dma_start3A_656 = arith.constant 2 : i32
      %dma_start3A_657 = arith.constant 0 : i32
      %dma_start3A_658 = arith.constant 0 : i32
      %dma_start3A_659 = tpu.memref_slice %arg9[%dma_start3A_656, %dma_start3A_657, %dma_start3A_658] : memref<7x40x128xf32, #tpu.memory_space<vmem>> -> memref<1x40x128xf32, #tpu.memory_space<vmem>>
      %dma_start3A_660 = tpu.memref_squeeze %dma_start3A_659 : memref<1x40x128xf32, #tpu.memory_space<vmem>> -> memref<40x128xf32, #tpu.memory_space<vmem>>
      %dma_start3A_661 = tpu.memref_slice %arg7[%mul3A_655] : memref<10000xi32, #tpu.memory_space<vmem>> -> memref<40xi32, #tpu.memory_space<vmem>>
      %dma_start3A_662 = arith.constant 0 : i32
      %dma_start3A_663 = arith.constant 0 : i32
      %dma_start3A_664 = tpu.memref_slice %arg2[%dma_start3A_662, %dma_start3A_663] : memref<10000x128xf32, #tpu.memory_space<hbm>> -> memref<10000x128xf32, #tpu.memory_space<hbm>>
      tpu.enqueue_indirect_dma source(%dma_start3A_664 : memref<10000x128xf32, #tpu.memory_space<hbm>>) target(%dma_start3A_660 : memref<40x128xf32, #tpu.memory_space<vmem>>) offsets(%dma_start3A_661 : memref<40xi32, #tpu.memory_space<vmem>>) semaphore(%arg13 : memref<!tpu.dma_semaphore, #tpu.memory_space<semaphore_mem>>)
      %mul3A_665 = arith.constant 7 : i32
      %mul3A_666 = arith.muli %scan3A_505, %mul3A_665 : i32
      %add3A_667 = arith.constant 3 : i32
      %add3A_668 = arith.addi %mul3A_666, %add3A_667 : i32
      %mul3A_669 = arith.constant 40 : i32
      %mul3A_670 = arith.muli %add3A_668, %mul3A_669 : i32
      %dma_wait3A_671 = arith.constant 3 : i32
      %dma_wait3A_672 = arith.constant 0 : i32
      %dma_wait3A_673 = arith.constant 0 : i32
      %dma_wait3A_674 = tpu.memref_slice %arg9[%dma_wait3A_671, %dma_wait3A_672, %dma_wait3A_673] : memref<7x40x128xf32, #tpu.memory_space<vmem>> -> memref<1x40x128xf32, #tpu.memory_space<vmem>>
      %dma_wait3A_675 = tpu.memref_squeeze %dma_wait3A_674 : memref<1x40x128xf32, #tpu.memory_space<vmem>> -> memref<40x128xf32, #tpu.memory_space<vmem>>
      %dma_wait3A_676 = tpu.memref_slice %arg7[%mul3A_670] : memref<10000xi32, #tpu.memory_space<vmem>> -> memref<40xi32, #tpu.memory_space<vmem>>
      %dma_wait3A_677 = arith.constant 0 : i32
      %dma_wait3A_678 = arith.constant 0 : i32
      %dma_wait3A_679 = tpu.memref_slice %arg2[%dma_wait3A_677, %dma_wait3A_678] : memref<10000x128xf32, #tpu.memory_space<hbm>> -> memref<10000x128xf32, #tpu.memory_space<hbm>>
      tpu.wait_indirect_dma semaphore(%arg14 : memref<!tpu.dma_semaphore, #tpu.memory_space<semaphore_mem>>) src(%dma_wait3A_679 : memref<10000x128xf32, #tpu.memory_space<hbm>>) dst(%dma_wait3A_675 : memref<40x128xf32, #tpu.memory_space<vmem>>)
      %mul3A_680 = arith.constant 10000 : i32
      %mul3A_681 = arith.muli %add3A, %mul3A_680 : i32
      %mul3A_682 = arith.constant 40 : i32
      %mul3A_683 = arith.muli %add3A_668, %mul3A_682 : i32
      %add3A_684 = arith.addi %mul3A_681, %mul3A_683 : i32
      %dma_wait3A_685 = arith.constant 120 : i32
      %dma_wait3A_686 = tpu.memref_slice %arg8[%dma_wait3A_685] : memref<280xi32, #tpu.memory_space<vmem>> -> memref<40xi32, #tpu.memory_space<vmem>>
      %dma_wait3A_687 = tpu.memref_slice %arg4[%add3A_684] : memref<320000xi32, #tpu.memory_space<hbm>> -> memref<40xi32, #tpu.memory_space<hbm>>
      %dma_wait3A_688 = arith.constant 120 : i32
      %dma_wait3A_689 = tpu.memref_slice %arg8[%dma_wait3A_688] : memref<280xi32, #tpu.memory_space<vmem>> -> memref<40xi32, #tpu.memory_space<vmem>>
      %dma_wait3A_690 = tpu.memref_slice %arg4[%add3A_684] : memref<320000xi32, #tpu.memory_space<hbm>> -> memref<40xi32, #tpu.memory_space<hbm>>
      tpu.wait_dma2 semaphore(%arg21 : memref<!tpu.dma_semaphore, #tpu.memory_space<semaphore_mem>>) src(%dma_wait3A_690 : memref<40xi32, #tpu.memory_space<hbm>>) dst(%dma_wait3A_689 : memref<40xi32, #tpu.memory_space<vmem>>)
      %run_scoped3A_691 = arith.constant 3 : i32
      "tpu.region"() ({
        %run_scoped3A_877 = tpu.sem_alloc : memref<!tpu.dma_semaphore, #tpu.memory_space<semaphore_mem>>
        %dma_start3A_878 = arith.constant 0 : i32
        %dma_start3A_879 = arith.constant 0 : i32
        %dma_start3A_880 = tpu.memref_slice %arg9[%run_scoped3A_691, %dma_start3A_878, %dma_start3A_879] : memref<7x40x128xf32, #tpu.memory_space<vmem>> -> memref<1x40x128xf32, #tpu.memory_space<vmem>>
        %dma_start3A_881 = tpu.memref_squeeze %dma_start3A_880 : memref<1x40x128xf32, #tpu.memory_space<vmem>> -> memref<40x128xf32, #tpu.memory_space<vmem>>
        %dma_start3A_882 = arith.constant 120 : i32
        %dma_start3A_883 = tpu.memref_slice %arg8[%dma_start3A_882] : memref<280xi32, #tpu.memory_space<vmem>> -> memref<40xi32, #tpu.memory_space<vmem>>
        %dma_start3A_884 = arith.constant 0 : i32
        %dma_start3A_885 = arith.constant 0 : i32
        %dma_start3A_886 = tpu.memref_slice %arg10[%dma_start3A_884, %dma_start3A_885] : memref<10000x128xf32, #tpu.memory_space<vmem_shared>> -> memref<10000x128xf32, #tpu.memory_space<vmem_shared>>
        tpu.enqueue_indirect_dma source(%dma_start3A_881 : memref<40x128xf32, #tpu.memory_space<vmem>>) target(%dma_start3A_886 : memref<10000x128xf32, #tpu.memory_space<vmem_shared>>) offsets(%dma_start3A_883 : memref<40xi32, #tpu.memory_space<vmem>>) semaphore(%run_scoped3A_877 : memref<!tpu.dma_semaphore, #tpu.memory_space<semaphore_mem>>) {add = true}
        %dma_wait3A_887 = arith.constant 0 : i32
        %dma_wait3A_888 = arith.constant 0 : i32
        %dma_wait3A_889 = tpu.memref_slice %arg9[%run_scoped3A_691, %dma_wait3A_887, %dma_wait3A_888] : memref<7x40x128xf32, #tpu.memory_space<vmem>> -> memref<1x40x128xf32, #tpu.memory_space<vmem>>
        %dma_wait3A_890 = tpu.memref_squeeze %dma_wait3A_889 : memref<1x40x128xf32, #tpu.memory_space<vmem>> -> memref<40x128xf32, #tpu.memory_space<vmem>>
        %dma_wait3A_891 = arith.constant 120 : i32
        %dma_wait3A_892 = tpu.memref_slice %arg8[%dma_wait3A_891] : memref<280xi32, #tpu.memory_space<vmem>> -> memref<40xi32, #tpu.memory_space<vmem>>
        %dma_wait3A_893 = arith.constant 0 : i32
        %dma_wait3A_894 = arith.constant 0 : i32
        %dma_wait3A_895 = tpu.memref_slice %arg10[%dma_wait3A_893, %dma_wait3A_894] : memref<10000x128xf32, #tpu.memory_space<vmem_shared>> -> memref<10000x128xf32, #tpu.memory_space<vmem_shared>>
        tpu.wait_indirect_dma semaphore(%run_scoped3A_877 : memref<!tpu.dma_semaphore, #tpu.memory_space<semaphore_mem>>) src(%dma_wait3A_890 : memref<40x128xf32, #tpu.memory_space<vmem>>) dst(%dma_wait3A_895 : memref<10000x128xf32, #tpu.memory_space<vmem_shared>>)
        tpu.yield
      }) : () -> ()
      %add3A_692 = arith.constant 7 : i32
      %add3A_693 = arith.addi %add3A_668, %add3A_692 : i32
      %mul3A_694 = arith.constant 10000 : i32
      %mul3A_695 = arith.muli %add3A, %mul3A_694 : i32
      %mul3A_696 = arith.constant 40 : i32
      %mul3A_697 = arith.muli %add3A_693, %mul3A_696 : i32
      %add3A_698 = arith.addi %mul3A_695, %mul3A_697 : i32
      %dma_start3A_699 = arith.constant 120 : i32
      %dma_start3A_700 = tpu.memref_slice %arg8[%dma_start3A_699] : memref<280xi32, #tpu.memory_space<vmem>> -> memref<40xi32, #tpu.memory_space<vmem>>
      %dma_start3A_701 = tpu.memref_slice %arg4[%add3A_698] : memref<320000xi32, #tpu.memory_space<hbm>> -> memref<40xi32, #tpu.memory_space<hbm>>
      %dma_start3A_702 = arith.constant 120 : i32
      %dma_start3A_703 = tpu.memref_slice %arg8[%dma_start3A_702] : memref<280xi32, #tpu.memory_space<vmem>> -> memref<40xi32, #tpu.memory_space<vmem>>
      %dma_start3A_704 = tpu.memref_slice %arg4[%add3A_698] : memref<320000xi32, #tpu.memory_space<hbm>> -> memref<40xi32, #tpu.memory_space<hbm>>
      tpu.enqueue_dma source(%dma_start3A_704 : memref<40xi32, #tpu.memory_space<hbm>>) target(%dma_start3A_703 : memref<40xi32, #tpu.memory_space<vmem>>) target_semaphore(%arg21 : memref<!tpu.dma_semaphore, #tpu.memory_space<semaphore_mem>>)
      %add3A_705 = arith.constant 7 : i32
      %add3A_706 = arith.addi %add3A_668, %add3A_705 : i32
      %mul3A_707 = arith.constant 40 : i32
      %mul3A_708 = arith.muli %add3A_706, %mul3A_707 : i32
      %dma_start3A_709 = arith.constant 3 : i32
      %dma_start3A_710 = arith.constant 0 : i32
      %dma_start3A_711 = arith.constant 0 : i32
      %dma_start3A_712 = tpu.memref_slice %arg9[%dma_start3A_709, %dma_start3A_710, %dma_start3A_711] : memref<7x40x128xf32, #tpu.memory_space<vmem>> -> memref<1x40x128xf32, #tpu.memory_space<vmem>>
      %dma_start3A_713 = tpu.memref_squeeze %dma_start3A_712 : memref<1x40x128xf32, #tpu.memory_space<vmem>> -> memref<40x128xf32, #tpu.memory_space<vmem>>
      %dma_start3A_714 = tpu.memref_slice %arg7[%mul3A_708] : memref<10000xi32, #tpu.memory_space<vmem>> -> memref<40xi32, #tpu.memory_space<vmem>>
      %dma_start3A_715 = arith.constant 0 : i32
      %dma_start3A_716 = arith.constant 0 : i32
      %dma_start3A_717 = tpu.memref_slice %arg2[%dma_start3A_715, %dma_start3A_716] : memref<10000x128xf32, #tpu.memory_space<hbm>> -> memref<10000x128xf32, #tpu.memory_space<hbm>>
      tpu.enqueue_indirect_dma source(%dma_start3A_717 : memref<10000x128xf32, #tpu.memory_space<hbm>>) target(%dma_start3A_713 : memref<40x128xf32, #tpu.memory_space<vmem>>) offsets(%dma_start3A_714 : memref<40xi32, #tpu.memory_space<vmem>>) semaphore(%arg14 : memref<!tpu.dma_semaphore, #tpu.memory_space<semaphore_mem>>)
      %mul3A_718 = arith.constant 7 : i32
      %mul3A_719 = arith.muli %scan3A_505, %mul3A_718 : i32
      %add3A_720 = arith.constant 4 : i32
      %add3A_721 = arith.addi %mul3A_719, %add3A_720 : i32
      %mul3A_722 = arith.constant 40 : i32
      %mul3A_723 = arith.muli %add3A_721, %mul3A_722 : i32
      %dma_wait3A_724 = arith.constant 4 : i32
      %dma_wait3A_725 = arith.constant 0 : i32
      %dma_wait3A_726 = arith.constant 0 : i32
      %dma_wait3A_727 = tpu.memref_slice %arg9[%dma_wait3A_724, %dma_wait3A_725, %dma_wait3A_726] : memref<7x40x128xf32, #tpu.memory_space<vmem>> -> memref<1x40x128xf32, #tpu.memory_space<vmem>>
      %dma_wait3A_728 = tpu.memref_squeeze %dma_wait3A_727 : memref<1x40x128xf32, #tpu.memory_space<vmem>> -> memref<40x128xf32, #tpu.memory_space<vmem>>
      %dma_wait3A_729 = tpu.memref_slice %arg7[%mul3A_723] : memref<10000xi32, #tpu.memory_space<vmem>> -> memref<40xi32, #tpu.memory_space<vmem>>
      %dma_wait3A_730 = arith.constant 0 : i32
      %dma_wait3A_731 = arith.constant 0 : i32
      %dma_wait3A_732 = tpu.memref_slice %arg2[%dma_wait3A_730, %dma_wait3A_731] : memref<10000x128xf32, #tpu.memory_space<hbm>> -> memref<10000x128xf32, #tpu.memory_space<hbm>>
      tpu.wait_indirect_dma semaphore(%arg15 : memref<!tpu.dma_semaphore, #tpu.memory_space<semaphore_mem>>) src(%dma_wait3A_732 : memref<10000x128xf32, #tpu.memory_space<hbm>>) dst(%dma_wait3A_728 : memref<40x128xf32, #tpu.memory_space<vmem>>)
      %mul3A_733 = arith.constant 10000 : i32
      %mul3A_734 = arith.muli %add3A, %mul3A_733 : i32
      %mul3A_735 = arith.constant 40 : i32
      %mul3A_736 = arith.muli %add3A_721, %mul3A_735 : i32
      %add3A_737 = arith.addi %mul3A_734, %mul3A_736 : i32
      %dma_wait3A_738 = arith.constant 160 : i32
      %dma_wait3A_739 = tpu.memref_slice %arg8[%dma_wait3A_738] : memref<280xi32, #tpu.memory_space<vmem>> -> memref<40xi32, #tpu.memory_space<vmem>>
      %dma_wait3A_740 = tpu.memref_slice %arg4[%add3A_737] : memref<320000xi32, #tpu.memory_space<hbm>> -> memref<40xi32, #tpu.memory_space<hbm>>
      %dma_wait3A_741 = arith.constant 160 : i32
      %dma_wait3A_742 = tpu.memref_slice %arg8[%dma_wait3A_741] : memref<280xi32, #tpu.memory_space<vmem>> -> memref<40xi32, #tpu.memory_space<vmem>>
      %dma_wait3A_743 = tpu.memref_slice %arg4[%add3A_737] : memref<320000xi32, #tpu.memory_space<hbm>> -> memref<40xi32, #tpu.memory_space<hbm>>
      tpu.wait_dma2 semaphore(%arg22 : memref<!tpu.dma_semaphore, #tpu.memory_space<semaphore_mem>>) src(%dma_wait3A_743 : memref<40xi32, #tpu.memory_space<hbm>>) dst(%dma_wait3A_742 : memref<40xi32, #tpu.memory_space<vmem>>)
      %run_scoped3A_744 = arith.constant 4 : i32
      "tpu.region"() ({
        %run_scoped3A_877 = tpu.sem_alloc : memref<!tpu.dma_semaphore, #tpu.memory_space<semaphore_mem>>
        %dma_start3A_878 = arith.constant 0 : i32
        %dma_start3A_879 = arith.constant 0 : i32
        %dma_start3A_880 = tpu.memref_slice %arg9[%run_scoped3A_744, %dma_start3A_878, %dma_start3A_879] : memref<7x40x128xf32, #tpu.memory_space<vmem>> -> memref<1x40x128xf32, #tpu.memory_space<vmem>>
        %dma_start3A_881 = tpu.memref_squeeze %dma_start3A_880 : memref<1x40x128xf32, #tpu.memory_space<vmem>> -> memref<40x128xf32, #tpu.memory_space<vmem>>
        %dma_start3A_882 = arith.constant 160 : i32
        %dma_start3A_883 = tpu.memref_slice %arg8[%dma_start3A_882] : memref<280xi32, #tpu.memory_space<vmem>> -> memref<40xi32, #tpu.memory_space<vmem>>
        %dma_start3A_884 = arith.constant 0 : i32
        %dma_start3A_885 = arith.constant 0 : i32
        %dma_start3A_886 = tpu.memref_slice %arg10[%dma_start3A_884, %dma_start3A_885] : memref<10000x128xf32, #tpu.memory_space<vmem_shared>> -> memref<10000x128xf32, #tpu.memory_space<vmem_shared>>
        tpu.enqueue_indirect_dma source(%dma_start3A_881 : memref<40x128xf32, #tpu.memory_space<vmem>>) target(%dma_start3A_886 : memref<10000x128xf32, #tpu.memory_space<vmem_shared>>) offsets(%dma_start3A_883 : memref<40xi32, #tpu.memory_space<vmem>>) semaphore(%run_scoped3A_877 : memref<!tpu.dma_semaphore, #tpu.memory_space<semaphore_mem>>) {add = true}
        %dma_wait3A_887 = arith.constant 0 : i32
        %dma_wait3A_888 = arith.constant 0 : i32
        %dma_wait3A_889 = tpu.memref_slice %arg9[%run_scoped3A_744, %dma_wait3A_887, %dma_wait3A_888] : memref<7x40x128xf32, #tpu.memory_space<vmem>> -> memref<1x40x128xf32, #tpu.memory_space<vmem>>
        %dma_wait3A_890 = tpu.memref_squeeze %dma_wait3A_889 : memref<1x40x128xf32, #tpu.memory_space<vmem>> -> memref<40x128xf32, #tpu.memory_space<vmem>>
        %dma_wait3A_891 = arith.constant 160 : i32
        %dma_wait3A_892 = tpu.memref_slice %arg8[%dma_wait3A_891] : memref<280xi32, #tpu.memory_space<vmem>> -> memref<40xi32, #tpu.memory_space<vmem>>
        %dma_wait3A_893 = arith.constant 0 : i32
        %dma_wait3A_894 = arith.constant 0 : i32
        %dma_wait3A_895 = tpu.memref_slice %arg10[%dma_wait3A_893, %dma_wait3A_894] : memref<10000x128xf32, #tpu.memory_space<vmem_shared>> -> memref<10000x128xf32, #tpu.memory_space<vmem_shared>>
        tpu.wait_indirect_dma semaphore(%run_scoped3A_877 : memref<!tpu.dma_semaphore, #tpu.memory_space<semaphore_mem>>) src(%dma_wait3A_890 : memref<40x128xf32, #tpu.memory_space<vmem>>) dst(%dma_wait3A_895 : memref<10000x128xf32, #tpu.memory_space<vmem_shared>>)
        tpu.yield
      }) : () -> ()
      %add3A_745 = arith.constant 7 : i32
      %add3A_746 = arith.addi %add3A_721, %add3A_745 : i32
      %mul3A_747 = arith.constant 10000 : i32
      %mul3A_748 = arith.muli %add3A, %mul3A_747 : i32
      %mul3A_749 = arith.constant 40 : i32
      %mul3A_750 = arith.muli %add3A_746, %mul3A_749 : i32
      %add3A_751 = arith.addi %mul3A_748, %mul3A_750 : i32
      %dma_start3A_752 = arith.constant 160 : i32
      %dma_start3A_753 = tpu.memref_slice %arg8[%dma_start3A_752] : memref<280xi32, #tpu.memory_space<vmem>> -> memref<40xi32, #tpu.memory_space<vmem>>
      %dma_start3A_754 = tpu.memref_slice %arg4[%add3A_751] : memref<320000xi32, #tpu.memory_space<hbm>> -> memref<40xi32, #tpu.memory_space<hbm>>
      %dma_start3A_755 = arith.constant 160 : i32
      %dma_start3A_756 = tpu.memref_slice %arg8[%dma_start3A_755] : memref<280xi32, #tpu.memory_space<vmem>> -> memref<40xi32, #tpu.memory_space<vmem>>
      %dma_start3A_757 = tpu.memref_slice %arg4[%add3A_751] : memref<320000xi32, #tpu.memory_space<hbm>> -> memref<40xi32, #tpu.memory_space<hbm>>
      tpu.enqueue_dma source(%dma_start3A_757 : memref<40xi32, #tpu.memory_space<hbm>>) target(%dma_start3A_756 : memref<40xi32, #tpu.memory_space<vmem>>) target_semaphore(%arg22 : memref<!tpu.dma_semaphore, #tpu.memory_space<semaphore_mem>>)
      %add3A_758 = arith.constant 7 : i32
      %add3A_759 = arith.addi %add3A_721, %add3A_758 : i32
      %mul3A_760 = arith.constant 40 : i32
      %mul3A_761 = arith.muli %add3A_759, %mul3A_760 : i32
      %dma_start3A_762 = arith.constant 4 : i32
      %dma_start3A_763 = arith.constant 0 : i32
      %dma_start3A_764 = arith.constant 0 : i32
      %dma_start3A_765 = tpu.memref_slice %arg9[%dma_start3A_762, %dma_start3A_763, %dma_start3A_764] : memref<7x40x128xf32, #tpu.memory_space<vmem>> -> memref<1x40x128xf32, #tpu.memory_space<vmem>>
      %dma_start3A_766 = tpu.memref_squeeze %dma_start3A_765 : memref<1x40x128xf32, #tpu.memory_space<vmem>> -> memref<40x128xf32, #tpu.memory_space<vmem>>
      %dma_start3A_767 = tpu.memref_slice %arg7[%mul3A_761] : memref<10000xi32, #tpu.memory_space<vmem>> -> memref<40xi32, #tpu.memory_space<vmem>>
      %dma_start3A_768 = arith.constant 0 : i32
      %dma_start3A_769 = arith.constant 0 : i32
      %dma_start3A_770 = tpu.memref_slice %arg2[%dma_start3A_768, %dma_start3A_769] : memref<10000x128xf32, #tpu.memory_space<hbm>> -> memref<10000x128xf32, #tpu.memory_space<hbm>>
      tpu.enqueue_indirect_dma source(%dma_start3A_770 : memref<10000x128xf32, #tpu.memory_space<hbm>>) target(%dma_start3A_766 : memref<40x128xf32, #tpu.memory_space<vmem>>) offsets(%dma_start3A_767 : memref<40xi32, #tpu.memory_space<vmem>>) semaphore(%arg15 : memref<!tpu.dma_semaphore, #tpu.memory_space<semaphore_mem>>)
      %mul3A_771 = arith.constant 7 : i32
      %mul3A_772 = arith.muli %scan3A_505, %mul3A_771 : i32
      %add3A_773 = arith.constant 5 : i32
      %add3A_774 = arith.addi %mul3A_772, %add3A_773 : i32
      %mul3A_775 = arith.constant 40 : i32
      %mul3A_776 = arith.muli %add3A_774, %mul3A_775 : i32
      %dma_wait3A_777 = arith.constant 5 : i32
      %dma_wait3A_778 = arith.constant 0 : i32
      %dma_wait3A_779 = arith.constant 0 : i32
      %dma_wait3A_780 = tpu.memref_slice %arg9[%dma_wait3A_777, %dma_wait3A_778, %dma_wait3A_779] : memref<7x40x128xf32, #tpu.memory_space<vmem>> -> memref<1x40x128xf32, #tpu.memory_space<vmem>>
      %dma_wait3A_781 = tpu.memref_squeeze %dma_wait3A_780 : memref<1x40x128xf32, #tpu.memory_space<vmem>> -> memref<40x128xf32, #tpu.memory_space<vmem>>
      %dma_wait3A_782 = tpu.memref_slice %arg7[%mul3A_776] : memref<10000xi32, #tpu.memory_space<vmem>> -> memref<40xi32, #tpu.memory_space<vmem>>
      %dma_wait3A_783 = arith.constant 0 : i32
      %dma_wait3A_784 = arith.constant 0 : i32
      %dma_wait3A_785 = tpu.memref_slice %arg2[%dma_wait3A_783, %dma_wait3A_784] : memref<10000x128xf32, #tpu.memory_space<hbm>> -> memref<10000x128xf32, #tpu.memory_space<hbm>>
      tpu.wait_indirect_dma semaphore(%arg16 : memref<!tpu.dma_semaphore, #tpu.memory_space<semaphore_mem>>) src(%dma_wait3A_785 : memref<10000x128xf32, #tpu.memory_space<hbm>>) dst(%dma_wait3A_781 : memref<40x128xf32, #tpu.memory_space<vmem>>)
      %mul3A_786 = arith.constant 10000 : i32
      %mul3A_787 = arith.muli %add3A, %mul3A_786 : i32
      %mul3A_788 = arith.constant 40 : i32
      %mul3A_789 = arith.muli %add3A_774, %mul3A_788 : i32
      %add3A_790 = arith.addi %mul3A_787, %mul3A_789 : i32
      %dma_wait3A_791 = arith.constant 200 : i32
      %dma_wait3A_792 = tpu.memref_slice %arg8[%dma_wait3A_791] : memref<280xi32, #tpu.memory_space<vmem>> -> memref<40xi32, #tpu.memory_space<vmem>>
      %dma_wait3A_793 = tpu.memref_slice %arg4[%add3A_790] : memref<320000xi32, #tpu.memory_space<hbm>> -> memref<40xi32, #tpu.memory_space<hbm>>
      %dma_wait3A_794 = arith.constant 200 : i32
      %dma_wait3A_795 = tpu.memref_slice %arg8[%dma_wait3A_794] : memref<280xi32, #tpu.memory_space<vmem>> -> memref<40xi32, #tpu.memory_space<vmem>>
      %dma_wait3A_796 = tpu.memref_slice %arg4[%add3A_790] : memref<320000xi32, #tpu.memory_space<hbm>> -> memref<40xi32, #tpu.memory_space<hbm>>
      tpu.wait_dma2 semaphore(%arg23 : memref<!tpu.dma_semaphore, #tpu.memory_space<semaphore_mem>>) src(%dma_wait3A_796 : memref<40xi32, #tpu.memory_space<hbm>>) dst(%dma_wait3A_795 : memref<40xi32, #tpu.memory_space<vmem>>)
      %run_scoped3A_797 = arith.constant 5 : i32
      "tpu.region"() ({
        %run_scoped3A_877 = tpu.sem_alloc : memref<!tpu.dma_semaphore, #tpu.memory_space<semaphore_mem>>
        %dma_start3A_878 = arith.constant 0 : i32
        %dma_start3A_879 = arith.constant 0 : i32
        %dma_start3A_880 = tpu.memref_slice %arg9[%run_scoped3A_797, %dma_start3A_878, %dma_start3A_879] : memref<7x40x128xf32, #tpu.memory_space<vmem>> -> memref<1x40x128xf32, #tpu.memory_space<vmem>>
        %dma_start3A_881 = tpu.memref_squeeze %dma_start3A_880 : memref<1x40x128xf32, #tpu.memory_space<vmem>> -> memref<40x128xf32, #tpu.memory_space<vmem>>
        %dma_start3A_882 = arith.constant 200 : i32
        %dma_start3A_883 = tpu.memref_slice %arg8[%dma_start3A_882] : memref<280xi32, #tpu.memory_space<vmem>> -> memref<40xi32, #tpu.memory_space<vmem>>
        %dma_start3A_884 = arith.constant 0 : i32
        %dma_start3A_885 = arith.constant 0 : i32
        %dma_start3A_886 = tpu.memref_slice %arg10[%dma_start3A_884, %dma_start3A_885] : memref<10000x128xf32, #tpu.memory_space<vmem_shared>> -> memref<10000x128xf32, #tpu.memory_space<vmem_shared>>
        tpu.enqueue_indirect_dma source(%dma_start3A_881 : memref<40x128xf32, #tpu.memory_space<vmem>>) target(%dma_start3A_886 : memref<10000x128xf32, #tpu.memory_space<vmem_shared>>) offsets(%dma_start3A_883 : memref<40xi32, #tpu.memory_space<vmem>>) semaphore(%run_scoped3A_877 : memref<!tpu.dma_semaphore, #tpu.memory_space<semaphore_mem>>) {add = true}
        %dma_wait3A_887 = arith.constant 0 : i32
        %dma_wait3A_888 = arith.constant 0 : i32
        %dma_wait3A_889 = tpu.memref_slice %arg9[%run_scoped3A_797, %dma_wait3A_887, %dma_wait3A_888] : memref<7x40x128xf32, #tpu.memory_space<vmem>> -> memref<1x40x128xf32, #tpu.memory_space<vmem>>
        %dma_wait3A_890 = tpu.memref_squeeze %dma_wait3A_889 : memref<1x40x128xf32, #tpu.memory_space<vmem>> -> memref<40x128xf32, #tpu.memory_space<vmem>>
        %dma_wait3A_891 = arith.constant 200 : i32
        %dma_wait3A_892 = tpu.memref_slice %arg8[%dma_wait3A_891] : memref<280xi32, #tpu.memory_space<vmem>> -> memref<40xi32, #tpu.memory_space<vmem>>
        %dma_wait3A_893 = arith.constant 0 : i32
        %dma_wait3A_894 = arith.constant 0 : i32
        %dma_wait3A_895 = tpu.memref_slice %arg10[%dma_wait3A_893, %dma_wait3A_894] : memref<10000x128xf32, #tpu.memory_space<vmem_shared>> -> memref<10000x128xf32, #tpu.memory_space<vmem_shared>>
        tpu.wait_indirect_dma semaphore(%run_scoped3A_877 : memref<!tpu.dma_semaphore, #tpu.memory_space<semaphore_mem>>) src(%dma_wait3A_890 : memref<40x128xf32, #tpu.memory_space<vmem>>) dst(%dma_wait3A_895 : memref<10000x128xf32, #tpu.memory_space<vmem_shared>>)
        tpu.yield
      }) : () -> ()
      %add3A_798 = arith.constant 7 : i32
      %add3A_799 = arith.addi %add3A_774, %add3A_798 : i32
      %mul3A_800 = arith.constant 10000 : i32
      %mul3A_801 = arith.muli %add3A, %mul3A_800 : i32
      %mul3A_802 = arith.constant 40 : i32
      %mul3A_803 = arith.muli %add3A_799, %mul3A_802 : i32
      %add3A_804 = arith.addi %mul3A_801, %mul3A_803 : i32
      %dma_start3A_805 = arith.constant 200 : i32
      %dma_start3A_806 = tpu.memref_slice %arg8[%dma_start3A_805] : memref<280xi32, #tpu.memory_space<vmem>> -> memref<40xi32, #tpu.memory_space<vmem>>
      %dma_start3A_807 = tpu.memref_slice %arg4[%add3A_804] : memref<320000xi32, #tpu.memory_space<hbm>> -> memref<40xi32, #tpu.memory_space<hbm>>
      %dma_start3A_808 = arith.constant 200 : i32
      %dma_start3A_809 = tpu.memref_slice %arg8[%dma_start3A_808] : memref<280xi32, #tpu.memory_space<vmem>> -> memref<40xi32, #tpu.memory_space<vmem>>
      %dma_start3A_810 = tpu.memref_slice %arg4[%add3A_804] : memref<320000xi32, #tpu.memory_space<hbm>> -> memref<40xi32, #tpu.memory_space<hbm>>
      tpu.enqueue_dma source(%dma_start3A_810 : memref<40xi32, #tpu.memory_space<hbm>>) target(%dma_start3A_809 : memref<40xi32, #tpu.memory_space<vmem>>) target_semaphore(%arg23 : memref<!tpu.dma_semaphore, #tpu.memory_space<semaphore_mem>>)
      %add3A_811 = arith.constant 7 : i32
      %add3A_812 = arith.addi %add3A_774, %add3A_811 : i32
      %mul3A_813 = arith.constant 40 : i32
      %mul3A_814 = arith.muli %add3A_812, %mul3A_813 : i32
      %dma_start3A_815 = arith.constant 5 : i32
      %dma_start3A_816 = arith.constant 0 : i32
      %dma_start3A_817 = arith.constant 0 : i32
      %dma_start3A_818 = tpu.memref_slice %arg9[%dma_start3A_815, %dma_start3A_816, %dma_start3A_817] : memref<7x40x128xf32, #tpu.memory_space<vmem>> -> memref<1x40x128xf32, #tpu.memory_space<vmem>>
      %dma_start3A_819 = tpu.memref_squeeze %dma_start3A_818 : memref<1x40x128xf32, #tpu.memory_space<vmem>> -> memref<40x128xf32, #tpu.memory_space<vmem>>
      %dma_start3A_820 = tpu.memref_slice %arg7[%mul3A_814] : memref<10000xi32, #tpu.memory_space<vmem>> -> memref<40xi32, #tpu.memory_space<vmem>>
      %dma_start3A_821 = arith.constant 0 : i32
      %dma_start3A_822 = arith.constant 0 : i32
      %dma_start3A_823 = tpu.memref_slice %arg2[%dma_start3A_821, %dma_start3A_822] : memref<10000x128xf32, #tpu.memory_space<hbm>> -> memref<10000x128xf32, #tpu.memory_space<hbm>>
      tpu.enqueue_indirect_dma source(%dma_start3A_823 : memref<10000x128xf32, #tpu.memory_space<hbm>>) target(%dma_start3A_819 : memref<40x128xf32, #tpu.memory_space<vmem>>) offsets(%dma_start3A_820 : memref<40xi32, #tpu.memory_space<vmem>>) semaphore(%arg16 : memref<!tpu.dma_semaphore, #tpu.memory_space<semaphore_mem>>)
      %mul3A_824 = arith.constant 7 : i32
      %mul3A_825 = arith.muli %scan3A_505, %mul3A_824 : i32
      %add3A_826 = arith.constant 6 : i32
      %add3A_827 = arith.addi %mul3A_825, %add3A_826 : i32
      %mul3A_828 = arith.constant 40 : i32
      %mul3A_829 = arith.muli %add3A_827, %mul3A_828 : i32
      %dma_wait3A_830 = arith.constant 6 : i32
      %dma_wait3A_831 = arith.constant 0 : i32
      %dma_wait3A_832 = arith.constant 0 : i32
      %dma_wait3A_833 = tpu.memref_slice %arg9[%dma_wait3A_830, %dma_wait3A_831, %dma_wait3A_832] : memref<7x40x128xf32, #tpu.memory_space<vmem>> -> memref<1x40x128xf32, #tpu.memory_space<vmem>>
      %dma_wait3A_834 = tpu.memref_squeeze %dma_wait3A_833 : memref<1x40x128xf32, #tpu.memory_space<vmem>> -> memref<40x128xf32, #tpu.memory_space<vmem>>
      %dma_wait3A_835 = tpu.memref_slice %arg7[%mul3A_829] : memref<10000xi32, #tpu.memory_space<vmem>> -> memref<40xi32, #tpu.memory_space<vmem>>
      %dma_wait3A_836 = arith.constant 0 : i32
      %dma_wait3A_837 = arith.constant 0 : i32
      %dma_wait3A_838 = tpu.memref_slice %arg2[%dma_wait3A_836, %dma_wait3A_837] : memref<10000x128xf32, #tpu.memory_space<hbm>> -> memref<10000x128xf32, #tpu.memory_space<hbm>>
      tpu.wait_indirect_dma semaphore(%arg17 : memref<!tpu.dma_semaphore, #tpu.memory_space<semaphore_mem>>) src(%dma_wait3A_838 : memref<10000x128xf32, #tpu.memory_space<hbm>>) dst(%dma_wait3A_834 : memref<40x128xf32, #tpu.memory_space<vmem>>)
      %mul3A_839 = arith.constant 10000 : i32
      %mul3A_840 = arith.muli %add3A, %mul3A_839 : i32
      %mul3A_841 = arith.constant 40 : i32
      %mul3A_842 = arith.muli %add3A_827, %mul3A_841 : i32
      %add3A_843 = arith.addi %mul3A_840, %mul3A_842 : i32
      %dma_wait3A_844 = arith.constant 240 : i32
      %dma_wait3A_845 = tpu.memref_slice %arg8[%dma_wait3A_844] : memref<280xi32, #tpu.memory_space<vmem>> -> memref<40xi32, #tpu.memory_space<vmem>>
      %dma_wait3A_846 = tpu.memref_slice %arg4[%add3A_843] : memref<320000xi32, #tpu.memory_space<hbm>> -> memref<40xi32, #tpu.memory_space<hbm>>
      %dma_wait3A_847 = arith.constant 240 : i32
      %dma_wait3A_848 = tpu.memref_slice %arg8[%dma_wait3A_847] : memref<280xi32, #tpu.memory_space<vmem>> -> memref<40xi32, #tpu.memory_space<vmem>>
      %dma_wait3A_849 = tpu.memref_slice %arg4[%add3A_843] : memref<320000xi32, #tpu.memory_space<hbm>> -> memref<40xi32, #tpu.memory_space<hbm>>
      tpu.wait_dma2 semaphore(%arg24 : memref<!tpu.dma_semaphore, #tpu.memory_space<semaphore_mem>>) src(%dma_wait3A_849 : memref<40xi32, #tpu.memory_space<hbm>>) dst(%dma_wait3A_848 : memref<40xi32, #tpu.memory_space<vmem>>)
      %run_scoped3A_850 = arith.constant 6 : i32
      "tpu.region"() ({
        %run_scoped3A_877 = tpu.sem_alloc : memref<!tpu.dma_semaphore, #tpu.memory_space<semaphore_mem>>
        %dma_start3A_878 = arith.constant 0 : i32
        %dma_start3A_879 = arith.constant 0 : i32
        %dma_start3A_880 = tpu.memref_slice %arg9[%run_scoped3A_850, %dma_start3A_878, %dma_start3A_879] : memref<7x40x128xf32, #tpu.memory_space<vmem>> -> memref<1x40x128xf32, #tpu.memory_space<vmem>>
        %dma_start3A_881 = tpu.memref_squeeze %dma_start3A_880 : memref<1x40x128xf32, #tpu.memory_space<vmem>> -> memref<40x128xf32, #tpu.memory_space<vmem>>
        %dma_start3A_882 = arith.constant 240 : i32
        %dma_start3A_883 = tpu.memref_slice %arg8[%dma_start3A_882] : memref<280xi32, #tpu.memory_space<vmem>> -> memref<40xi32, #tpu.memory_space<vmem>>
        %dma_start3A_884 = arith.constant 0 : i32
        %dma_start3A_885 = arith.constant 0 : i32
        %dma_start3A_886 = tpu.memref_slice %arg10[%dma_start3A_884, %dma_start3A_885] : memref<10000x128xf32, #tpu.memory_space<vmem_shared>> -> memref<10000x128xf32, #tpu.memory_space<vmem_shared>>
        tpu.enqueue_indirect_dma source(%dma_start3A_881 : memref<40x128xf32, #tpu.memory_space<vmem>>) target(%dma_start3A_886 : memref<10000x128xf32, #tpu.memory_space<vmem_shared>>) offsets(%dma_start3A_883 : memref<40xi32, #tpu.memory_space<vmem>>) semaphore(%run_scoped3A_877 : memref<!tpu.dma_semaphore, #tpu.memory_space<semaphore_mem>>) {add = true}
        %dma_wait3A_887 = arith.constant 0 : i32
        %dma_wait3A_888 = arith.constant 0 : i32
        %dma_wait3A_889 = tpu.memref_slice %arg9[%run_scoped3A_850, %dma_wait3A_887, %dma_wait3A_888] : memref<7x40x128xf32, #tpu.memory_space<vmem>> -> memref<1x40x128xf32, #tpu.memory_space<vmem>>
        %dma_wait3A_890 = tpu.memref_squeeze %dma_wait3A_889 : memref<1x40x128xf32, #tpu.memory_space<vmem>> -> memref<40x128xf32, #tpu.memory_space<vmem>>
        %dma_wait3A_891 = arith.constant 240 : i32
        %dma_wait3A_892 = tpu.memref_slice %arg8[%dma_wait3A_891] : memref<280xi32, #tpu.memory_space<vmem>> -> memref<40xi32, #tpu.memory_space<vmem>>
        %dma_wait3A_893 = arith.constant 0 : i32
        %dma_wait3A_894 = arith.constant 0 : i32
        %dma_wait3A_895 = tpu.memref_slice %arg10[%dma_wait3A_893, %dma_wait3A_894] : memref<10000x128xf32, #tpu.memory_space<vmem_shared>> -> memref<10000x128xf32, #tpu.memory_space<vmem_shared>>
        tpu.wait_indirect_dma semaphore(%run_scoped3A_877 : memref<!tpu.dma_semaphore, #tpu.memory_space<semaphore_mem>>) src(%dma_wait3A_890 : memref<40x128xf32, #tpu.memory_space<vmem>>) dst(%dma_wait3A_895 : memref<10000x128xf32, #tpu.memory_space<vmem_shared>>)
        tpu.yield
      }) : () -> ()
      %add3A_851 = arith.constant 7 : i32
      %add3A_852 = arith.addi %add3A_827, %add3A_851 : i32
      %mul3A_853 = arith.constant 10000 : i32
      %mul3A_854 = arith.muli %add3A, %mul3A_853 : i32
      %mul3A_855 = arith.constant 40 : i32
      %mul3A_856 = arith.muli %add3A_852, %mul3A_855 : i32
      %add3A_857 = arith.addi %mul3A_854, %mul3A_856 : i32
      %dma_start3A_858 = arith.constant 240 : i32
      %dma_start3A_859 = tpu.memref_slice %arg8[%dma_start3A_858] : memref<280xi32, #tpu.memory_space<vmem>> -> memref<40xi32, #tpu.memory_space<vmem>>
      %dma_start3A_860 = tpu.memref_slice %arg4[%add3A_857] : memref<320000xi32, #tpu.memory_space<hbm>> -> memref<40xi32, #tpu.memory_space<hbm>>
      %dma_start3A_861 = arith.constant 240 : i32
      %dma_start3A_862 = tpu.memref_slice %arg8[%dma_start3A_861] : memref<280xi32, #tpu.memory_space<vmem>> -> memref<40xi32, #tpu.memory_space<vmem>>
      %dma_start3A_863 = tpu.memref_slice %arg4[%add3A_857] : memref<320000xi32, #tpu.memory_space<hbm>> -> memref<40xi32, #tpu.memory_space<hbm>>
      tpu.enqueue_dma source(%dma_start3A_863 : memref<40xi32, #tpu.memory_space<hbm>>) target(%dma_start3A_862 : memref<40xi32, #tpu.memory_space<vmem>>) target_semaphore(%arg24 : memref<!tpu.dma_semaphore, #tpu.memory_space<semaphore_mem>>)
      %add3A_864 = arith.constant 7 : i32
      %add3A_865 = arith.addi %add3A_827, %add3A_864 : i32
      %mul3A_866 = arith.constant 40 : i32
      %mul3A_867 = arith.muli %add3A_865, %mul3A_866 : i32
      %dma_start3A_868 = arith.constant 6 : i32
      %dma_start3A_869 = arith.constant 0 : i32
      %dma_start3A_870 = arith.constant 0 : i32
      %dma_start3A_871 = tpu.memref_slice %arg9[%dma_start3A_868, %dma_start3A_869, %dma_start3A_870] : memref<7x40x128xf32, #tpu.memory_space<vmem>> -> memref<1x40x128xf32, #tpu.memory_space<vmem>>
      %dma_start3A_872 = tpu.memref_squeeze %dma_start3A_871 : memref<1x40x128xf32, #tpu.memory_space<vmem>> -> memref<40x128xf32, #tpu.memory_space<vmem>>
      %dma_start3A_873 = tpu.memref_slice %arg7[%mul3A_867] : memref<10000xi32, #tpu.memory_space<vmem>> -> memref<40xi32, #tpu.memory_space<vmem>>
      %dma_start3A_874 = arith.constant 0 : i32
      %dma_start3A_875 = arith.constant 0 : i32
      %dma_start3A_876 = tpu.memref_slice %arg2[%dma_start3A_874, %dma_start3A_875] : memref<10000x128xf32, #tpu.memory_space<hbm>> -> memref<10000x128xf32, #tpu.memory_space<hbm>>
      tpu.enqueue_indirect_dma source(%dma_start3A_876 : memref<10000x128xf32, #tpu.memory_space<hbm>>) target(%dma_start3A_872 : memref<40x128xf32, #tpu.memory_space<vmem>>) offsets(%dma_start3A_873 : memref<40xi32, #tpu.memory_space<vmem>>) semaphore(%arg17 : memref<!tpu.dma_semaphore, #tpu.memory_space<semaphore_mem>>)
    }
    %scan3A_148 = arith.constant 34 : i32
    %dma_wait3A = arith.constant 0 : i32
    %dma_wait3A_149 = arith.constant 0 : i32
    %dma_wait3A_150 = arith.constant 0 : i32
    %dma_wait3A_151 = tpu.memref_slice %arg9[%dma_wait3A, %dma_wait3A_149, %dma_wait3A_150] : memref<7x40x128xf32, #tpu.memory_space<vmem>> -> memref<1x40x128xf32, #tpu.memory_space<vmem>>
    %dma_wait3A_152 = tpu.memref_squeeze %dma_wait3A_151 : memref<1x40x128xf32, #tpu.memory_space<vmem>> -> memref<40x128xf32, #tpu.memory_space<vmem>>
    %dma_wait3A_153 = arith.constant 9520 : i32
    %dma_wait3A_154 = tpu.memref_slice %arg7[%dma_wait3A_153] : memref<10000xi32, #tpu.memory_space<vmem>> -> memref<40xi32, #tpu.memory_space<vmem>>
    %dma_wait3A_155 = arith.constant 0 : i32
    %dma_wait3A_156 = arith.constant 0 : i32
    %dma_wait3A_157 = tpu.memref_slice %arg2[%dma_wait3A_155, %dma_wait3A_156] : memref<10000x128xf32, #tpu.memory_space<hbm>> -> memref<10000x128xf32, #tpu.memory_space<hbm>>
    tpu.wait_indirect_dma semaphore(%arg11 : memref<!tpu.dma_semaphore, #tpu.memory_space<semaphore_mem>>) src(%dma_wait3A_157 : memref<10000x128xf32, #tpu.memory_space<hbm>>) dst(%dma_wait3A_152 : memref<40x128xf32, #tpu.memory_space<vmem>>)
    %mul3A_158 = arith.constant 10000 : i32
    %mul3A_159 = arith.muli %add3A, %mul3A_158 : i32
    %add3A_160 = arith.constant 9520 : i32
    %add3A_161 = arith.addi %mul3A_159, %add3A_160 : i32
    %dma_wait3A_162 = arith.constant 0 : i32
    %dma_wait3A_163 = tpu.memref_slice %arg8[%dma_wait3A_162] : memref<280xi32, #tpu.memory_space<vmem>> -> memref<40xi32, #tpu.memory_space<vmem>>
    %dma_wait3A_164 = tpu.memref_slice %arg4[%add3A_161] : memref<320000xi32, #tpu.memory_space<hbm>> -> memref<40xi32, #tpu.memory_space<hbm>>
    %dma_wait3A_165 = arith.constant 0 : i32
    %dma_wait3A_166 = tpu.memref_slice %arg8[%dma_wait3A_165] : memref<280xi32, #tpu.memory_space<vmem>> -> memref<40xi32, #tpu.memory_space<vmem>>
    %dma_wait3A_167 = tpu.memref_slice %arg4[%add3A_161] : memref<320000xi32, #tpu.memory_space<hbm>> -> memref<40xi32, #tpu.memory_space<hbm>>
    tpu.wait_dma2 semaphore(%arg18 : memref<!tpu.dma_semaphore, #tpu.memory_space<semaphore_mem>>) src(%dma_wait3A_167 : memref<40xi32, #tpu.memory_space<hbm>>) dst(%dma_wait3A_166 : memref<40xi32, #tpu.memory_space<vmem>>)
    %run_scoped3A = arith.constant 0 : i32
    "tpu.region"() ({
      %run_scoped3A_505 = tpu.sem_alloc : memref<!tpu.dma_semaphore, #tpu.memory_space<semaphore_mem>>
      %dma_start3A_506 = arith.constant 0 : i32
      %dma_start3A_507 = arith.constant 0 : i32
      %dma_start3A_508 = tpu.memref_slice %arg9[%run_scoped3A, %dma_start3A_506, %dma_start3A_507] : memref<7x40x128xf32, #tpu.memory_space<vmem>> -> memref<1x40x128xf32, #tpu.memory_space<vmem>>
      %dma_start3A_509 = tpu.memref_squeeze %dma_start3A_508 : memref<1x40x128xf32, #tpu.memory_space<vmem>> -> memref<40x128xf32, #tpu.memory_space<vmem>>
      %dma_start3A_510 = arith.constant 0 : i32
      %dma_start3A_511 = tpu.memref_slice %arg8[%dma_start3A_510] : memref<280xi32, #tpu.memory_space<vmem>> -> memref<40xi32, #tpu.memory_space<vmem>>
      %dma_start3A_512 = arith.constant 0 : i32
      %dma_start3A_513 = arith.constant 0 : i32
      %dma_start3A_514 = tpu.memref_slice %arg10[%dma_start3A_512, %dma_start3A_513] : memref<10000x128xf32, #tpu.memory_space<vmem_shared>> -> memref<10000x128xf32, #tpu.memory_space<vmem_shared>>
      tpu.enqueue_indirect_dma source(%dma_start3A_509 : memref<40x128xf32, #tpu.memory_space<vmem>>) target(%dma_start3A_514 : memref<10000x128xf32, #tpu.memory_space<vmem_shared>>) offsets(%dma_start3A_511 : memref<40xi32, #tpu.memory_space<vmem>>) semaphore(%run_scoped3A_505 : memref<!tpu.dma_semaphore, #tpu.memory_space<semaphore_mem>>) {add = true}
      %dma_wait3A_515 = arith.constant 0 : i32
      %dma_wait3A_516 = arith.constant 0 : i32
      %dma_wait3A_517 = tpu.memref_slice %arg9[%run_scoped3A, %dma_wait3A_515, %dma_wait3A_516] : memref<7x40x128xf32, #tpu.memory_space<vmem>> -> memref<1x40x128xf32, #tpu.memory_space<vmem>>
      %dma_wait3A_518 = tpu.memref_squeeze %dma_wait3A_517 : memref<1x40x128xf32, #tpu.memory_space<vmem>> -> memref<40x128xf32, #tpu.memory_space<vmem>>
      %dma_wait3A_519 = arith.constant 0 : i32
      %dma_wait3A_520 = tpu.memref_slice %arg8[%dma_wait3A_519] : memref<280xi32, #tpu.memory_space<vmem>> -> memref<40xi32, #tpu.memory_space<vmem>>
      %dma_wait3A_521 = arith.constant 0 : i32
      %dma_wait3A_522 = arith.constant 0 : i32
      %dma_wait3A_523 = tpu.memref_slice %arg10[%dma_wait3A_521, %dma_wait3A_522] : memref<10000x128xf32, #tpu.memory_space<vmem_shared>> -> memref<10000x128xf32, #tpu.memory_space<vmem_shared>>
      tpu.wait_indirect_dma semaphore(%run_scoped3A_505 : memref<!tpu.dma_semaphore, #tpu.memory_space<semaphore_mem>>) src(%dma_wait3A_518 : memref<40x128xf32, #tpu.memory_space<vmem>>) dst(%dma_wait3A_523 : memref<10000x128xf32, #tpu.memory_space<vmem_shared>>)
      tpu.yield
    }) : () -> ()
    %mul3A_168 = arith.constant 10000 : i32
    %mul3A_169 = arith.muli %add3A, %mul3A_168 : i32
    %add3A_170 = arith.constant 9800 : i32
    %add3A_171 = arith.addi %mul3A_169, %add3A_170 : i32
    %dma_start3A_172 = arith.constant 0 : i32
    %dma_start3A_173 = tpu.memref_slice %arg8[%dma_start3A_172] : memref<280xi32, #tpu.memory_space<vmem>> -> memref<40xi32, #tpu.memory_space<vmem>>
    %dma_start3A_174 = tpu.memref_slice %arg4[%add3A_171] : memref<320000xi32, #tpu.memory_space<hbm>> -> memref<40xi32, #tpu.memory_space<hbm>>
    %dma_start3A_175 = arith.constant 0 : i32
    %dma_start3A_176 = tpu.memref_slice %arg8[%dma_start3A_175] : memref<280xi32, #tpu.memory_space<vmem>> -> memref<40xi32, #tpu.memory_space<vmem>>
    %dma_start3A_177 = tpu.memref_slice %arg4[%add3A_171] : memref<320000xi32, #tpu.memory_space<hbm>> -> memref<40xi32, #tpu.memory_space<hbm>>
    tpu.enqueue_dma source(%dma_start3A_177 : memref<40xi32, #tpu.memory_space<hbm>>) target(%dma_start3A_176 : memref<40xi32, #tpu.memory_space<vmem>>) target_semaphore(%arg18 : memref<!tpu.dma_semaphore, #tpu.memory_space<semaphore_mem>>)
    %dma_start3A_178 = arith.constant 0 : i32
    %dma_start3A_179 = arith.constant 0 : i32
    %dma_start3A_180 = arith.constant 0 : i32
    %dma_start3A_181 = tpu.memref_slice %arg9[%dma_start3A_178, %dma_start3A_179, %dma_start3A_180] : memref<7x40x128xf32, #tpu.memory_space<vmem>> -> memref<1x40x128xf32, #tpu.memory_space<vmem>>
    %dma_start3A_182 = tpu.memref_squeeze %dma_start3A_181 : memref<1x40x128xf32, #tpu.memory_space<vmem>> -> memref<40x128xf32, #tpu.memory_space<vmem>>
    %dma_start3A_183 = arith.constant 9800 : i32
    %dma_start3A_184 = tpu.memref_slice %arg7[%dma_start3A_183] : memref<10000xi32, #tpu.memory_space<vmem>> -> memref<40xi32, #tpu.memory_space<vmem>>
    %dma_start3A_185 = arith.constant 0 : i32
    %dma_start3A_186 = arith.constant 0 : i32
    %dma_start3A_187 = tpu.memref_slice %arg2[%dma_start3A_185, %dma_start3A_186] : memref<10000x128xf32, #tpu.memory_space<hbm>> -> memref<10000x128xf32, #tpu.memory_space<hbm>>
    tpu.enqueue_indirect_dma source(%dma_start3A_187 : memref<10000x128xf32, #tpu.memory_space<hbm>>) target(%dma_start3A_182 : memref<40x128xf32, #tpu.memory_space<vmem>>) offsets(%dma_start3A_184 : memref<40xi32, #tpu.memory_space<vmem>>) semaphore(%arg11 : memref<!tpu.dma_semaphore, #tpu.memory_space<semaphore_mem>>)
    %dma_wait3A_188 = arith.constant 1 : i32
    %dma_wait3A_189 = arith.constant 0 : i32
    %dma_wait3A_190 = arith.constant 0 : i32
    %dma_wait3A_191 = tpu.memref_slice %arg9[%dma_wait3A_188, %dma_wait3A_189, %dma_wait3A_190] : memref<7x40x128xf32, #tpu.memory_space<vmem>> -> memref<1x40x128xf32, #tpu.memory_space<vmem>>
    %dma_wait3A_192 = tpu.memref_squeeze %dma_wait3A_191 : memref<1x40x128xf32, #tpu.memory_space<vmem>> -> memref<40x128xf32, #tpu.memory_space<vmem>>
    %dma_wait3A_193 = arith.constant 9560 : i32
    %dma_wait3A_194 = tpu.memref_slice %arg7[%dma_wait3A_193] : memref<10000xi32, #tpu.memory_space<vmem>> -> memref<40xi32, #tpu.memory_space<vmem>>
    %dma_wait3A_195 = arith.constant 0 : i32
    %dma_wait3A_196 = arith.constant 0 : i32
    %dma_wait3A_197 = tpu.memref_slice %arg2[%dma_wait3A_195, %dma_wait3A_196] : memref<10000x128xf32, #tpu.memory_space<hbm>> -> memref<10000x128xf32, #tpu.memory_space<hbm>>
    tpu.wait_indirect_dma semaphore(%arg12 : memref<!tpu.dma_semaphore, #tpu.memory_space<semaphore_mem>>) src(%dma_wait3A_197 : memref<10000x128xf32, #tpu.memory_space<hbm>>) dst(%dma_wait3A_192 : memref<40x128xf32, #tpu.memory_space<vmem>>)
    %mul3A_198 = arith.constant 10000 : i32
    %mul3A_199 = arith.muli %add3A, %mul3A_198 : i32
    %add3A_200 = arith.constant 9560 : i32
    %add3A_201 = arith.addi %mul3A_199, %add3A_200 : i32
    %dma_wait3A_202 = arith.constant 40 : i32
    %dma_wait3A_203 = tpu.memref_slice %arg8[%dma_wait3A_202] : memref<280xi32, #tpu.memory_space<vmem>> -> memref<40xi32, #tpu.memory_space<vmem>>
    %dma_wait3A_204 = tpu.memref_slice %arg4[%add3A_201] : memref<320000xi32, #tpu.memory_space<hbm>> -> memref<40xi32, #tpu.memory_space<hbm>>
    %dma_wait3A_205 = arith.constant 40 : i32
    %dma_wait3A_206 = tpu.memref_slice %arg8[%dma_wait3A_205] : memref<280xi32, #tpu.memory_space<vmem>> -> memref<40xi32, #tpu.memory_space<vmem>>
    %dma_wait3A_207 = tpu.memref_slice %arg4[%add3A_201] : memref<320000xi32, #tpu.memory_space<hbm>> -> memref<40xi32, #tpu.memory_space<hbm>>
    tpu.wait_dma2 semaphore(%arg19 : memref<!tpu.dma_semaphore, #tpu.memory_space<semaphore_mem>>) src(%dma_wait3A_207 : memref<40xi32, #tpu.memory_space<hbm>>) dst(%dma_wait3A_206 : memref<40xi32, #tpu.memory_space<vmem>>)
    %run_scoped3A_208 = arith.constant 1 : i32
    "tpu.region"() ({
      %run_scoped3A_505 = tpu.sem_alloc : memref<!tpu.dma_semaphore, #tpu.memory_space<semaphore_mem>>
      %dma_start3A_506 = arith.constant 0 : i32
      %dma_start3A_507 = arith.constant 0 : i32
      %dma_start3A_508 = tpu.memref_slice %arg9[%run_scoped3A_208, %dma_start3A_506, %dma_start3A_507] : memref<7x40x128xf32, #tpu.memory_space<vmem>> -> memref<1x40x128xf32, #tpu.memory_space<vmem>>
      %dma_start3A_509 = tpu.memref_squeeze %dma_start3A_508 : memref<1x40x128xf32, #tpu.memory_space<vmem>> -> memref<40x128xf32, #tpu.memory_space<vmem>>
      %dma_start3A_510 = arith.constant 40 : i32
      %dma_start3A_511 = tpu.memref_slice %arg8[%dma_start3A_510] : memref<280xi32, #tpu.memory_space<vmem>> -> memref<40xi32, #tpu.memory_space<vmem>>
      %dma_start3A_512 = arith.constant 0 : i32
      %dma_start3A_513 = arith.constant 0 : i32
      %dma_start3A_514 = tpu.memref_slice %arg10[%dma_start3A_512, %dma_start3A_513] : memref<10000x128xf32, #tpu.memory_space<vmem_shared>> -> memref<10000x128xf32, #tpu.memory_space<vmem_shared>>
      tpu.enqueue_indirect_dma source(%dma_start3A_509 : memref<40x128xf32, #tpu.memory_space<vmem>>) target(%dma_start3A_514 : memref<10000x128xf32, #tpu.memory_space<vmem_shared>>) offsets(%dma_start3A_511 : memref<40xi32, #tpu.memory_space<vmem>>) semaphore(%run_scoped3A_505 : memref<!tpu.dma_semaphore, #tpu.memory_space<semaphore_mem>>) {add = true}
      %dma_wait3A_515 = arith.constant 0 : i32
      %dma_wait3A_516 = arith.constant 0 : i32
      %dma_wait3A_517 = tpu.memref_slice %arg9[%run_scoped3A_208, %dma_wait3A_515, %dma_wait3A_516] : memref<7x40x128xf32, #tpu.memory_space<vmem>> -> memref<1x40x128xf32, #tpu.memory_space<vmem>>
      %dma_wait3A_518 = tpu.memref_squeeze %dma_wait3A_517 : memref<1x40x128xf32, #tpu.memory_space<vmem>> -> memref<40x128xf32, #tpu.memory_space<vmem>>
      %dma_wait3A_519 = arith.constant 40 : i32
      %dma_wait3A_520 = tpu.memref_slice %arg8[%dma_wait3A_519] : memref<280xi32, #tpu.memory_space<vmem>> -> memref<40xi32, #tpu.memory_space<vmem>>
      %dma_wait3A_521 = arith.constant 0 : i32
      %dma_wait3A_522 = arith.constant 0 : i32
      %dma_wait3A_523 = tpu.memref_slice %arg10[%dma_wait3A_521, %dma_wait3A_522] : memref<10000x128xf32, #tpu.memory_space<vmem_shared>> -> memref<10000x128xf32, #tpu.memory_space<vmem_shared>>
      tpu.wait_indirect_dma semaphore(%run_scoped3A_505 : memref<!tpu.dma_semaphore, #tpu.memory_space<semaphore_mem>>) src(%dma_wait3A_518 : memref<40x128xf32, #tpu.memory_space<vmem>>) dst(%dma_wait3A_523 : memref<10000x128xf32, #tpu.memory_space<vmem_shared>>)
      tpu.yield
    }) : () -> ()
    %mul3A_209 = arith.constant 10000 : i32
    %mul3A_210 = arith.muli %add3A, %mul3A_209 : i32
    %add3A_211 = arith.constant 9840 : i32
    %add3A_212 = arith.addi %mul3A_210, %add3A_211 : i32
    %dma_start3A_213 = arith.constant 40 : i32
    %dma_start3A_214 = tpu.memref_slice %arg8[%dma_start3A_213] : memref<280xi32, #tpu.memory_space<vmem>> -> memref<40xi32, #tpu.memory_space<vmem>>
    %dma_start3A_215 = tpu.memref_slice %arg4[%add3A_212] : memref<320000xi32, #tpu.memory_space<hbm>> -> memref<40xi32, #tpu.memory_space<hbm>>
    %dma_start3A_216 = arith.constant 40 : i32
    %dma_start3A_217 = tpu.memref_slice %arg8[%dma_start3A_216] : memref<280xi32, #tpu.memory_space<vmem>> -> memref<40xi32, #tpu.memory_space<vmem>>
    %dma_start3A_218 = tpu.memref_slice %arg4[%add3A_212] : memref<320000xi32, #tpu.memory_space<hbm>> -> memref<40xi32, #tpu.memory_space<hbm>>
    tpu.enqueue_dma source(%dma_start3A_218 : memref<40xi32, #tpu.memory_space<hbm>>) target(%dma_start3A_217 : memref<40xi32, #tpu.memory_space<vmem>>) target_semaphore(%arg19 : memref<!tpu.dma_semaphore, #tpu.memory_space<semaphore_mem>>)
    %dma_start3A_219 = arith.constant 1 : i32
    %dma_start3A_220 = arith.constant 0 : i32
    %dma_start3A_221 = arith.constant 0 : i32
    %dma_start3A_222 = tpu.memref_slice %arg9[%dma_start3A_219, %dma_start3A_220, %dma_start3A_221] : memref<7x40x128xf32, #tpu.memory_space<vmem>> -> memref<1x40x128xf32, #tpu.memory_space<vmem>>
    %dma_start3A_223 = tpu.memref_squeeze %dma_start3A_222 : memref<1x40x128xf32, #tpu.memory_space<vmem>> -> memref<40x128xf32, #tpu.memory_space<vmem>>
    %dma_start3A_224 = arith.constant 9840 : i32
    %dma_start3A_225 = tpu.memref_slice %arg7[%dma_start3A_224] : memref<10000xi32, #tpu.memory_space<vmem>> -> memref<40xi32, #tpu.memory_space<vmem>>
    %dma_start3A_226 = arith.constant 0 : i32
    %dma_start3A_227 = arith.constant 0 : i32
    %dma_start3A_228 = tpu.memref_slice %arg2[%dma_start3A_226, %dma_start3A_227] : memref<10000x128xf32, #tpu.memory_space<hbm>> -> memref<10000x128xf32, #tpu.memory_space<hbm>>
    tpu.enqueue_indirect_dma source(%dma_start3A_228 : memref<10000x128xf32, #tpu.memory_space<hbm>>) target(%dma_start3A_223 : memref<40x128xf32, #tpu.memory_space<vmem>>) offsets(%dma_start3A_225 : memref<40xi32, #tpu.memory_space<vmem>>) semaphore(%arg12 : memref<!tpu.dma_semaphore, #tpu.memory_space<semaphore_mem>>)
    %dma_wait3A_229 = arith.constant 2 : i32
    %dma_wait3A_230 = arith.constant 0 : i32
    %dma_wait3A_231 = arith.constant 0 : i32
    %dma_wait3A_232 = tpu.memref_slice %arg9[%dma_wait3A_229, %dma_wait3A_230, %dma_wait3A_231] : memref<7x40x128xf32, #tpu.memory_space<vmem>> -> memref<1x40x128xf32, #tpu.memory_space<vmem>>
    %dma_wait3A_233 = tpu.memref_squeeze %dma_wait3A_232 : memref<1x40x128xf32, #tpu.memory_space<vmem>> -> memref<40x128xf32, #tpu.memory_space<vmem>>
    %dma_wait3A_234 = arith.constant 9600 : i32
    %dma_wait3A_235 = tpu.memref_slice %arg7[%dma_wait3A_234] : memref<10000xi32, #tpu.memory_space<vmem>> -> memref<40xi32, #tpu.memory_space<vmem>>
    %dma_wait3A_236 = arith.constant 0 : i32
    %dma_wait3A_237 = arith.constant 0 : i32
    %dma_wait3A_238 = tpu.memref_slice %arg2[%dma_wait3A_236, %dma_wait3A_237] : memref<10000x128xf32, #tpu.memory_space<hbm>> -> memref<10000x128xf32, #tpu.memory_space<hbm>>
    tpu.wait_indirect_dma semaphore(%arg13 : memref<!tpu.dma_semaphore, #tpu.memory_space<semaphore_mem>>) src(%dma_wait3A_238 : memref<10000x128xf32, #tpu.memory_space<hbm>>) dst(%dma_wait3A_233 : memref<40x128xf32, #tpu.memory_space<vmem>>)
    %mul3A_239 = arith.constant 10000 : i32
    %mul3A_240 = arith.muli %add3A, %mul3A_239 : i32
    %add3A_241 = arith.constant 9600 : i32
    %add3A_242 = arith.addi %mul3A_240, %add3A_241 : i32
    %dma_wait3A_243 = arith.constant 80 : i32
    %dma_wait3A_244 = tpu.memref_slice %arg8[%dma_wait3A_243] : memref<280xi32, #tpu.memory_space<vmem>> -> memref<40xi32, #tpu.memory_space<vmem>>
    %dma_wait3A_245 = tpu.memref_slice %arg4[%add3A_242] : memref<320000xi32, #tpu.memory_space<hbm>> -> memref<40xi32, #tpu.memory_space<hbm>>
    %dma_wait3A_246 = arith.constant 80 : i32
    %dma_wait3A_247 = tpu.memref_slice %arg8[%dma_wait3A_246] : memref<280xi32, #tpu.memory_space<vmem>> -> memref<40xi32, #tpu.memory_space<vmem>>
    %dma_wait3A_248 = tpu.memref_slice %arg4[%add3A_242] : memref<320000xi32, #tpu.memory_space<hbm>> -> memref<40xi32, #tpu.memory_space<hbm>>
    tpu.wait_dma2 semaphore(%arg20 : memref<!tpu.dma_semaphore, #tpu.memory_space<semaphore_mem>>) src(%dma_wait3A_248 : memref<40xi32, #tpu.memory_space<hbm>>) dst(%dma_wait3A_247 : memref<40xi32, #tpu.memory_space<vmem>>)
    %run_scoped3A_249 = arith.constant 2 : i32
    "tpu.region"() ({
      %run_scoped3A_505 = tpu.sem_alloc : memref<!tpu.dma_semaphore, #tpu.memory_space<semaphore_mem>>
      %dma_start3A_506 = arith.constant 0 : i32
      %dma_start3A_507 = arith.constant 0 : i32
      %dma_start3A_508 = tpu.memref_slice %arg9[%run_scoped3A_249, %dma_start3A_506, %dma_start3A_507] : memref<7x40x128xf32, #tpu.memory_space<vmem>> -> memref<1x40x128xf32, #tpu.memory_space<vmem>>
      %dma_start3A_509 = tpu.memref_squeeze %dma_start3A_508 : memref<1x40x128xf32, #tpu.memory_space<vmem>> -> memref<40x128xf32, #tpu.memory_space<vmem>>
      %dma_start3A_510 = arith.constant 80 : i32
      %dma_start3A_511 = tpu.memref_slice %arg8[%dma_start3A_510] : memref<280xi32, #tpu.memory_space<vmem>> -> memref<40xi32, #tpu.memory_space<vmem>>
      %dma_start3A_512 = arith.constant 0 : i32
      %dma_start3A_513 = arith.constant 0 : i32
      %dma_start3A_514 = tpu.memref_slice %arg10[%dma_start3A_512, %dma_start3A_513] : memref<10000x128xf32, #tpu.memory_space<vmem_shared>> -> memref<10000x128xf32, #tpu.memory_space<vmem_shared>>
      tpu.enqueue_indirect_dma source(%dma_start3A_509 : memref<40x128xf32, #tpu.memory_space<vmem>>) target(%dma_start3A_514 : memref<10000x128xf32, #tpu.memory_space<vmem_shared>>) offsets(%dma_start3A_511 : memref<40xi32, #tpu.memory_space<vmem>>) semaphore(%run_scoped3A_505 : memref<!tpu.dma_semaphore, #tpu.memory_space<semaphore_mem>>) {add = true}
      %dma_wait3A_515 = arith.constant 0 : i32
      %dma_wait3A_516 = arith.constant 0 : i32
      %dma_wait3A_517 = tpu.memref_slice %arg9[%run_scoped3A_249, %dma_wait3A_515, %dma_wait3A_516] : memref<7x40x128xf32, #tpu.memory_space<vmem>> -> memref<1x40x128xf32, #tpu.memory_space<vmem>>
      %dma_wait3A_518 = tpu.memref_squeeze %dma_wait3A_517 : memref<1x40x128xf32, #tpu.memory_space<vmem>> -> memref<40x128xf32, #tpu.memory_space<vmem>>
      %dma_wait3A_519 = arith.constant 80 : i32
      %dma_wait3A_520 = tpu.memref_slice %arg8[%dma_wait3A_519] : memref<280xi32, #tpu.memory_space<vmem>> -> memref<40xi32, #tpu.memory_space<vmem>>
      %dma_wait3A_521 = arith.constant 0 : i32
      %dma_wait3A_522 = arith.constant 0 : i32
      %dma_wait3A_523 = tpu.memref_slice %arg10[%dma_wait3A_521, %dma_wait3A_522] : memref<10000x128xf32, #tpu.memory_space<vmem_shared>> -> memref<10000x128xf32, #tpu.memory_space<vmem_shared>>
      tpu.wait_indirect_dma semaphore(%run_scoped3A_505 : memref<!tpu.dma_semaphore, #tpu.memory_space<semaphore_mem>>) src(%dma_wait3A_518 : memref<40x128xf32, #tpu.memory_space<vmem>>) dst(%dma_wait3A_523 : memref<10000x128xf32, #tpu.memory_space<vmem_shared>>)
      tpu.yield
    }) : () -> ()
    %mul3A_250 = arith.constant 10000 : i32
    %mul3A_251 = arith.muli %add3A, %mul3A_250 : i32
    %add3A_252 = arith.constant 9880 : i32
    %add3A_253 = arith.addi %mul3A_251, %add3A_252 : i32
    %dma_start3A_254 = arith.constant 80 : i32
    %dma_start3A_255 = tpu.memref_slice %arg8[%dma_start3A_254] : memref<280xi32, #tpu.memory_space<vmem>> -> memref<40xi32, #tpu.memory_space<vmem>>
    %dma_start3A_256 = tpu.memref_slice %arg4[%add3A_253] : memref<320000xi32, #tpu.memory_space<hbm>> -> memref<40xi32, #tpu.memory_space<hbm>>
    %dma_start3A_257 = arith.constant 80 : i32
    %dma_start3A_258 = tpu.memref_slice %arg8[%dma_start3A_257] : memref<280xi32, #tpu.memory_space<vmem>> -> memref<40xi32, #tpu.memory_space<vmem>>
    %dma_start3A_259 = tpu.memref_slice %arg4[%add3A_253] : memref<320000xi32, #tpu.memory_space<hbm>> -> memref<40xi32, #tpu.memory_space<hbm>>
    tpu.enqueue_dma source(%dma_start3A_259 : memref<40xi32, #tpu.memory_space<hbm>>) target(%dma_start3A_258 : memref<40xi32, #tpu.memory_space<vmem>>) target_semaphore(%arg20 : memref<!tpu.dma_semaphore, #tpu.memory_space<semaphore_mem>>)
    %dma_start3A_260 = arith.constant 2 : i32
    %dma_start3A_261 = arith.constant 0 : i32
    %dma_start3A_262 = arith.constant 0 : i32
    %dma_start3A_263 = tpu.memref_slice %arg9[%dma_start3A_260, %dma_start3A_261, %dma_start3A_262] : memref<7x40x128xf32, #tpu.memory_space<vmem>> -> memref<1x40x128xf32, #tpu.memory_space<vmem>>
    %dma_start3A_264 = tpu.memref_squeeze %dma_start3A_263 : memref<1x40x128xf32, #tpu.memory_space<vmem>> -> memref<40x128xf32, #tpu.memory_space<vmem>>
    %dma_start3A_265 = arith.constant 9880 : i32
    %dma_start3A_266 = tpu.memref_slice %arg7[%dma_start3A_265] : memref<10000xi32, #tpu.memory_space<vmem>> -> memref<40xi32, #tpu.memory_space<vmem>>
    %dma_start3A_267 = arith.constant 0 : i32
    %dma_start3A_268 = arith.constant 0 : i32
    %dma_start3A_269 = tpu.memref_slice %arg2[%dma_start3A_267, %dma_start3A_268] : memref<10000x128xf32, #tpu.memory_space<hbm>> -> memref<10000x128xf32, #tpu.memory_space<hbm>>
    tpu.enqueue_indirect_dma source(%dma_start3A_269 : memref<10000x128xf32, #tpu.memory_space<hbm>>) target(%dma_start3A_264 : memref<40x128xf32, #tpu.memory_space<vmem>>) offsets(%dma_start3A_266 : memref<40xi32, #tpu.memory_space<vmem>>) semaphore(%arg13 : memref<!tpu.dma_semaphore, #tpu.memory_space<semaphore_mem>>)
    %dma_wait3A_270 = arith.constant 3 : i32
    %dma_wait3A_271 = arith.constant 0 : i32
    %dma_wait3A_272 = arith.constant 0 : i32
    %dma_wait3A_273 = tpu.memref_slice %arg9[%dma_wait3A_270, %dma_wait3A_271, %dma_wait3A_272] : memref<7x40x128xf32, #tpu.memory_space<vmem>> -> memref<1x40x128xf32, #tpu.memory_space<vmem>>
    %dma_wait3A_274 = tpu.memref_squeeze %dma_wait3A_273 : memref<1x40x128xf32, #tpu.memory_space<vmem>> -> memref<40x128xf32, #tpu.memory_space<vmem>>
    %dma_wait3A_275 = arith.constant 9640 : i32
    %dma_wait3A_276 = tpu.memref_slice %arg7[%dma_wait3A_275] : memref<10000xi32, #tpu.memory_space<vmem>> -> memref<40xi32, #tpu.memory_space<vmem>>
    %dma_wait3A_277 = arith.constant 0 : i32
    %dma_wait3A_278 = arith.constant 0 : i32
    %dma_wait3A_279 = tpu.memref_slice %arg2[%dma_wait3A_277, %dma_wait3A_278] : memref<10000x128xf32, #tpu.memory_space<hbm>> -> memref<10000x128xf32, #tpu.memory_space<hbm>>
    tpu.wait_indirect_dma semaphore(%arg14 : memref<!tpu.dma_semaphore, #tpu.memory_space<semaphore_mem>>) src(%dma_wait3A_279 : memref<10000x128xf32, #tpu.memory_space<hbm>>) dst(%dma_wait3A_274 : memref<40x128xf32, #tpu.memory_space<vmem>>)
    %mul3A_280 = arith.constant 10000 : i32
    %mul3A_281 = arith.muli %add3A, %mul3A_280 : i32
    %add3A_282 = arith.constant 9640 : i32
    %add3A_283 = arith.addi %mul3A_281, %add3A_282 : i32
    %dma_wait3A_284 = arith.constant 120 : i32
    %dma_wait3A_285 = tpu.memref_slice %arg8[%dma_wait3A_284] : memref<280xi32, #tpu.memory_space<vmem>> -> memref<40xi32, #tpu.memory_space<vmem>>
    %dma_wait3A_286 = tpu.memref_slice %arg4[%add3A_283] : memref<320000xi32, #tpu.memory_space<hbm>> -> memref<40xi32, #tpu.memory_space<hbm>>
    %dma_wait3A_287 = arith.constant 120 : i32
    %dma_wait3A_288 = tpu.memref_slice %arg8[%dma_wait3A_287] : memref<280xi32, #tpu.memory_space<vmem>> -> memref<40xi32, #tpu.memory_space<vmem>>
    %dma_wait3A_289 = tpu.memref_slice %arg4[%add3A_283] : memref<320000xi32, #tpu.memory_space<hbm>> -> memref<40xi32, #tpu.memory_space<hbm>>
    tpu.wait_dma2 semaphore(%arg21 : memref<!tpu.dma_semaphore, #tpu.memory_space<semaphore_mem>>) src(%dma_wait3A_289 : memref<40xi32, #tpu.memory_space<hbm>>) dst(%dma_wait3A_288 : memref<40xi32, #tpu.memory_space<vmem>>)
    %run_scoped3A_290 = arith.constant 3 : i32
    "tpu.region"() ({
      %run_scoped3A_505 = tpu.sem_alloc : memref<!tpu.dma_semaphore, #tpu.memory_space<semaphore_mem>>
      %dma_start3A_506 = arith.constant 0 : i32
      %dma_start3A_507 = arith.constant 0 : i32
      %dma_start3A_508 = tpu.memref_slice %arg9[%run_scoped3A_290, %dma_start3A_506, %dma_start3A_507] : memref<7x40x128xf32, #tpu.memory_space<vmem>> -> memref<1x40x128xf32, #tpu.memory_space<vmem>>
      %dma_start3A_509 = tpu.memref_squeeze %dma_start3A_508 : memref<1x40x128xf32, #tpu.memory_space<vmem>> -> memref<40x128xf32, #tpu.memory_space<vmem>>
      %dma_start3A_510 = arith.constant 120 : i32
      %dma_start3A_511 = tpu.memref_slice %arg8[%dma_start3A_510] : memref<280xi32, #tpu.memory_space<vmem>> -> memref<40xi32, #tpu.memory_space<vmem>>
      %dma_start3A_512 = arith.constant 0 : i32
      %dma_start3A_513 = arith.constant 0 : i32
      %dma_start3A_514 = tpu.memref_slice %arg10[%dma_start3A_512, %dma_start3A_513] : memref<10000x128xf32, #tpu.memory_space<vmem_shared>> -> memref<10000x128xf32, #tpu.memory_space<vmem_shared>>
      tpu.enqueue_indirect_dma source(%dma_start3A_509 : memref<40x128xf32, #tpu.memory_space<vmem>>) target(%dma_start3A_514 : memref<10000x128xf32, #tpu.memory_space<vmem_shared>>) offsets(%dma_start3A_511 : memref<40xi32, #tpu.memory_space<vmem>>) semaphore(%run_scoped3A_505 : memref<!tpu.dma_semaphore, #tpu.memory_space<semaphore_mem>>) {add = true}
      %dma_wait3A_515 = arith.constant 0 : i32
      %dma_wait3A_516 = arith.constant 0 : i32
      %dma_wait3A_517 = tpu.memref_slice %arg9[%run_scoped3A_290, %dma_wait3A_515, %dma_wait3A_516] : memref<7x40x128xf32, #tpu.memory_space<vmem>> -> memref<1x40x128xf32, #tpu.memory_space<vmem>>
      %dma_wait3A_518 = tpu.memref_squeeze %dma_wait3A_517 : memref<1x40x128xf32, #tpu.memory_space<vmem>> -> memref<40x128xf32, #tpu.memory_space<vmem>>
      %dma_wait3A_519 = arith.constant 120 : i32
      %dma_wait3A_520 = tpu.memref_slice %arg8[%dma_wait3A_519] : memref<280xi32, #tpu.memory_space<vmem>> -> memref<40xi32, #tpu.memory_space<vmem>>
      %dma_wait3A_521 = arith.constant 0 : i32
      %dma_wait3A_522 = arith.constant 0 : i32
      %dma_wait3A_523 = tpu.memref_slice %arg10[%dma_wait3A_521, %dma_wait3A_522] : memref<10000x128xf32, #tpu.memory_space<vmem_shared>> -> memref<10000x128xf32, #tpu.memory_space<vmem_shared>>
      tpu.wait_indirect_dma semaphore(%run_scoped3A_505 : memref<!tpu.dma_semaphore, #tpu.memory_space<semaphore_mem>>) src(%dma_wait3A_518 : memref<40x128xf32, #tpu.memory_space<vmem>>) dst(%dma_wait3A_523 : memref<10000x128xf32, #tpu.memory_space<vmem_shared>>)
      tpu.yield
    }) : () -> ()
    %mul3A_291 = arith.constant 10000 : i32
    %mul3A_292 = arith.muli %add3A, %mul3A_291 : i32
    %add3A_293 = arith.constant 9920 : i32
    %add3A_294 = arith.addi %mul3A_292, %add3A_293 : i32
    %dma_start3A_295 = arith.constant 120 : i32
    %dma_start3A_296 = tpu.memref_slice %arg8[%dma_start3A_295] : memref<280xi32, #tpu.memory_space<vmem>> -> memref<40xi32, #tpu.memory_space<vmem>>
    %dma_start3A_297 = tpu.memref_slice %arg4[%add3A_294] : memref<320000xi32, #tpu.memory_space<hbm>> -> memref<40xi32, #tpu.memory_space<hbm>>
    %dma_start3A_298 = arith.constant 120 : i32
    %dma_start3A_299 = tpu.memref_slice %arg8[%dma_start3A_298] : memref<280xi32, #tpu.memory_space<vmem>> -> memref<40xi32, #tpu.memory_space<vmem>>
    %dma_start3A_300 = tpu.memref_slice %arg4[%add3A_294] : memref<320000xi32, #tpu.memory_space<hbm>> -> memref<40xi32, #tpu.memory_space<hbm>>
    tpu.enqueue_dma source(%dma_start3A_300 : memref<40xi32, #tpu.memory_space<hbm>>) target(%dma_start3A_299 : memref<40xi32, #tpu.memory_space<vmem>>) target_semaphore(%arg21 : memref<!tpu.dma_semaphore, #tpu.memory_space<semaphore_mem>>)
    %dma_start3A_301 = arith.constant 3 : i32
    %dma_start3A_302 = arith.constant 0 : i32
    %dma_start3A_303 = arith.constant 0 : i32
    %dma_start3A_304 = tpu.memref_slice %arg9[%dma_start3A_301, %dma_start3A_302, %dma_start3A_303] : memref<7x40x128xf32, #tpu.memory_space<vmem>> -> memref<1x40x128xf32, #tpu.memory_space<vmem>>
    %dma_start3A_305 = tpu.memref_squeeze %dma_start3A_304 : memref<1x40x128xf32, #tpu.memory_space<vmem>> -> memref<40x128xf32, #tpu.memory_space<vmem>>
    %dma_start3A_306 = arith.constant 9920 : i32
    %dma_start3A_307 = tpu.memref_slice %arg7[%dma_start3A_306] : memref<10000xi32, #tpu.memory_space<vmem>> -> memref<40xi32, #tpu.memory_space<vmem>>
    %dma_start3A_308 = arith.constant 0 : i32
    %dma_start3A_309 = arith.constant 0 : i32
    %dma_start3A_310 = tpu.memref_slice %arg2[%dma_start3A_308, %dma_start3A_309] : memref<10000x128xf32, #tpu.memory_space<hbm>> -> memref<10000x128xf32, #tpu.memory_space<hbm>>
    tpu.enqueue_indirect_dma source(%dma_start3A_310 : memref<10000x128xf32, #tpu.memory_space<hbm>>) target(%dma_start3A_305 : memref<40x128xf32, #tpu.memory_space<vmem>>) offsets(%dma_start3A_307 : memref<40xi32, #tpu.memory_space<vmem>>) semaphore(%arg14 : memref<!tpu.dma_semaphore, #tpu.memory_space<semaphore_mem>>)
    %dma_wait3A_311 = arith.constant 4 : i32
    %dma_wait3A_312 = arith.constant 0 : i32
    %dma_wait3A_313 = arith.constant 0 : i32
    %dma_wait3A_314 = tpu.memref_slice %arg9[%dma_wait3A_311, %dma_wait3A_312, %dma_wait3A_313] : memref<7x40x128xf32, #tpu.memory_space<vmem>> -> memref<1x40x128xf32, #tpu.memory_space<vmem>>
    %dma_wait3A_315 = tpu.memref_squeeze %dma_wait3A_314 : memref<1x40x128xf32, #tpu.memory_space<vmem>> -> memref<40x128xf32, #tpu.memory_space<vmem>>
    %dma_wait3A_316 = arith.constant 9680 : i32
    %dma_wait3A_317 = tpu.memref_slice %arg7[%dma_wait3A_316] : memref<10000xi32, #tpu.memory_space<vmem>> -> memref<40xi32, #tpu.memory_space<vmem>>
    %dma_wait3A_318 = arith.constant 0 : i32
    %dma_wait3A_319 = arith.constant 0 : i32
    %dma_wait3A_320 = tpu.memref_slice %arg2[%dma_wait3A_318, %dma_wait3A_319] : memref<10000x128xf32, #tpu.memory_space<hbm>> -> memref<10000x128xf32, #tpu.memory_space<hbm>>
    tpu.wait_indirect_dma semaphore(%arg15 : memref<!tpu.dma_semaphore, #tpu.memory_space<semaphore_mem>>) src(%dma_wait3A_320 : memref<10000x128xf32, #tpu.memory_space<hbm>>) dst(%dma_wait3A_315 : memref<40x128xf32, #tpu.memory_space<vmem>>)
    %mul3A_321 = arith.constant 10000 : i32
    %mul3A_322 = arith.muli %add3A, %mul3A_321 : i32
    %add3A_323 = arith.constant 9680 : i32
    %add3A_324 = arith.addi %mul3A_322, %add3A_323 : i32
    %dma_wait3A_325 = arith.constant 160 : i32
    %dma_wait3A_326 = tpu.memref_slice %arg8[%dma_wait3A_325] : memref<280xi32, #tpu.memory_space<vmem>> -> memref<40xi32, #tpu.memory_space<vmem>>
    %dma_wait3A_327 = tpu.memref_slice %arg4[%add3A_324] : memref<320000xi32, #tpu.memory_space<hbm>> -> memref<40xi32, #tpu.memory_space<hbm>>
    %dma_wait3A_328 = arith.constant 160 : i32
    %dma_wait3A_329 = tpu.memref_slice %arg8[%dma_wait3A_328] : memref<280xi32, #tpu.memory_space<vmem>> -> memref<40xi32, #tpu.memory_space<vmem>>
    %dma_wait3A_330 = tpu.memref_slice %arg4[%add3A_324] : memref<320000xi32, #tpu.memory_space<hbm>> -> memref<40xi32, #tpu.memory_space<hbm>>
    tpu.wait_dma2 semaphore(%arg22 : memref<!tpu.dma_semaphore, #tpu.memory_space<semaphore_mem>>) src(%dma_wait3A_330 : memref<40xi32, #tpu.memory_space<hbm>>) dst(%dma_wait3A_329 : memref<40xi32, #tpu.memory_space<vmem>>)
    %run_scoped3A_331 = arith.constant 4 : i32
    "tpu.region"() ({
      %run_scoped3A_505 = tpu.sem_alloc : memref<!tpu.dma_semaphore, #tpu.memory_space<semaphore_mem>>
      %dma_start3A_506 = arith.constant 0 : i32
      %dma_start3A_507 = arith.constant 0 : i32
      %dma_start3A_508 = tpu.memref_slice %arg9[%run_scoped3A_331, %dma_start3A_506, %dma_start3A_507] : memref<7x40x128xf32, #tpu.memory_space<vmem>> -> memref<1x40x128xf32, #tpu.memory_space<vmem>>
      %dma_start3A_509 = tpu.memref_squeeze %dma_start3A_508 : memref<1x40x128xf32, #tpu.memory_space<vmem>> -> memref<40x128xf32, #tpu.memory_space<vmem>>
      %dma_start3A_510 = arith.constant 160 : i32
      %dma_start3A_511 = tpu.memref_slice %arg8[%dma_start3A_510] : memref<280xi32, #tpu.memory_space<vmem>> -> memref<40xi32, #tpu.memory_space<vmem>>
      %dma_start3A_512 = arith.constant 0 : i32
      %dma_start3A_513 = arith.constant 0 : i32
      %dma_start3A_514 = tpu.memref_slice %arg10[%dma_start3A_512, %dma_start3A_513] : memref<10000x128xf32, #tpu.memory_space<vmem_shared>> -> memref<10000x128xf32, #tpu.memory_space<vmem_shared>>
      tpu.enqueue_indirect_dma source(%dma_start3A_509 : memref<40x128xf32, #tpu.memory_space<vmem>>) target(%dma_start3A_514 : memref<10000x128xf32, #tpu.memory_space<vmem_shared>>) offsets(%dma_start3A_511 : memref<40xi32, #tpu.memory_space<vmem>>) semaphore(%run_scoped3A_505 : memref<!tpu.dma_semaphore, #tpu.memory_space<semaphore_mem>>) {add = true}
      %dma_wait3A_515 = arith.constant 0 : i32
      %dma_wait3A_516 = arith.constant 0 : i32
      %dma_wait3A_517 = tpu.memref_slice %arg9[%run_scoped3A_331, %dma_wait3A_515, %dma_wait3A_516] : memref<7x40x128xf32, #tpu.memory_space<vmem>> -> memref<1x40x128xf32, #tpu.memory_space<vmem>>
      %dma_wait3A_518 = tpu.memref_squeeze %dma_wait3A_517 : memref<1x40x128xf32, #tpu.memory_space<vmem>> -> memref<40x128xf32, #tpu.memory_space<vmem>>
      %dma_wait3A_519 = arith.constant 160 : i32
      %dma_wait3A_520 = tpu.memref_slice %arg8[%dma_wait3A_519] : memref<280xi32, #tpu.memory_space<vmem>> -> memref<40xi32, #tpu.memory_space<vmem>>
      %dma_wait3A_521 = arith.constant 0 : i32
      %dma_wait3A_522 = arith.constant 0 : i32
      %dma_wait3A_523 = tpu.memref_slice %arg10[%dma_wait3A_521, %dma_wait3A_522] : memref<10000x128xf32, #tpu.memory_space<vmem_shared>> -> memref<10000x128xf32, #tpu.memory_space<vmem_shared>>
      tpu.wait_indirect_dma semaphore(%run_scoped3A_505 : memref<!tpu.dma_semaphore, #tpu.memory_space<semaphore_mem>>) src(%dma_wait3A_518 : memref<40x128xf32, #tpu.memory_space<vmem>>) dst(%dma_wait3A_523 : memref<10000x128xf32, #tpu.memory_space<vmem_shared>>)
      tpu.yield
    }) : () -> ()
    %mul3A_332 = arith.constant 10000 : i32
    %mul3A_333 = arith.muli %add3A, %mul3A_332 : i32
    %add3A_334 = arith.constant 9960 : i32
    %add3A_335 = arith.addi %mul3A_333, %add3A_334 : i32
    %dma_start3A_336 = arith.constant 160 : i32
    %dma_start3A_337 = tpu.memref_slice %arg8[%dma_start3A_336] : memref<280xi32, #tpu.memory_space<vmem>> -> memref<40xi32, #tpu.memory_space<vmem>>
    %dma_start3A_338 = tpu.memref_slice %arg4[%add3A_335] : memref<320000xi32, #tpu.memory_space<hbm>> -> memref<40xi32, #tpu.memory_space<hbm>>
    %dma_start3A_339 = arith.constant 160 : i32
    %dma_start3A_340 = tpu.memref_slice %arg8[%dma_start3A_339] : memref<280xi32, #tpu.memory_space<vmem>> -> memref<40xi32, #tpu.memory_space<vmem>>
    %dma_start3A_341 = tpu.memref_slice %arg4[%add3A_335] : memref<320000xi32, #tpu.memory_space<hbm>> -> memref<40xi32, #tpu.memory_space<hbm>>
    tpu.enqueue_dma source(%dma_start3A_341 : memref<40xi32, #tpu.memory_space<hbm>>) target(%dma_start3A_340 : memref<40xi32, #tpu.memory_space<vmem>>) target_semaphore(%arg22 : memref<!tpu.dma_semaphore, #tpu.memory_space<semaphore_mem>>)
    %dma_start3A_342 = arith.constant 4 : i32
    %dma_start3A_343 = arith.constant 0 : i32
    %dma_start3A_344 = arith.constant 0 : i32
    %dma_start3A_345 = tpu.memref_slice %arg9[%dma_start3A_342, %dma_start3A_343, %dma_start3A_344] : memref<7x40x128xf32, #tpu.memory_space<vmem>> -> memref<1x40x128xf32, #tpu.memory_space<vmem>>
    %dma_start3A_346 = tpu.memref_squeeze %dma_start3A_345 : memref<1x40x128xf32, #tpu.memory_space<vmem>> -> memref<40x128xf32, #tpu.memory_space<vmem>>
    %dma_start3A_347 = arith.constant 9960 : i32
    %dma_start3A_348 = tpu.memref_slice %arg7[%dma_start3A_347] : memref<10000xi32, #tpu.memory_space<vmem>> -> memref<40xi32, #tpu.memory_space<vmem>>
    %dma_start3A_349 = arith.constant 0 : i32
    %dma_start3A_350 = arith.constant 0 : i32
    %dma_start3A_351 = tpu.memref_slice %arg2[%dma_start3A_349, %dma_start3A_350] : memref<10000x128xf32, #tpu.memory_space<hbm>> -> memref<10000x128xf32, #tpu.memory_space<hbm>>
    tpu.enqueue_indirect_dma source(%dma_start3A_351 : memref<10000x128xf32, #tpu.memory_space<hbm>>) target(%dma_start3A_346 : memref<40x128xf32, #tpu.memory_space<vmem>>) offsets(%dma_start3A_348 : memref<40xi32, #tpu.memory_space<vmem>>) semaphore(%arg15 : memref<!tpu.dma_semaphore, #tpu.memory_space<semaphore_mem>>)
    %dma_wait3A_352 = arith.constant 5 : i32
    %dma_wait3A_353 = arith.constant 0 : i32
    %dma_wait3A_354 = arith.constant 0 : i32
    %dma_wait3A_355 = tpu.memref_slice %arg9[%dma_wait3A_352, %dma_wait3A_353, %dma_wait3A_354] : memref<7x40x128xf32, #tpu.memory_space<vmem>> -> memref<1x40x128xf32, #tpu.memory_space<vmem>>
    %dma_wait3A_356 = tpu.memref_squeeze %dma_wait3A_355 : memref<1x40x128xf32, #tpu.memory_space<vmem>> -> memref<40x128xf32, #tpu.memory_space<vmem>>
    %dma_wait3A_357 = arith.constant 9720 : i32
    %dma_wait3A_358 = tpu.memref_slice %arg7[%dma_wait3A_357] : memref<10000xi32, #tpu.memory_space<vmem>> -> memref<40xi32, #tpu.memory_space<vmem>>
    %dma_wait3A_359 = arith.constant 0 : i32
    %dma_wait3A_360 = arith.constant 0 : i32
    %dma_wait3A_361 = tpu.memref_slice %arg2[%dma_wait3A_359, %dma_wait3A_360] : memref<10000x128xf32, #tpu.memory_space<hbm>> -> memref<10000x128xf32, #tpu.memory_space<hbm>>
    tpu.wait_indirect_dma semaphore(%arg16 : memref<!tpu.dma_semaphore, #tpu.memory_space<semaphore_mem>>) src(%dma_wait3A_361 : memref<10000x128xf32, #tpu.memory_space<hbm>>) dst(%dma_wait3A_356 : memref<40x128xf32, #tpu.memory_space<vmem>>)
    %mul3A_362 = arith.constant 10000 : i32
    %mul3A_363 = arith.muli %add3A, %mul3A_362 : i32
    %add3A_364 = arith.constant 9720 : i32
    %add3A_365 = arith.addi %mul3A_363, %add3A_364 : i32
    %dma_wait3A_366 = arith.constant 200 : i32
    %dma_wait3A_367 = tpu.memref_slice %arg8[%dma_wait3A_366] : memref<280xi32, #tpu.memory_space<vmem>> -> memref<40xi32, #tpu.memory_space<vmem>>
    %dma_wait3A_368 = tpu.memref_slice %arg4[%add3A_365] : memref<320000xi32, #tpu.memory_space<hbm>> -> memref<40xi32, #tpu.memory_space<hbm>>
    %dma_wait3A_369 = arith.constant 200 : i32
    %dma_wait3A_370 = tpu.memref_slice %arg8[%dma_wait3A_369] : memref<280xi32, #tpu.memory_space<vmem>> -> memref<40xi32, #tpu.memory_space<vmem>>
    %dma_wait3A_371 = tpu.memref_slice %arg4[%add3A_365] : memref<320000xi32, #tpu.memory_space<hbm>> -> memref<40xi32, #tpu.memory_space<hbm>>
    tpu.wait_dma2 semaphore(%arg23 : memref<!tpu.dma_semaphore, #tpu.memory_space<semaphore_mem>>) src(%dma_wait3A_371 : memref<40xi32, #tpu.memory_space<hbm>>) dst(%dma_wait3A_370 : memref<40xi32, #tpu.memory_space<vmem>>)
    %run_scoped3A_372 = arith.constant 5 : i32
    "tpu.region"() ({
      %run_scoped3A_505 = tpu.sem_alloc : memref<!tpu.dma_semaphore, #tpu.memory_space<semaphore_mem>>
      %dma_start3A_506 = arith.constant 0 : i32
      %dma_start3A_507 = arith.constant 0 : i32
      %dma_start3A_508 = tpu.memref_slice %arg9[%run_scoped3A_372, %dma_start3A_506, %dma_start3A_507] : memref<7x40x128xf32, #tpu.memory_space<vmem>> -> memref<1x40x128xf32, #tpu.memory_space<vmem>>
      %dma_start3A_509 = tpu.memref_squeeze %dma_start3A_508 : memref<1x40x128xf32, #tpu.memory_space<vmem>> -> memref<40x128xf32, #tpu.memory_space<vmem>>
      %dma_start3A_510 = arith.constant 200 : i32
      %dma_start3A_511 = tpu.memref_slice %arg8[%dma_start3A_510] : memref<280xi32, #tpu.memory_space<vmem>> -> memref<40xi32, #tpu.memory_space<vmem>>
      %dma_start3A_512 = arith.constant 0 : i32
      %dma_start3A_513 = arith.constant 0 : i32
      %dma_start3A_514 = tpu.memref_slice %arg10[%dma_start3A_512, %dma_start3A_513] : memref<10000x128xf32, #tpu.memory_space<vmem_shared>> -> memref<10000x128xf32, #tpu.memory_space<vmem_shared>>
      tpu.enqueue_indirect_dma source(%dma_start3A_509 : memref<40x128xf32, #tpu.memory_space<vmem>>) target(%dma_start3A_514 : memref<10000x128xf32, #tpu.memory_space<vmem_shared>>) offsets(%dma_start3A_511 : memref<40xi32, #tpu.memory_space<vmem>>) semaphore(%run_scoped3A_505 : memref<!tpu.dma_semaphore, #tpu.memory_space<semaphore_mem>>) {add = true}
      %dma_wait3A_515 = arith.constant 0 : i32
      %dma_wait3A_516 = arith.constant 0 : i32
      %dma_wait3A_517 = tpu.memref_slice %arg9[%run_scoped3A_372, %dma_wait3A_515, %dma_wait3A_516] : memref<7x40x128xf32, #tpu.memory_space<vmem>> -> memref<1x40x128xf32, #tpu.memory_space<vmem>>
      %dma_wait3A_518 = tpu.memref_squeeze %dma_wait3A_517 : memref<1x40x128xf32, #tpu.memory_space<vmem>> -> memref<40x128xf32, #tpu.memory_space<vmem>>
      %dma_wait3A_519 = arith.constant 200 : i32
      %dma_wait3A_520 = tpu.memref_slice %arg8[%dma_wait3A_519] : memref<280xi32, #tpu.memory_space<vmem>> -> memref<40xi32, #tpu.memory_space<vmem>>
      %dma_wait3A_521 = arith.constant 0 : i32
      %dma_wait3A_522 = arith.constant 0 : i32
      %dma_wait3A_523 = tpu.memref_slice %arg10[%dma_wait3A_521, %dma_wait3A_522] : memref<10000x128xf32, #tpu.memory_space<vmem_shared>> -> memref<10000x128xf32, #tpu.memory_space<vmem_shared>>
      tpu.wait_indirect_dma semaphore(%run_scoped3A_505 : memref<!tpu.dma_semaphore, #tpu.memory_space<semaphore_mem>>) src(%dma_wait3A_518 : memref<40x128xf32, #tpu.memory_space<vmem>>) dst(%dma_wait3A_523 : memref<10000x128xf32, #tpu.memory_space<vmem_shared>>)
      tpu.yield
    }) : () -> ()
    %dma_wait3A_373 = arith.constant 6 : i32
    %dma_wait3A_374 = arith.constant 0 : i32
    %dma_wait3A_375 = arith.constant 0 : i32
    %dma_wait3A_376 = tpu.memref_slice %arg9[%dma_wait3A_373, %dma_wait3A_374, %dma_wait3A_375] : memref<7x40x128xf32, #tpu.memory_space<vmem>> -> memref<1x40x128xf32, #tpu.memory_space<vmem>>
    %dma_wait3A_377 = tpu.memref_squeeze %dma_wait3A_376 : memref<1x40x128xf32, #tpu.memory_space<vmem>> -> memref<40x128xf32, #tpu.memory_space<vmem>>
    %dma_wait3A_378 = arith.constant 9760 : i32
    %dma_wait3A_379 = tpu.memref_slice %arg7[%dma_wait3A_378] : memref<10000xi32, #tpu.memory_space<vmem>> -> memref<40xi32, #tpu.memory_space<vmem>>
    %dma_wait3A_380 = arith.constant 0 : i32
    %dma_wait3A_381 = arith.constant 0 : i32
    %dma_wait3A_382 = tpu.memref_slice %arg2[%dma_wait3A_380, %dma_wait3A_381] : memref<10000x128xf32, #tpu.memory_space<hbm>> -> memref<10000x128xf32, #tpu.memory_space<hbm>>
    tpu.wait_indirect_dma semaphore(%arg17 : memref<!tpu.dma_semaphore, #tpu.memory_space<semaphore_mem>>) src(%dma_wait3A_382 : memref<10000x128xf32, #tpu.memory_space<hbm>>) dst(%dma_wait3A_377 : memref<40x128xf32, #tpu.memory_space<vmem>>)
    %mul3A_383 = arith.constant 10000 : i32
    %mul3A_384 = arith.muli %add3A, %mul3A_383 : i32
    %add3A_385 = arith.constant 9760 : i32
    %add3A_386 = arith.addi %mul3A_384, %add3A_385 : i32
    %dma_wait3A_387 = arith.constant 240 : i32
    %dma_wait3A_388 = tpu.memref_slice %arg8[%dma_wait3A_387] : memref<280xi32, #tpu.memory_space<vmem>> -> memref<40xi32, #tpu.memory_space<vmem>>
    %dma_wait3A_389 = tpu.memref_slice %arg4[%add3A_386] : memref<320000xi32, #tpu.memory_space<hbm>> -> memref<40xi32, #tpu.memory_space<hbm>>
    %dma_wait3A_390 = arith.constant 240 : i32
    %dma_wait3A_391 = tpu.memref_slice %arg8[%dma_wait3A_390] : memref<280xi32, #tpu.memory_space<vmem>> -> memref<40xi32, #tpu.memory_space<vmem>>
    %dma_wait3A_392 = tpu.memref_slice %arg4[%add3A_386] : memref<320000xi32, #tpu.memory_space<hbm>> -> memref<40xi32, #tpu.memory_space<hbm>>
    tpu.wait_dma2 semaphore(%arg24 : memref<!tpu.dma_semaphore, #tpu.memory_space<semaphore_mem>>) src(%dma_wait3A_392 : memref<40xi32, #tpu.memory_space<hbm>>) dst(%dma_wait3A_391 : memref<40xi32, #tpu.memory_space<vmem>>)
    %run_scoped3A_393 = arith.constant 6 : i32
    "tpu.region"() ({
      %run_scoped3A_505 = tpu.sem_alloc : memref<!tpu.dma_semaphore, #tpu.memory_space<semaphore_mem>>
      %dma_start3A_506 = arith.constant 0 : i32
      %dma_start3A_507 = arith.constant 0 : i32
      %dma_start3A_508 = tpu.memref_slice %arg9[%run_scoped3A_393, %dma_start3A_506, %dma_start3A_507] : memref<7x40x128xf32, #tpu.memory_space<vmem>> -> memref<1x40x128xf32, #tpu.memory_space<vmem>>
      %dma_start3A_509 = tpu.memref_squeeze %dma_start3A_508 : memref<1x40x128xf32, #tpu.memory_space<vmem>> -> memref<40x128xf32, #tpu.memory_space<vmem>>
      %dma_start3A_510 = arith.constant 240 : i32
      %dma_start3A_511 = tpu.memref_slice %arg8[%dma_start3A_510] : memref<280xi32, #tpu.memory_space<vmem>> -> memref<40xi32, #tpu.memory_space<vmem>>
      %dma_start3A_512 = arith.constant 0 : i32
      %dma_start3A_513 = arith.constant 0 : i32
      %dma_start3A_514 = tpu.memref_slice %arg10[%dma_start3A_512, %dma_start3A_513] : memref<10000x128xf32, #tpu.memory_space<vmem_shared>> -> memref<10000x128xf32, #tpu.memory_space<vmem_shared>>
      tpu.enqueue_indirect_dma source(%dma_start3A_509 : memref<40x128xf32, #tpu.memory_space<vmem>>) target(%dma_start3A_514 : memref<10000x128xf32, #tpu.memory_space<vmem_shared>>) offsets(%dma_start3A_511 : memref<40xi32, #tpu.memory_space<vmem>>) semaphore(%run_scoped3A_505 : memref<!tpu.dma_semaphore, #tpu.memory_space<semaphore_mem>>) {add = true}
      %dma_wait3A_515 = arith.constant 0 : i32
      %dma_wait3A_516 = arith.constant 0 : i32
      %dma_wait3A_517 = tpu.memref_slice %arg9[%run_scoped3A_393, %dma_wait3A_515, %dma_wait3A_516] : memref<7x40x128xf32, #tpu.memory_space<vmem>> -> memref<1x40x128xf32, #tpu.memory_space<vmem>>
      %dma_wait3A_518 = tpu.memref_squeeze %dma_wait3A_517 : memref<1x40x128xf32, #tpu.memory_space<vmem>> -> memref<40x128xf32, #tpu.memory_space<vmem>>
      %dma_wait3A_519 = arith.constant 240 : i32
      %dma_wait3A_520 = tpu.memref_slice %arg8[%dma_wait3A_519] : memref<280xi32, #tpu.memory_space<vmem>> -> memref<40xi32, #tpu.memory_space<vmem>>
      %dma_wait3A_521 = arith.constant 0 : i32
      %dma_wait3A_522 = arith.constant 0 : i32
      %dma_wait3A_523 = tpu.memref_slice %arg10[%dma_wait3A_521, %dma_wait3A_522] : memref<10000x128xf32, #tpu.memory_space<vmem_shared>> -> memref<10000x128xf32, #tpu.memory_space<vmem_shared>>
      tpu.wait_indirect_dma semaphore(%run_scoped3A_505 : memref<!tpu.dma_semaphore, #tpu.memory_space<semaphore_mem>>) src(%dma_wait3A_518 : memref<40x128xf32, #tpu.memory_space<vmem>>) dst(%dma_wait3A_523 : memref<10000x128xf32, #tpu.memory_space<vmem_shared>>)
      tpu.yield
    }) : () -> ()
    %dma_wait3A_394 = arith.constant 0 : i32
    %dma_wait3A_395 = arith.constant 0 : i32
    %dma_wait3A_396 = arith.constant 0 : i32
    %dma_wait3A_397 = tpu.memref_slice %arg9[%dma_wait3A_394, %dma_wait3A_395, %dma_wait3A_396] : memref<7x40x128xf32, #tpu.memory_space<vmem>> -> memref<1x40x128xf32, #tpu.memory_space<vmem>>
    %dma_wait3A_398 = tpu.memref_squeeze %dma_wait3A_397 : memref<1x40x128xf32, #tpu.memory_space<vmem>> -> memref<40x128xf32, #tpu.memory_space<vmem>>
    %dma_wait3A_399 = arith.constant 9800 : i32
    %dma_wait3A_400 = tpu.memref_slice %arg7[%dma_wait3A_399] : memref<10000xi32, #tpu.memory_space<vmem>> -> memref<40xi32, #tpu.memory_space<vmem>>
    %dma_wait3A_401 = arith.constant 0 : i32
    %dma_wait3A_402 = arith.constant 0 : i32
    %dma_wait3A_403 = tpu.memref_slice %arg2[%dma_wait3A_401, %dma_wait3A_402] : memref<10000x128xf32, #tpu.memory_space<hbm>> -> memref<10000x128xf32, #tpu.memory_space<hbm>>
    tpu.wait_indirect_dma semaphore(%arg11 : memref<!tpu.dma_semaphore, #tpu.memory_space<semaphore_mem>>) src(%dma_wait3A_403 : memref<10000x128xf32, #tpu.memory_space<hbm>>) dst(%dma_wait3A_398 : memref<40x128xf32, #tpu.memory_space<vmem>>)
    %mul3A_404 = arith.constant 10000 : i32
    %mul3A_405 = arith.muli %add3A, %mul3A_404 : i32
    %add3A_406 = arith.constant 9800 : i32
    %add3A_407 = arith.addi %mul3A_405, %add3A_406 : i32
    %dma_wait3A_408 = arith.constant 0 : i32
    %dma_wait3A_409 = tpu.memref_slice %arg8[%dma_wait3A_408] : memref<280xi32, #tpu.memory_space<vmem>> -> memref<40xi32, #tpu.memory_space<vmem>>
    %dma_wait3A_410 = tpu.memref_slice %arg4[%add3A_407] : memref<320000xi32, #tpu.memory_space<hbm>> -> memref<40xi32, #tpu.memory_space<hbm>>
    %dma_wait3A_411 = arith.constant 0 : i32
    %dma_wait3A_412 = tpu.memref_slice %arg8[%dma_wait3A_411] : memref<280xi32, #tpu.memory_space<vmem>> -> memref<40xi32, #tpu.memory_space<vmem>>
    %dma_wait3A_413 = tpu.memref_slice %arg4[%add3A_407] : memref<320000xi32, #tpu.memory_space<hbm>> -> memref<40xi32, #tpu.memory_space<hbm>>
    tpu.wait_dma2 semaphore(%arg18 : memref<!tpu.dma_semaphore, #tpu.memory_space<semaphore_mem>>) src(%dma_wait3A_413 : memref<40xi32, #tpu.memory_space<hbm>>) dst(%dma_wait3A_412 : memref<40xi32, #tpu.memory_space<vmem>>)
    %run_scoped3A_414 = arith.constant 0 : i32
    "tpu.region"() ({
      %run_scoped3A_505 = tpu.sem_alloc : memref<!tpu.dma_semaphore, #tpu.memory_space<semaphore_mem>>
      %dma_start3A_506 = arith.constant 0 : i32
      %dma_start3A_507 = arith.constant 0 : i32
      %dma_start3A_508 = tpu.memref_slice %arg9[%run_scoped3A_414, %dma_start3A_506, %dma_start3A_507] : memref<7x40x128xf32, #tpu.memory_space<vmem>> -> memref<1x40x128xf32, #tpu.memory_space<vmem>>
      %dma_start3A_509 = tpu.memref_squeeze %dma_start3A_508 : memref<1x40x128xf32, #tpu.memory_space<vmem>> -> memref<40x128xf32, #tpu.memory_space<vmem>>
      %dma_start3A_510 = arith.constant 0 : i32
      %dma_start3A_511 = tpu.memref_slice %arg8[%dma_start3A_510] : memref<280xi32, #tpu.memory_space<vmem>> -> memref<40xi32, #tpu.memory_space<vmem>>
      %dma_start3A_512 = arith.constant 0 : i32
      %dma_start3A_513 = arith.constant 0 : i32
      %dma_start3A_514 = tpu.memref_slice %arg10[%dma_start3A_512, %dma_start3A_513] : memref<10000x128xf32, #tpu.memory_space<vmem_shared>> -> memref<10000x128xf32, #tpu.memory_space<vmem_shared>>
      tpu.enqueue_indirect_dma source(%dma_start3A_509 : memref<40x128xf32, #tpu.memory_space<vmem>>) target(%dma_start3A_514 : memref<10000x128xf32, #tpu.memory_space<vmem_shared>>) offsets(%dma_start3A_511 : memref<40xi32, #tpu.memory_space<vmem>>) semaphore(%run_scoped3A_505 : memref<!tpu.dma_semaphore, #tpu.memory_space<semaphore_mem>>) {add = true}
      %dma_wait3A_515 = arith.constant 0 : i32
      %dma_wait3A_516 = arith.constant 0 : i32
      %dma_wait3A_517 = tpu.memref_slice %arg9[%run_scoped3A_414, %dma_wait3A_515, %dma_wait3A_516] : memref<7x40x128xf32, #tpu.memory_space<vmem>> -> memref<1x40x128xf32, #tpu.memory_space<vmem>>
      %dma_wait3A_518 = tpu.memref_squeeze %dma_wait3A_517 : memref<1x40x128xf32, #tpu.memory_space<vmem>> -> memref<40x128xf32, #tpu.memory_space<vmem>>
      %dma_wait3A_519 = arith.constant 0 : i32
      %dma_wait3A_520 = tpu.memref_slice %arg8[%dma_wait3A_519] : memref<280xi32, #tpu.memory_space<vmem>> -> memref<40xi32, #tpu.memory_space<vmem>>
      %dma_wait3A_521 = arith.constant 0 : i32
      %dma_wait3A_522 = arith.constant 0 : i32
      %dma_wait3A_523 = tpu.memref_slice %arg10[%dma_wait3A_521, %dma_wait3A_522] : memref<10000x128xf32, #tpu.memory_space<vmem_shared>> -> memref<10000x128xf32, #tpu.memory_space<vmem_shared>>
      tpu.wait_indirect_dma semaphore(%run_scoped3A_505 : memref<!tpu.dma_semaphore, #tpu.memory_space<semaphore_mem>>) src(%dma_wait3A_518 : memref<40x128xf32, #tpu.memory_space<vmem>>) dst(%dma_wait3A_523 : memref<10000x128xf32, #tpu.memory_space<vmem_shared>>)
      tpu.yield
    }) : () -> ()
    %dma_wait3A_415 = arith.constant 1 : i32
    %dma_wait3A_416 = arith.constant 0 : i32
    %dma_wait3A_417 = arith.constant 0 : i32
    %dma_wait3A_418 = tpu.memref_slice %arg9[%dma_wait3A_415, %dma_wait3A_416, %dma_wait3A_417] : memref<7x40x128xf32, #tpu.memory_space<vmem>> -> memref<1x40x128xf32, #tpu.memory_space<vmem>>
    %dma_wait3A_419 = tpu.memref_squeeze %dma_wait3A_418 : memref<1x40x128xf32, #tpu.memory_space<vmem>> -> memref<40x128xf32, #tpu.memory_space<vmem>>
    %dma_wait3A_420 = arith.constant 9840 : i32
    %dma_wait3A_421 = tpu.memref_slice %arg7[%dma_wait3A_420] : memref<10000xi32, #tpu.memory_space<vmem>> -> memref<40xi32, #tpu.memory_space<vmem>>
    %dma_wait3A_422 = arith.constant 0 : i32
    %dma_wait3A_423 = arith.constant 0 : i32
    %dma_wait3A_424 = tpu.memref_slice %arg2[%dma_wait3A_422, %dma_wait3A_423] : memref<10000x128xf32, #tpu.memory_space<hbm>> -> memref<10000x128xf32, #tpu.memory_space<hbm>>
    tpu.wait_indirect_dma semaphore(%arg12 : memref<!tpu.dma_semaphore, #tpu.memory_space<semaphore_mem>>) src(%dma_wait3A_424 : memref<10000x128xf32, #tpu.memory_space<hbm>>) dst(%dma_wait3A_419 : memref<40x128xf32, #tpu.memory_space<vmem>>)
    %mul3A_425 = arith.constant 10000 : i32
    %mul3A_426 = arith.muli %add3A, %mul3A_425 : i32
    %add3A_427 = arith.constant 9840 : i32
    %add3A_428 = arith.addi %mul3A_426, %add3A_427 : i32
    %dma_wait3A_429 = arith.constant 40 : i32
    %dma_wait3A_430 = tpu.memref_slice %arg8[%dma_wait3A_429] : memref<280xi32, #tpu.memory_space<vmem>> -> memref<40xi32, #tpu.memory_space<vmem>>
    %dma_wait3A_431 = tpu.memref_slice %arg4[%add3A_428] : memref<320000xi32, #tpu.memory_space<hbm>> -> memref<40xi32, #tpu.memory_space<hbm>>
    %dma_wait3A_432 = arith.constant 40 : i32
    %dma_wait3A_433 = tpu.memref_slice %arg8[%dma_wait3A_432] : memref<280xi32, #tpu.memory_space<vmem>> -> memref<40xi32, #tpu.memory_space<vmem>>
    %dma_wait3A_434 = tpu.memref_slice %arg4[%add3A_428] : memref<320000xi32, #tpu.memory_space<hbm>> -> memref<40xi32, #tpu.memory_space<hbm>>
    tpu.wait_dma2 semaphore(%arg19 : memref<!tpu.dma_semaphore, #tpu.memory_space<semaphore_mem>>) src(%dma_wait3A_434 : memref<40xi32, #tpu.memory_space<hbm>>) dst(%dma_wait3A_433 : memref<40xi32, #tpu.memory_space<vmem>>)
    %run_scoped3A_435 = arith.constant 1 : i32
    "tpu.region"() ({
      %run_scoped3A_505 = tpu.sem_alloc : memref<!tpu.dma_semaphore, #tpu.memory_space<semaphore_mem>>
      %dma_start3A_506 = arith.constant 0 : i32
      %dma_start3A_507 = arith.constant 0 : i32
      %dma_start3A_508 = tpu.memref_slice %arg9[%run_scoped3A_435, %dma_start3A_506, %dma_start3A_507] : memref<7x40x128xf32, #tpu.memory_space<vmem>> -> memref<1x40x128xf32, #tpu.memory_space<vmem>>
      %dma_start3A_509 = tpu.memref_squeeze %dma_start3A_508 : memref<1x40x128xf32, #tpu.memory_space<vmem>> -> memref<40x128xf32, #tpu.memory_space<vmem>>
      %dma_start3A_510 = arith.constant 40 : i32
      %dma_start3A_511 = tpu.memref_slice %arg8[%dma_start3A_510] : memref<280xi32, #tpu.memory_space<vmem>> -> memref<40xi32, #tpu.memory_space<vmem>>
      %dma_start3A_512 = arith.constant 0 : i32
      %dma_start3A_513 = arith.constant 0 : i32
      %dma_start3A_514 = tpu.memref_slice %arg10[%dma_start3A_512, %dma_start3A_513] : memref<10000x128xf32, #tpu.memory_space<vmem_shared>> -> memref<10000x128xf32, #tpu.memory_space<vmem_shared>>
      tpu.enqueue_indirect_dma source(%dma_start3A_509 : memref<40x128xf32, #tpu.memory_space<vmem>>) target(%dma_start3A_514 : memref<10000x128xf32, #tpu.memory_space<vmem_shared>>) offsets(%dma_start3A_511 : memref<40xi32, #tpu.memory_space<vmem>>) semaphore(%run_scoped3A_505 : memref<!tpu.dma_semaphore, #tpu.memory_space<semaphore_mem>>) {add = true}
      %dma_wait3A_515 = arith.constant 0 : i32
      %dma_wait3A_516 = arith.constant 0 : i32
      %dma_wait3A_517 = tpu.memref_slice %arg9[%run_scoped3A_435, %dma_wait3A_515, %dma_wait3A_516] : memref<7x40x128xf32, #tpu.memory_space<vmem>> -> memref<1x40x128xf32, #tpu.memory_space<vmem>>
      %dma_wait3A_518 = tpu.memref_squeeze %dma_wait3A_517 : memref<1x40x128xf32, #tpu.memory_space<vmem>> -> memref<40x128xf32, #tpu.memory_space<vmem>>
      %dma_wait3A_519 = arith.constant 40 : i32
      %dma_wait3A_520 = tpu.memref_slice %arg8[%dma_wait3A_519] : memref<280xi32, #tpu.memory_space<vmem>> -> memref<40xi32, #tpu.memory_space<vmem>>
      %dma_wait3A_521 = arith.constant 0 : i32
      %dma_wait3A_522 = arith.constant 0 : i32
      %dma_wait3A_523 = tpu.memref_slice %arg10[%dma_wait3A_521, %dma_wait3A_522] : memref<10000x128xf32, #tpu.memory_space<vmem_shared>> -> memref<10000x128xf32, #tpu.memory_space<vmem_shared>>
      tpu.wait_indirect_dma semaphore(%run_scoped3A_505 : memref<!tpu.dma_semaphore, #tpu.memory_space<semaphore_mem>>) src(%dma_wait3A_518 : memref<40x128xf32, #tpu.memory_space<vmem>>) dst(%dma_wait3A_523 : memref<10000x128xf32, #tpu.memory_space<vmem_shared>>)
      tpu.yield
    }) : () -> ()
    %dma_wait3A_436 = arith.constant 2 : i32
    %dma_wait3A_437 = arith.constant 0 : i32
    %dma_wait3A_438 = arith.constant 0 : i32
    %dma_wait3A_439 = tpu.memref_slice %arg9[%dma_wait3A_436, %dma_wait3A_437, %dma_wait3A_438] : memref<7x40x128xf32, #tpu.memory_space<vmem>> -> memref<1x40x128xf32, #tpu.memory_space<vmem>>
    %dma_wait3A_440 = tpu.memref_squeeze %dma_wait3A_439 : memref<1x40x128xf32, #tpu.memory_space<vmem>> -> memref<40x128xf32, #tpu.memory_space<vmem>>
    %dma_wait3A_441 = arith.constant 9880 : i32
    %dma_wait3A_442 = tpu.memref_slice %arg7[%dma_wait3A_441] : memref<10000xi32, #tpu.memory_space<vmem>> -> memref<40xi32, #tpu.memory_space<vmem>>
    %dma_wait3A_443 = arith.constant 0 : i32
    %dma_wait3A_444 = arith.constant 0 : i32
    %dma_wait3A_445 = tpu.memref_slice %arg2[%dma_wait3A_443, %dma_wait3A_444] : memref<10000x128xf32, #tpu.memory_space<hbm>> -> memref<10000x128xf32, #tpu.memory_space<hbm>>
    tpu.wait_indirect_dma semaphore(%arg13 : memref<!tpu.dma_semaphore, #tpu.memory_space<semaphore_mem>>) src(%dma_wait3A_445 : memref<10000x128xf32, #tpu.memory_space<hbm>>) dst(%dma_wait3A_440 : memref<40x128xf32, #tpu.memory_space<vmem>>)
    %mul3A_446 = arith.constant 10000 : i32
    %mul3A_447 = arith.muli %add3A, %mul3A_446 : i32
    %add3A_448 = arith.constant 9880 : i32
    %add3A_449 = arith.addi %mul3A_447, %add3A_448 : i32
    %dma_wait3A_450 = arith.constant 80 : i32
    %dma_wait3A_451 = tpu.memref_slice %arg8[%dma_wait3A_450] : memref<280xi32, #tpu.memory_space<vmem>> -> memref<40xi32, #tpu.memory_space<vmem>>
    %dma_wait3A_452 = tpu.memref_slice %arg4[%add3A_449] : memref<320000xi32, #tpu.memory_space<hbm>> -> memref<40xi32, #tpu.memory_space<hbm>>
    %dma_wait3A_453 = arith.constant 80 : i32
    %dma_wait3A_454 = tpu.memref_slice %arg8[%dma_wait3A_453] : memref<280xi32, #tpu.memory_space<vmem>> -> memref<40xi32, #tpu.memory_space<vmem>>
    %dma_wait3A_455 = tpu.memref_slice %arg4[%add3A_449] : memref<320000xi32, #tpu.memory_space<hbm>> -> memref<40xi32, #tpu.memory_space<hbm>>
    tpu.wait_dma2 semaphore(%arg20 : memref<!tpu.dma_semaphore, #tpu.memory_space<semaphore_mem>>) src(%dma_wait3A_455 : memref<40xi32, #tpu.memory_space<hbm>>) dst(%dma_wait3A_454 : memref<40xi32, #tpu.memory_space<vmem>>)
    %run_scoped3A_456 = arith.constant 2 : i32
    "tpu.region"() ({
      %run_scoped3A_505 = tpu.sem_alloc : memref<!tpu.dma_semaphore, #tpu.memory_space<semaphore_mem>>
      %dma_start3A_506 = arith.constant 0 : i32
      %dma_start3A_507 = arith.constant 0 : i32
      %dma_start3A_508 = tpu.memref_slice %arg9[%run_scoped3A_456, %dma_start3A_506, %dma_start3A_507] : memref<7x40x128xf32, #tpu.memory_space<vmem>> -> memref<1x40x128xf32, #tpu.memory_space<vmem>>
      %dma_start3A_509 = tpu.memref_squeeze %dma_start3A_508 : memref<1x40x128xf32, #tpu.memory_space<vmem>> -> memref<40x128xf32, #tpu.memory_space<vmem>>
      %dma_start3A_510 = arith.constant 80 : i32
      %dma_start3A_511 = tpu.memref_slice %arg8[%dma_start3A_510] : memref<280xi32, #tpu.memory_space<vmem>> -> memref<40xi32, #tpu.memory_space<vmem>>
      %dma_start3A_512 = arith.constant 0 : i32
      %dma_start3A_513 = arith.constant 0 : i32
      %dma_start3A_514 = tpu.memref_slice %arg10[%dma_start3A_512, %dma_start3A_513] : memref<10000x128xf32, #tpu.memory_space<vmem_shared>> -> memref<10000x128xf32, #tpu.memory_space<vmem_shared>>
      tpu.enqueue_indirect_dma source(%dma_start3A_509 : memref<40x128xf32, #tpu.memory_space<vmem>>) target(%dma_start3A_514 : memref<10000x128xf32, #tpu.memory_space<vmem_shared>>) offsets(%dma_start3A_511 : memref<40xi32, #tpu.memory_space<vmem>>) semaphore(%run_scoped3A_505 : memref<!tpu.dma_semaphore, #tpu.memory_space<semaphore_mem>>) {add = true}
      %dma_wait3A_515 = arith.constant 0 : i32
      %dma_wait3A_516 = arith.constant 0 : i32
      %dma_wait3A_517 = tpu.memref_slice %arg9[%run_scoped3A_456, %dma_wait3A_515, %dma_wait3A_516] : memref<7x40x128xf32, #tpu.memory_space<vmem>> -> memref<1x40x128xf32, #tpu.memory_space<vmem>>
      %dma_wait3A_518 = tpu.memref_squeeze %dma_wait3A_517 : memref<1x40x128xf32, #tpu.memory_space<vmem>> -> memref<40x128xf32, #tpu.memory_space<vmem>>
      %dma_wait3A_519 = arith.constant 80 : i32
      %dma_wait3A_520 = tpu.memref_slice %arg8[%dma_wait3A_519] : memref<280xi32, #tpu.memory_space<vmem>> -> memref<40xi32, #tpu.memory_space<vmem>>
      %dma_wait3A_521 = arith.constant 0 : i32
      %dma_wait3A_522 = arith.constant 0 : i32
      %dma_wait3A_523 = tpu.memref_slice %arg10[%dma_wait3A_521, %dma_wait3A_522] : memref<10000x128xf32, #tpu.memory_space<vmem_shared>> -> memref<10000x128xf32, #tpu.memory_space<vmem_shared>>
      tpu.wait_indirect_dma semaphore(%run_scoped3A_505 : memref<!tpu.dma_semaphore, #tpu.memory_space<semaphore_mem>>) src(%dma_wait3A_518 : memref<40x128xf32, #tpu.memory_space<vmem>>) dst(%dma_wait3A_523 : memref<10000x128xf32, #tpu.memory_space<vmem_shared>>)
      tpu.yield
    }) : () -> ()
    %dma_wait3A_457 = arith.constant 3 : i32
    %dma_wait3A_458 = arith.constant 0 : i32
    %dma_wait3A_459 = arith.constant 0 : i32
    %dma_wait3A_460 = tpu.memref_slice %arg9[%dma_wait3A_457, %dma_wait3A_458, %dma_wait3A_459] : memref<7x40x128xf32, #tpu.memory_space<vmem>> -> memref<1x40x128xf32, #tpu.memory_space<vmem>>
    %dma_wait3A_461 = tpu.memref_squeeze %dma_wait3A_460 : memref<1x40x128xf32, #tpu.memory_space<vmem>> -> memref<40x128xf32, #tpu.memory_space<vmem>>
    %dma_wait3A_462 = arith.constant 9920 : i32
    %dma_wait3A_463 = tpu.memref_slice %arg7[%dma_wait3A_462] : memref<10000xi32, #tpu.memory_space<vmem>> -> memref<40xi32, #tpu.memory_space<vmem>>
    %dma_wait3A_464 = arith.constant 0 : i32
    %dma_wait3A_465 = arith.constant 0 : i32
    %dma_wait3A_466 = tpu.memref_slice %arg2[%dma_wait3A_464, %dma_wait3A_465] : memref<10000x128xf32, #tpu.memory_space<hbm>> -> memref<10000x128xf32, #tpu.memory_space<hbm>>
    tpu.wait_indirect_dma semaphore(%arg14 : memref<!tpu.dma_semaphore, #tpu.memory_space<semaphore_mem>>) src(%dma_wait3A_466 : memref<10000x128xf32, #tpu.memory_space<hbm>>) dst(%dma_wait3A_461 : memref<40x128xf32, #tpu.memory_space<vmem>>)
    %mul3A_467 = arith.constant 10000 : i32
    %mul3A_468 = arith.muli %add3A, %mul3A_467 : i32
    %add3A_469 = arith.constant 9920 : i32
    %add3A_470 = arith.addi %mul3A_468, %add3A_469 : i32
    %dma_wait3A_471 = arith.constant 120 : i32
    %dma_wait3A_472 = tpu.memref_slice %arg8[%dma_wait3A_471] : memref<280xi32, #tpu.memory_space<vmem>> -> memref<40xi32, #tpu.memory_space<vmem>>
    %dma_wait3A_473 = tpu.memref_slice %arg4[%add3A_470] : memref<320000xi32, #tpu.memory_space<hbm>> -> memref<40xi32, #tpu.memory_space<hbm>>
    %dma_wait3A_474 = arith.constant 120 : i32
    %dma_wait3A_475 = tpu.memref_slice %arg8[%dma_wait3A_474] : memref<280xi32, #tpu.memory_space<vmem>> -> memref<40xi32, #tpu.memory_space<vmem>>
    %dma_wait3A_476 = tpu.memref_slice %arg4[%add3A_470] : memref<320000xi32, #tpu.memory_space<hbm>> -> memref<40xi32, #tpu.memory_space<hbm>>
    tpu.wait_dma2 semaphore(%arg21 : memref<!tpu.dma_semaphore, #tpu.memory_space<semaphore_mem>>) src(%dma_wait3A_476 : memref<40xi32, #tpu.memory_space<hbm>>) dst(%dma_wait3A_475 : memref<40xi32, #tpu.memory_space<vmem>>)
    %run_scoped3A_477 = arith.constant 3 : i32
    "tpu.region"() ({
      %run_scoped3A_505 = tpu.sem_alloc : memref<!tpu.dma_semaphore, #tpu.memory_space<semaphore_mem>>
      %dma_start3A_506 = arith.constant 0 : i32
      %dma_start3A_507 = arith.constant 0 : i32
      %dma_start3A_508 = tpu.memref_slice %arg9[%run_scoped3A_477, %dma_start3A_506, %dma_start3A_507] : memref<7x40x128xf32, #tpu.memory_space<vmem>> -> memref<1x40x128xf32, #tpu.memory_space<vmem>>
      %dma_start3A_509 = tpu.memref_squeeze %dma_start3A_508 : memref<1x40x128xf32, #tpu.memory_space<vmem>> -> memref<40x128xf32, #tpu.memory_space<vmem>>
      %dma_start3A_510 = arith.constant 120 : i32
      %dma_start3A_511 = tpu.memref_slice %arg8[%dma_start3A_510] : memref<280xi32, #tpu.memory_space<vmem>> -> memref<40xi32, #tpu.memory_space<vmem>>
      %dma_start3A_512 = arith.constant 0 : i32
      %dma_start3A_513 = arith.constant 0 : i32
      %dma_start3A_514 = tpu.memref_slice %arg10[%dma_start3A_512, %dma_start3A_513] : memref<10000x128xf32, #tpu.memory_space<vmem_shared>> -> memref<10000x128xf32, #tpu.memory_space<vmem_shared>>
      tpu.enqueue_indirect_dma source(%dma_start3A_509 : memref<40x128xf32, #tpu.memory_space<vmem>>) target(%dma_start3A_514 : memref<10000x128xf32, #tpu.memory_space<vmem_shared>>) offsets(%dma_start3A_511 : memref<40xi32, #tpu.memory_space<vmem>>) semaphore(%run_scoped3A_505 : memref<!tpu.dma_semaphore, #tpu.memory_space<semaphore_mem>>) {add = true}
      %dma_wait3A_515 = arith.constant 0 : i32
      %dma_wait3A_516 = arith.constant 0 : i32
      %dma_wait3A_517 = tpu.memref_slice %arg9[%run_scoped3A_477, %dma_wait3A_515, %dma_wait3A_516] : memref<7x40x128xf32, #tpu.memory_space<vmem>> -> memref<1x40x128xf32, #tpu.memory_space<vmem>>
      %dma_wait3A_518 = tpu.memref_squeeze %dma_wait3A_517 : memref<1x40x128xf32, #tpu.memory_space<vmem>> -> memref<40x128xf32, #tpu.memory_space<vmem>>
      %dma_wait3A_519 = arith.constant 120 : i32
      %dma_wait3A_520 = tpu.memref_slice %arg8[%dma_wait3A_519] : memref<280xi32, #tpu.memory_space<vmem>> -> memref<40xi32, #tpu.memory_space<vmem>>
      %dma_wait3A_521 = arith.constant 0 : i32
      %dma_wait3A_522 = arith.constant 0 : i32
      %dma_wait3A_523 = tpu.memref_slice %arg10[%dma_wait3A_521, %dma_wait3A_522] : memref<10000x128xf32, #tpu.memory_space<vmem_shared>> -> memref<10000x128xf32, #tpu.memory_space<vmem_shared>>
      tpu.wait_indirect_dma semaphore(%run_scoped3A_505 : memref<!tpu.dma_semaphore, #tpu.memory_space<semaphore_mem>>) src(%dma_wait3A_518 : memref<40x128xf32, #tpu.memory_space<vmem>>) dst(%dma_wait3A_523 : memref<10000x128xf32, #tpu.memory_space<vmem_shared>>)
      tpu.yield
    }) : () -> ()
    %dma_wait3A_478 = arith.constant 4 : i32
    %dma_wait3A_479 = arith.constant 0 : i32
    %dma_wait3A_480 = arith.constant 0 : i32
    %dma_wait3A_481 = tpu.memref_slice %arg9[%dma_wait3A_478, %dma_wait3A_479, %dma_wait3A_480] : memref<7x40x128xf32, #tpu.memory_space<vmem>> -> memref<1x40x128xf32, #tpu.memory_space<vmem>>
    %dma_wait3A_482 = tpu.memref_squeeze %dma_wait3A_481 : memref<1x40x128xf32, #tpu.memory_space<vmem>> -> memref<40x128xf32, #tpu.memory_space<vmem>>
    %dma_wait3A_483 = arith.constant 9960 : i32
    %dma_wait3A_484 = tpu.memref_slice %arg7[%dma_wait3A_483] : memref<10000xi32, #tpu.memory_space<vmem>> -> memref<40xi32, #tpu.memory_space<vmem>>
    %dma_wait3A_485 = arith.constant 0 : i32
    %dma_wait3A_486 = arith.constant 0 : i32
    %dma_wait3A_487 = tpu.memref_slice %arg2[%dma_wait3A_485, %dma_wait3A_486] : memref<10000x128xf32, #tpu.memory_space<hbm>> -> memref<10000x128xf32, #tpu.memory_space<hbm>>
    tpu.wait_indirect_dma semaphore(%arg15 : memref<!tpu.dma_semaphore, #tpu.memory_space<semaphore_mem>>) src(%dma_wait3A_487 : memref<10000x128xf32, #tpu.memory_space<hbm>>) dst(%dma_wait3A_482 : memref<40x128xf32, #tpu.memory_space<vmem>>)
    %mul3A_488 = arith.constant 10000 : i32
    %mul3A_489 = arith.muli %add3A, %mul3A_488 : i32
    %add3A_490 = arith.constant 9960 : i32
    %add3A_491 = arith.addi %mul3A_489, %add3A_490 : i32
    %dma_wait3A_492 = arith.constant 160 : i32
    %dma_wait3A_493 = tpu.memref_slice %arg8[%dma_wait3A_492] : memref<280xi32, #tpu.memory_space<vmem>> -> memref<40xi32, #tpu.memory_space<vmem>>
    %dma_wait3A_494 = tpu.memref_slice %arg4[%add3A_491] : memref<320000xi32, #tpu.memory_space<hbm>> -> memref<40xi32, #tpu.memory_space<hbm>>
    %dma_wait3A_495 = arith.constant 160 : i32
    %dma_wait3A_496 = tpu.memref_slice %arg8[%dma_wait3A_495] : memref<280xi32, #tpu.memory_space<vmem>> -> memref<40xi32, #tpu.memory_space<vmem>>
    %dma_wait3A_497 = tpu.memref_slice %arg4[%add3A_491] : memref<320000xi32, #tpu.memory_space<hbm>> -> memref<40xi32, #tpu.memory_space<hbm>>
    tpu.wait_dma2 semaphore(%arg22 : memref<!tpu.dma_semaphore, #tpu.memory_space<semaphore_mem>>) src(%dma_wait3A_497 : memref<40xi32, #tpu.memory_space<hbm>>) dst(%dma_wait3A_496 : memref<40xi32, #tpu.memory_space<vmem>>)
    %run_scoped3A_498 = arith.constant 4 : i32
    "tpu.region"() ({
      %run_scoped3A_505 = tpu.sem_alloc : memref<!tpu.dma_semaphore, #tpu.memory_space<semaphore_mem>>
      %dma_start3A_506 = arith.constant 0 : i32
      %dma_start3A_507 = arith.constant 0 : i32
      %dma_start3A_508 = tpu.memref_slice %arg9[%run_scoped3A_498, %dma_start3A_506, %dma_start3A_507] : memref<7x40x128xf32, #tpu.memory_space<vmem>> -> memref<1x40x128xf32, #tpu.memory_space<vmem>>
      %dma_start3A_509 = tpu.memref_squeeze %dma_start3A_508 : memref<1x40x128xf32, #tpu.memory_space<vmem>> -> memref<40x128xf32, #tpu.memory_space<vmem>>
      %dma_start3A_510 = arith.constant 160 : i32
      %dma_start3A_511 = tpu.memref_slice %arg8[%dma_start3A_510] : memref<280xi32, #tpu.memory_space<vmem>> -> memref<40xi32, #tpu.memory_space<vmem>>
      %dma_start3A_512 = arith.constant 0 : i32
      %dma_start3A_513 = arith.constant 0 : i32
      %dma_start3A_514 = tpu.memref_slice %arg10[%dma_start3A_512, %dma_start3A_513] : memref<10000x128xf32, #tpu.memory_space<vmem_shared>> -> memref<10000x128xf32, #tpu.memory_space<vmem_shared>>
      tpu.enqueue_indirect_dma source(%dma_start3A_509 : memref<40x128xf32, #tpu.memory_space<vmem>>) target(%dma_start3A_514 : memref<10000x128xf32, #tpu.memory_space<vmem_shared>>) offsets(%dma_start3A_511 : memref<40xi32, #tpu.memory_space<vmem>>) semaphore(%run_scoped3A_505 : memref<!tpu.dma_semaphore, #tpu.memory_space<semaphore_mem>>) {add = true}
      %dma_wait3A_515 = arith.constant 0 : i32
      %dma_wait3A_516 = arith.constant 0 : i32
      %dma_wait3A_517 = tpu.memref_slice %arg9[%run_scoped3A_498, %dma_wait3A_515, %dma_wait3A_516] : memref<7x40x128xf32, #tpu.memory_space<vmem>> -> memref<1x40x128xf32, #tpu.memory_space<vmem>>
      %dma_wait3A_518 = tpu.memref_squeeze %dma_wait3A_517 : memref<1x40x128xf32, #tpu.memory_space<vmem>> -> memref<40x128xf32, #tpu.memory_space<vmem>>
      %dma_wait3A_519 = arith.constant 160 : i32
      %dma_wait3A_520 = tpu.memref_slice %arg8[%dma_wait3A_519] : memref<280xi32, #tpu.memory_space<vmem>> -> memref<40xi32, #tpu.memory_space<vmem>>
      %dma_wait3A_521 = arith.constant 0 : i32
      %dma_wait3A_522 = arith.constant 0 : i32
      %dma_wait3A_523 = tpu.memref_slice %arg10[%dma_wait3A_521, %dma_wait3A_522] : memref<10000x128xf32, #tpu.memory_space<vmem_shared>> -> memref<10000x128xf32, #tpu.memory_space<vmem_shared>>
      tpu.wait_indirect_dma semaphore(%run_scoped3A_505 : memref<!tpu.dma_semaphore, #tpu.memory_space<semaphore_mem>>) src(%dma_wait3A_518 : memref<40x128xf32, #tpu.memory_space<vmem>>) dst(%dma_wait3A_523 : memref<10000x128xf32, #tpu.memory_space<vmem_shared>>)
      tpu.yield
    }) : () -> ()
    %barrier3A_499 = arith.constant 0 : index
    tpu.barrier barrier_id(%barrier3A_499)
    "tpu.region"() ({
      %run_scoped3A_505 = tpu.sem_alloc : memref<!tpu.dma_semaphore, #tpu.memory_space<semaphore_mem>>
      %dma_start3A_506 = arith.constant 0 : i32
      %dma_start3A_507 = tpu.memref_slice %arg6[%arg0, %mul3A_141, %dma_start3A_506] : memref<2x10000x128xf32, #tpu.memory_space<hbm>> -> memref<1x624x128xf32, #tpu.memory_space<hbm>>
      %dma_start3A_508 = tpu.memref_squeeze %dma_start3A_507 : memref<1x624x128xf32, #tpu.memory_space<hbm>> -> memref<624x128xf32, #tpu.memory_space<hbm>>
      %dma_start3A_509 = arith.constant 0 : i32
      %dma_start3A_510 = tpu.memref_slice %arg10[%mul3A_141, %dma_start3A_509] : memref<10000x128xf32, #tpu.memory_space<vmem_shared>> -> memref<624x128xf32, #tpu.memory_space<vmem_shared>>
      tpu.enqueue_dma source(%dma_start3A_510 : memref<624x128xf32, #tpu.memory_space<vmem_shared>>) target(%dma_start3A_508 : memref<624x128xf32, #tpu.memory_space<hbm>>) target_semaphore(%run_scoped3A_505 : memref<!tpu.dma_semaphore, #tpu.memory_space<semaphore_mem>>)
      %dma_wait3A_511 = arith.constant 0 : i32
      %dma_wait3A_512 = tpu.memref_slice %arg6[%arg0, %mul3A_141, %dma_wait3A_511] : memref<2x10000x128xf32, #tpu.memory_space<hbm>> -> memref<1x624x128xf32, #tpu.memory_space<hbm>>
      %dma_wait3A_513 = tpu.memref_squeeze %dma_wait3A_512 : memref<1x624x128xf32, #tpu.memory_space<hbm>> -> memref<624x128xf32, #tpu.memory_space<hbm>>
      %dma_wait3A_514 = arith.constant 0 : i32
      %dma_wait3A_515 = tpu.memref_slice %arg10[%mul3A_141, %dma_wait3A_514] : memref<10000x128xf32, #tpu.memory_space<vmem_shared>> -> memref<624x128xf32, #tpu.memory_space<vmem_shared>>
      tpu.wait_dma2 semaphore(%run_scoped3A_505 : memref<!tpu.dma_semaphore, #tpu.memory_space<semaphore_mem>>) src(%dma_wait3A_515 : memref<624x128xf32, #tpu.memory_space<vmem_shared>>) dst(%dma_wait3A_513 : memref<624x128xf32, #tpu.memory_space<hbm>>)
      tpu.yield
    }) : () -> ()
    %eq3A_500 = arith.constant 15 : i32
    %eq3A_501 = arith.cmpi eq, %arg1, %eq3A_500 : i32
    %convert_element_type3A_502 = arith.extui %eq3A_501 : i1 to i32
    %cond3A_503 = arith.constant 0 : i32
    %cond3A_504 = arith.cmpi ne, %convert_element_type3A_502, %cond3A_503 : i32
    scf.if %cond3A_504 {
      "tpu.region"() ({
        %run_scoped3A_505 = tpu.sem_alloc : memref<!tpu.dma_semaphore, #tpu.memory_space<semaphore_mem>>
        %dma_start3A_506 = arith.constant 9984 : i32
        %dma_start3A_507 = arith.constant 0 : i32
        %dma_start3A_508 = tpu.memref_slice %arg6[%arg0, %dma_start3A_506, %dma_start3A_507] : memref<2x10000x128xf32, #tpu.memory_space<hbm>> -> memref<1x16x128xf32, #tpu.memory_space<hbm>>
        %dma_start3A_509 = tpu.memref_squeeze %dma_start3A_508 : memref<1x16x128xf32, #tpu.memory_space<hbm>> -> memref<16x128xf32, #tpu.memory_space<hbm>>
        %dma_start3A_510 = arith.constant 9984 : i32
        %dma_start3A_511 = arith.constant 0 : i32
        %dma_start3A_512 = tpu.memref_slice %arg10[%dma_start3A_510, %dma_start3A_511] : memref<10000x128xf32, #tpu.memory_space<vmem_shared>> -> memref<16x128xf32, #tpu.memory_space<vmem_shared>>
        tpu.enqueue_dma source(%dma_start3A_512 : memref<16x128xf32, #tpu.memory_space<vmem_shared>>) target(%dma_start3A_509 : memref<16x128xf32, #tpu.memory_space<hbm>>) target_semaphore(%run_scoped3A_505 : memref<!tpu.dma_semaphore, #tpu.memory_space<semaphore_mem>>)
        %dma_wait3A_513 = arith.constant 9984 : i32
        %dma_wait3A_514 = arith.constant 0 : i32
        %dma_wait3A_515 = tpu.memref_slice %arg6[%arg0, %dma_wait3A_513, %dma_wait3A_514] : memref<2x10000x128xf32, #tpu.memory_space<hbm>> -> memref<1x16x128xf32, #tpu.memory_space<hbm>>
        %dma_wait3A_516 = tpu.memref_squeeze %dma_wait3A_515 : memref<1x16x128xf32, #tpu.memory_space<hbm>> -> memref<16x128xf32, #tpu.memory_space<hbm>>
        %dma_wait3A_517 = arith.constant 9984 : i32
        %dma_wait3A_518 = arith.constant 0 : i32
        %dma_wait3A_519 = tpu.memref_slice %arg10[%dma_wait3A_517, %dma_wait3A_518] : memref<10000x128xf32, #tpu.memory_space<vmem_shared>> -> memref<16x128xf32, #tpu.memory_space<vmem_shared>>
        tpu.wait_dma2 semaphore(%run_scoped3A_505 : memref<!tpu.dma_semaphore, #tpu.memory_space<semaphore_mem>>) src(%dma_wait3A_519 : memref<16x128xf32, #tpu.memory_space<vmem_shared>>) dst(%dma_wait3A_516 : memref<16x128xf32, #tpu.memory_space<hbm>>)
        tpu.yield
      }) : () -> ()
    } else {
    }
    return
  }
}

module attributes {stable_mosaic.version = 14 : i64} {
  func.func @_finalize_body(%arg0: i32, %arg1: memref<1x1000x128xf32, #tpu.memory_space<vmem>>, %arg2: memref<1x1000x128xf32, #tpu.memory_space<vmem>>, %arg3: memref<128x128xf32, #tpu.memory_space<vmem>>, %arg4: memref<1000x1xf32, #tpu.memory_space<vmem>>, %arg5: memref<1x128xf32, #tpu.memory_space<vmem>>, %arg6: memref<1000x128xf32, #tpu.memory_space<vmem>>) attributes {dimension_semantics = [#tpu.dimension_semantics<arbitrary>], iteration_bounds = array<i64: 10>, scalar_prefetch = 0 : i64, scratch_operands = 0 : i64, tpu.core_type = #tpu.core_type<tc>, window_params = [{transform_indices = @transform_0, window_bounds = array<i64: 1, 1000, 128>}, {transform_indices = @transform_1, window_bounds = array<i64: 1, 1000, 128>}, {pipeline_mode = #tpu.pipeline_mode<synchronous>, transform_indices = @transform_2, window_bounds = array<i64: 128, 128>}, {transform_indices = @transform_3, window_bounds = array<i64: 1000, 1>}, {pipeline_mode = #tpu.pipeline_mode<synchronous>, transform_indices = @transform_4, window_bounds = array<i64: 1, 128>}, {transform_indices = @transform_5, window_bounds = array<i64: 1000, 128>}]} {
    %get3A = arith.constant 0 : index
    %get3A_0 = arith.constant 0 : index
    %get3A_1 = arith.constant 0 : index
    %get3A_2 = vector.load %arg1[%get3A, %get3A_0, %get3A_1] : memref<1x1000x128xf32, #tpu.memory_space<vmem>>, vector<1x1000x128xf32>
    %get3A_3 = vector.shape_cast %get3A_2 : vector<1x1000x128xf32> to vector<1000x128xf32>
    %get3A_4 = arith.constant 0 : index
    %get3A_5 = arith.constant 0 : index
    %get3A_6 = arith.constant 0 : index
    %get3A_7 = vector.load %arg2[%get3A_4, %get3A_5, %get3A_6] : memref<1x1000x128xf32, #tpu.memory_space<vmem>>, vector<1x1000x128xf32>
    %get3A_8 = vector.shape_cast %get3A_7 : vector<1x1000x128xf32> to vector<1000x128xf32>
    %add3A = arith.addf %get3A_3, %get3A_8 : vector<1000x128xf32>
    %get3A_9 = arith.constant 0 : index
    %get3A_10 = arith.constant 0 : index
    %get3A_11 = vector.load %arg3[%get3A_9, %get3A_10] : memref<128x128xf32, #tpu.memory_space<vmem>>, vector<128x128xf32>
    %dot_general3A = arith.constant dense<0.000000e+00> : vector<1000x128xf32>
    %dot_general3A_12 = tpu.matmul %add3A, %get3A_11, %dot_general3A {dimension_numbers = #tpu.dot_dimension_numbers<[1], [0], [0], [1], [0, 0, 1, 1], [], []>, transpose_lhs_hint = false} : vector<1000x128xf32>, vector<128x128xf32>, vector<1000x128xf32> -> vector<1000x128xf32>
    %get3A_13 = arith.constant 0 : index
    %get3A_14 = arith.constant 0 : index
    %get3A_15 = vector.load %arg4[%get3A_13, %get3A_14] : memref<1000x1xf32, #tpu.memory_space<vmem>>, vector<1000x1xf32>
    %mul3A = vector.broadcast %get3A_15 : vector<1000x1xf32> to vector<1000x128xf32>
    %mul3A_16 = arith.mulf %dot_general3A_12, %mul3A : vector<1000x128xf32>
    %get3A_17 = arith.constant 0 : index
    %get3A_18 = arith.constant 0 : index
    %get3A_19 = vector.load %arg5[%get3A_17, %get3A_18] : memref<1x128xf32, #tpu.memory_space<vmem>>, vector<1x128xf32>
    %add3A_20 = vector.broadcast %get3A_19 : vector<1x128xf32> to vector<1000x128xf32>
    %add3A_21 = arith.addf %mul3A_16, %add3A_20 : vector<1000x128xf32>
    %swap3A = arith.constant 0 : index
    %swap3A_22 = arith.constant 0 : index
    %swap3A_23 = vector.load %arg6[%swap3A, %swap3A_22] : memref<1000x128xf32, #tpu.memory_space<vmem>>, vector<1000x128xf32>
    tpu.vector_store %arg6[%swap3A, %swap3A_22], %add3A_21 {strides = array<i32>} : memref<1000x128xf32, #tpu.memory_space<vmem>>, vector<1000x128xf32>,
    return
  }
  func.func @transform_0(%arg0: i32) -> (i32, i32, i32) {
    %c0_i32 = arith.constant 0 : i32
    %c0_i32_0 = arith.constant 0 : i32
    %c0_i32_1 = arith.constant 0 : i32
    return %c0_i32, %arg0, %c0_i32_0 : i32, i32, i32
  }
  func.func @transform_1(%arg0: i32) -> (i32, i32, i32) {
    %c1_i32 = arith.constant 1 : i32
    %c0_i32 = arith.constant 0 : i32
    %c0_i32_0 = arith.constant 0 : i32
    return %c1_i32, %arg0, %c0_i32 : i32, i32, i32
  }
  func.func @transform_2(%arg0: i32) -> (i32, i32) {
    %c0_i32 = arith.constant 0 : i32
    %c0_i32_0 = arith.constant 0 : i32
    %c0_i32_1 = arith.constant 0 : i32
    return %c0_i32, %c0_i32_0 : i32, i32
  }
  func.func @transform_3(%arg0: i32) -> (i32, i32) {
    %c0_i32 = arith.constant 0 : i32
    %c0_i32_0 = arith.constant 0 : i32
    return %arg0, %c0_i32 : i32, i32
  }
  func.func @transform_4(%arg0: i32) -> (i32, i32) {
    %c0_i32 = arith.constant 0 : i32
    %c0_i32_0 = arith.constant 0 : i32
    %c0_i32_1 = arith.constant 0 : i32
    return %c0_i32, %c0_i32_0 : i32, i32
  }
  func.func @transform_5(%arg0: i32) -> (i32, i32) {
    %c0_i32 = arith.constant 0 : i32
    %c0_i32_0 = arith.constant 0 : i32
    return %arg0, %c0_i32 : i32, i32
  }
}

</mosaic_0001>

<sc_bundles>
// kernel: kernel.4.cloned.1.call-start
scs
__scs_entry_jumppad:
0x0: {  	(pc) =	sbr.rel $0x88, $3  }
0x1: {  	(tag) =	ssettag $0x0;
	lr =	simm.s32 $0x1  }
0x2: {  	[smem:$0x3F9C] =	sst lr;
	_ =	strace $0xD0000000  }
0x3: {  	_ = 	snop  }
0x4: {  	_ = 	snop  }
0x5: {  	_ = 	snop  }
0x6: {  	_ = 	snop  }
0x7: {  	_ = 	snop  }
__scs_overlays_trampoline_lowered:
0x8: {  	[smem:$0x3FAB] =	sst s0  }
0x9: {  	[smem:$0x3FAC] =	sst s1  }
0xa: {  	[smem:$0x3FAD] =	sst s2  }
0xb: {  	[smem:$0x3FAE] =	sst s3  }
0xc: {  	[smem:$0x3FAF] =	sst s4  }
0xd: {  	[smem:$0x3FB0] =	sst s5  }
0xe: {  	[smem:$0x3FB1] =	sst s6  }
0xf: {  	[smem:$0x3FB2] =	sst s7  }
0x10: {  	[smem:$0x3FB3] =	sst s8  }
0x11: {  	[smem:$0x3FB4] =	sst s9;
	s0 =	simm.s32 @!p0 $0x0  }
0x12: {  	s1 =	sld [smem:$0x3F9A];
	s0 =	simm.s32 @p0 $0x1  }
0x13: {  	[smem:$0x3FB5] =	sst s0;
	s0 =	simm.s32 @!p1 $0x0  }
0x14: {  	s2 =	sld [smem:$0x3F99];
	s0 =	simm.s32 @p1 $0x1  }
0x15: {  	[smem:$0x3FB6] =	sst s0;
	s0 =	simm.s32 @!p2 $0x0  }
0x16: {  	s3 =	sld [smem:$0x3FDB];
	s0 =	simm.s32 @p2 $0x1  }
0x17: {  	s4 =	simm.s32 $0x1BF5;
	[smem:$0x3FB8] =	sst s0  }
0x18: {  	s0 =	sld [smem:$0x3F9B];
	_ =	swait.ge [sflag:s4], $0x0  }
0x19: {  	s7 =	sld [smem:$0x3F9C]  }
0x1a: {  	s8 =	sadd.s32 $0xFFFFE003, lr  }
0x1b: {  	s9 =	sadd.s32 $0xFFFFFEF7, lr;
	s5 =	simm.s32 $0xFFFFFFFF;
	p2 =	slt.u32 s8, $0xFFFFF086  }
0x1c: {  	p1 =	slt.u32 s9, $0xF7A;
	s5 =	simm.s32 @!p2 $0x0  }
0x1d: {  	s5 =	simm.s32 @p1 $0x1;
	p0 =	seq.s32 s7, s2  }
0x1e: {  	s7 =	smul.u32 @!p0 $0xF7A, s2;
	p2 =	seq.s32 @!p0 s5, $0x0  }
0x1f: {  	s9 =	smul.u32 $0xF7A, s1;
	s8 =	simm.s32 @!p0 $0x1BF5;
	p2 =	por !p2, p0  }
0x20: {  	[sflag:s8] =	ssyncset.s32 @!p0 $0xFFFFF086;
	s6 =	sadd.s32 @!p0 s3, s7;
	s7 =	simm.s32 @!p0 $0x108  }
0x21: {  	s3 =	sadd.s32 s3, s9;
	s6 =	sadd.s32 @!p0 $0x88, s6;
	s7 =	simm.s32 @p2 $0x1082  }
0x22: {  	[simem:s7], [sflag:s8] =	dma.local @!p0 [hbm:s6], $0xF7A  }
0x23: {  	s9 =	sor.u32 $0xD0000000, s2;
	s6 =	simm.s32 $0x108;
	_ =	swait.ge @!p0 [sflag:s8], $0x0  }
0x24: {  	s3 =	sadd.s32 $0x88, s3;
	s6 =	simm.s32 @!p1 $0x1082;
	[sflag:s4] =	ssyncset.s32 $0xFFFFF086  }
0x25: {  	[simem:s6], [sflag:s4] =	dma.local [hbm:s3], $0xF7A  }
0x26: {  	[smem:$0x3F9C] =	sst s1;
	(tag) =	ssettag s2;
	_ =	strace s9  }
0x27: {  	s1 =	sld [smem:$0x3FAC]  }
0x28: {  	s2 =	sld [smem:$0x3FAD]  }
0x29: {  	s4 =	sld [smem:$0x3FAF]  }
0x2a: {  	p0 =	seq.s32 s5, $0x0;
	s5 =	sld [smem:$0x3FB0]  }
0x2b: {  	s6 =	sld [smem:$0x3FB1]  }
0x2c: {  	s7 =	sld [smem:$0x3FB2]  }
0x2d: {  	s3 =	simm.s32 $0x108;
	s8 =	sld [smem:$0x3FB3]  }
0x2e: {  	s3 =	simm.s32 @!p0 $0x1082;
	s9 =	sld [smem:$0x3FB4]  }
0x2f: {  	lr =	sadd.s32 s0, s3;
	s0 =	sld [smem:$0x3FAB]  }
0x30: {  	s3 =	sld [smem:$0x3FAE]  }
0x31: {  	[smem:$0x3FB7] =	sst s10  }
0x32: {  	s10 =	sld [smem:$0x3FB5];
	_ =	sdelay $0x3  }
0x33: {  	p0 =	seq.s32 s10, $0x1;
	s10 =	sld [smem:$0x3FB7];
	_ =	sdelay $0x3  }
0x34: {  	[smem:$0x3FB7] =	sst s10  }
0x35: {  	s10 =	sld [smem:$0x3FB6];
	_ =	sdelay $0x3  }
0x36: {  	p1 =	seq.s32 s10, $0x1;
	s10 =	sld [smem:$0x3FB7];
	_ =	sdelay $0x3  }
0x37: {  	[smem:$0x3FB7] =	sst s10  }
0x38: {  	s10 =	sld [smem:$0x3FB8]  }
0x39: {  	_ = 	snop;
	(pc) =	sbr.ind lr, $3  }
0x3a: {  	_ = 	snop  }
0x3b: {  	_ = 	snop  }
0x3c: {  	p2 =	seq.s32 s10, $0x1;
	s10 =	sld [smem:$0x3FB7]  }
0x3d: {  	_ =	shalt  }
0x3e: {  	_ =	shalt  }
0x3f: {  	_ =	shalt  }
0x40: {  	_ =	shalt  }
0x41: {  	_ =	shalt  }
0x42: {  	_ =	shalt  }
0x43: {  	_ =	shalt  }
0x44: {  	_ =	shalt  }
0x45: {  	_ =	shalt  }
0x46: {  	_ =	shalt  }
0x47: {  	_ =	shalt  }
0x48: {  	_ =	shalt  }
0x49: {  	_ =	shalt  }
0x4a: {  	_ =	shalt  }
0x4b: {  	_ =	shalt  }
0x4c: {  	_ =	shalt  }
0x4d: {  	_ =	shalt  }
0x4e: {  	_ =	shalt  }
0x4f: {  	_ =	shalt  }
0x50: {  	_ =	shalt  }
0x51: {  	_ =	shalt  }
0x52: {  	_ =	shalt  }
0x53: {  	_ =	shalt  }
0x54: {  	_ =	shalt  }
0x55: {  	_ =	shalt  }
0x56: {  	_ =	shalt  }
0x57: {  	_ =	shalt  }
0x58: {  	_ =	shalt  }
0x59: {  	_ =	shalt  }
0x5a: {  	_ =	shalt  }
0x5b: {  	_ =	shalt  }
0x5c: {  	_ =	shalt  }
0x5d: {  	_ =	shalt  }
0x5e: {  	_ =	shalt  }
0x5f: {  	_ =	shalt  }
0x60: {  	_ =	shalt  }
0x61: {  	_ =	shalt  }
0x62: {  	_ =	shalt  }
0x63: {  	_ =	shalt  }
0x64: {  	_ =	shalt  }
0x65: {  	_ =	shalt  }
0x66: {  	_ =	shalt  }
0x67: {  	_ =	shalt  }
0x68: {  	_ =	shalt  }
0x69: {  	_ =	shalt  }
0x6a: {  	_ =	shalt  }
0x6b: {  	_ =	shalt  }
0x6c: {  	_ =	shalt  }
0x6d: {  	_ =	shalt  }
0x6e: {  	_ =	shalt  }
0x6f: {  	_ =	shalt  }
0x70: {  	_ =	shalt  }
0x71: {  	_ =	shalt  }
0x72: {  	_ =	shalt  }
0x73: {  	_ =	shalt  }
0x74: {  	_ =	shalt  }
0x75: {  	_ =	shalt  }
0x76: {  	_ =	shalt  }
0x77: {  	_ =	shalt  }
0x78: {  	_ =	shalt  }
0x79: {  	_ =	shalt  }
0x7a: {  	_ =	shalt  }
0x7b: {  	_ =	shalt  }
0x7c: {  	_ =	shalt  }
0x7d: {  	_ =	shalt  }
0x7e: {  	_ =	shalt  }
0x7f: {  	_ =	shalt  }
0x80: {  	_ =	shalt  }
0x81: {  	_ =	shalt  }
0x82: {  	_ =	shalt  }
0x83: {  	_ =	shalt  }
0x84: {  	_ =	shalt  }
0x85: {  	_ =	shalt  }
0x86: {  	_ =	shalt  }
0x87: {  	_ =	shalt  }
.Lfunc_end0:
.L_simem_size_0:
called_computation_lowered:
.L_overlay_start_0:
0x88: {  	s2 =	sld [smem:$0x3FD9]  }
0x89: {  	s3 =	sld [smem:$0x3FFE];
	_ =	sdelay $0x1  }
0x8a: {  	s1 =	srdreg.scid  }
0x8b: {  	s0 =	sand.u32 $0x1, s1  }
0x8c: {  	s17 =	sshll.u32 s0, $0xA;
	s2 =	sadd.s32 s3, s2  }
0x8d: {  	s2 =	sadd.s32 s2, s17  }
0x8e: {  	[smem:$0x3FC3] =	sst s2  }
0x8f: {  	_ = 	snop  }
0x90: {  	s2 =	sld [smem:$0x3FD0];
	(tm) =	ssettm $0x1  }
0x91: {  	s18 =	sld [smem:$0x3FFB];
	_ =	sdelay $0x3  }
0x92: {  	_ =	strace s18  }
0x93: {  	s3 =	sld [smem:$0x3FFC];
	_ =	sdelay $0x3  }
0x94: {  	_ =	strace s3  }
0x95: {  	s3 =	sld [smem:$0x3FFD];
	_ =	sdelay $0x3  }
0x96: {  	_ =	strace s3  }
0x97: {  	_ =	strace $0x8FFFFFFF  }
0x98: {  	s19 =	sld [smem:$0x3FDB];
	_ =	sdelay $0x1  }
0x99: {  	s4 =	simm.s32 $_scs_section_size  }
0x9a: {  	s5 =	simm.s32 $_size__tile_overlayer_lowered;
	s6 =	simm.s32 $_tile_overlayer_lowered  }
0x9b: {  	s22 =	simm.s32 $0x1BFF;
	s21 =	sshll.u32 s6, $0x1;
	s3 =	sadd.s32 s4, s19  }
0x9c: {  	s7 =	simm.s32 $0x0;
	s20 =	sshll.u32 s5, $0x1;
	s5 =	sadd.s32 s21, s3  }
0x9d: {  	[timem:s7], [sflag:s22] =	dma.local [hbm:s5], s20  }
0x9e: {  	_ =	swait.ge [sflag:s22], s20  }
0x9f: {  	s4 =	ssub.s32 $0x0, s20;
	[sflag:s22] =	ssyncset.done $0x0  }
0xa0: {  	[sflag:s22] =	ssyncadd.s32 s4;
	_ =	sdelay $0x1  }
0xa1: {  	s23 =	simm.s32 $0x1B8B  }
0xa2: {  	_ =	swait.ge [sflag:s23], $0x1  }
0xa3: {  	[sflag:s23] =	ssyncset.done $0x0  }
0xa4: {  	s25 =	simm.s32 $0x1B8E;
	s24 =	sld [smem:$0x3FFE];
	[sflag:s23] =	ssyncadd.s32 $0xFFFFFFFF  }
0xa5: {  	s26 =	simm.s32 $execute0_lowered;
	[smem:$0x3FD2] =	sst s25  }
0xa6: {  	s5 =	sshll.u32 s26, $0x1;
	_ =	strace $0x80000046;
	[dreg:$0x1] =	wrdreg $0xFFFFFFFF  }
0xa7: {  	s28 =	simm.s32 $_size_execute0_lowered;
	s3 =	sadd.s32 s3, s5;
	[dreg:$0x0] =	wrdreg $0x0  }
0xa8: {  	s5 =	sshll.u32 s28, $0x1;
	[dreg:$0x2] =	wrdreg s3  }
0xa9: {  	[dreg:$0x3] =	wrdreg s5  }
0xaa: {  	[dreg:$0x4] =	wrdreg $0xC0  }
0xab: {  	_ =	task [dreg:s7], $0x5FFFF  }
0xac: {  	[dreg:$0x1] =	wrdreg $0xFFFFFFFF  }
0xad: {  	[dreg:$0x0] =	wrdreg $0x60  }
0xae: {  	[dreg:$0x2] =	wrdreg s2  }
0xaf: {  	[dreg:$0x3] =	wrdreg s24  }
0xb0: {  	[dreg:$0x4] =	wrdreg $0xB5000  }
0xb1: {  	[dreg:$0x5] =	wrdreg $0x9  }
0xb2: {  	_ =	task.clear_ibuf [dreg:s7], $0x6FFFF;
	_ =	strace $0x90000046  }
0xb3: {  	s29 =	simm.s32 $0x9;
	_ =	strace $0x80000048  }
0xb4: {  	_ =	swait.ge [sflag:s29], $0x1  }
0xb5: {  	[sflag:s29] =	ssyncadd.s32 $0xFFFFFFFF  }
0xb6: {  	_ =	strace $0x90000048  }
0xb7: {  	_ =	sfence  }
0xb8: {  	s30 =	sld [smem:$0x0];
	_ =	sdelay $0x2  }
0xb9: {  	s31 =	sshll.u32 s1, $0xD;
	s1 =	sshrl.u32 s1, $0x2  }
0xba: {  	s3 =	sand.u32 $0x4000, s31;
	s1 =	sadd.s32 s1, s30  }
0xbb: {  	s0 =	sor.u32 s3, s0;
	s1 =	sshll.u32 s1, $0x11  }
0xbc: {  	s0 =	sor.u32 s1, s0  }
0xbd: {  	s0 =	sadd.s32 $0x8F2B, s0  }
0xbe: {  	[sflag:s0] =	ssyncadd.remote.s32 $0x1  }
0xbf: {  	_ =	sfence.sel $0xFFFF  }
0xc0: {  	[dreg:$0x0] =	wrdreg $0xFFFFFFFF;
	(pc) =	sbr.abs _section_cstart, $3  }
0xc1: {  	[dreg:$0x1] =	wrdreg $0xFFFFFFFF  }
0xc2: {  	_ =	task.clear_ibuf [dreg:s7], $0x2FFFF;
	_ =	strace $0x9FFFFFFF  }
0xc3: {  	(tm) =	ssettm $0x7FFFFFFF  }
tec
execute0_lowered:
.L_overlay_start_1:
0x0: {  	(tag) =	ssettag $0x1  }
0x1: {  	s0 =	srdreg.scid;
	s1 =	rddreg [dreg:$0x0]  }
0x2: {  	s11 =	stileid.u32;
	s17 =	rddreg [dreg:$0x1]  }
0x3: {  	s4 =	rddreg [dreg:$0x2];
	s5 =	simm.s32 $0x0;
	s0 =	sand.u32 $0x1, s0  }
0x4: {  	s2 =	sshll.u32 s11, $0x1;
	s3 =	sshrl.u32 s11, $0x2;
	s21 =	smul.u32 $0x4E000, s11  }
0x5: {  	[smem:$0x7FF] =	sst s5;
	s8 =	sadd.s32 $0x13C00, s17;
	s10 =	smul.u32 $0x13800, s11  }
0x6: {  	s16 =	sadd.s32 $0x16400, s17;
	s31 =	smul.u32 $0x4E20, s11;
	p0 =	sne.s32 s11, $0xF  }
0x7: {  	s2 =	sor.u32 s0, s2;
	s3 =	smul.u32 $0x13C00, s3;
	_ =	strace $0x80000047  }
0x8: {  	s15 =	ssub.s32 $0x2, s0;
	[dreg:$0x4] =	wrdreg s8;
	s28 =	smul.u32 $0x138800, s0  }
0x9: {  	s0 =	smul.u32 $0x2710, s0;
	s8 =	simm.s32 $0x2;
	s6 =	sshll.u32 s2, $0x7  }
0xa: {  	s7 =	sshrl.u32 s15, $0x1;
	s2 =	smul.u32 $0x2710, s2;
	s6 =	sand.u32 $0x380, s6  }
0xb: {  	s30 =	sadd.s32 s10, s28;
	s0 =	sadd.s32 s0, s31;
	s3 =	sor.u32 s3, s6  }
0xc: {  	s6 =	ssub.s32 s15, s7;
	s18 =	sshrl.u32 s2, $0x3;
	s19 =	sadd.s32 $0x28, s2  }
0xd: {  	s22 =	sadd.s32 $0x78, s2;
	s9 =	sadd.s32 $0xC8, s2;
	s7 =	sshrl.u32 s21, $0x2  }
0xe: {  	s25 =	sadd.s32 $0x2648, s2;
	s26 =	sadd.s32 $0x2698, s2;
	s2 =	sadd.s32 $0x26E8, s2  }
0xf: {  	s14 =	sadd.s32 $0x208, s0;
	s15 =	sadd.s32 $0x1E0, s0;
	s24 =	sadd.s32 s7, s4  }
0x10: {  	s21 =	sadd.s32 $0x168, s0;
	s13 =	smax.u32 s6, $0x1;
	[dreg:$0xa] =	wrdreg s24  }
0x11: {  	s12 =	sadd.s32 s17, s18;
	s9 =	sshrl.u32 s9, $0x3;
	[dreg:$0x10] =	wrdreg s13  }
0x12: {  	s7 =	sshrl.u32 s26, $0x3;
	s23 =	sadd.s32 s17, s9;
	[dreg:$0x6] =	wrdreg s12  }
0x13: {  	s2 =	sshrl.u32 s2, $0x3;
	s29 =	sadd.s32 s17, s7;
	[dreg:$0x9] =	wrdreg s23  }
0x14: {  	s3 =	sshrl.u32 s3, $0x3;
	s2 =	sadd.s32 s17, s2;
	[dreg:$0xc] =	wrdreg s29  }
0x15: {  	s20 =	sshrl.u32 s19, $0x3;
	s26 =	sadd.s32 $0x14, s12;
	[dreg:$0xd] =	wrdreg s2  }
0x16: {  	s9 =	sshrl.u32 s28, $0x3;
	s28 =	sadd.s32 $0x1E, s12;
	[dreg:$0x19] =	wrdreg s26  }
0x17: {  	s3 =	sadd.s32 s3, s17;
	s31 =	sadd.s32 $0x4D8, s12;
	[dreg:$0x1a] =	wrdreg s28  }
0x18: {  	s7 =	simm.s32 $0x7;
	s3 =	sadd.s32 $0x9E00, s3;
	[dreg:$0x1d] =	wrdreg s31  }
0x19: {  	s10 =	sadd.s32 s16, s9;
	s29 =	sadd.s32 $0x138000, s4;
	[dreg:$0x5] =	wrdreg s3  }
0x1a: {  	s9 =	simm.s32 $0x28;
	s3 =	sadd.s32 s17, s20;
	[dreg:$0x1b] =	wrdreg s29  }
0x1b: {  	s2 =	sadd.s32 $0x27000, s10;
	s20 =	sadd.s32 $0x190, s0;
	[dreg:$0x7] =	wrdreg s3  }
0x1c: {  	s10 =	simm.s32 $0xE;
	s3 =	sshrl.u32 s22, $0x3;
	[dreg:$0xf] =	wrdreg s2  }
0x1d: {  	s2 =	sshrl.u32 s14, $0x3;
	s22 =	sadd.s32 $0x140, s0;
	s3 =	sadd.s32 s17, s3  }
0x1e: {  	s2 =	sadd.s32 s2, s17;
	[dreg:$0x8] =	wrdreg s3;
	s3 =	sshrl.u32 s25, $0x3  }
0x1f: {  	[dreg:$0x11] =	wrdreg s2;
	s2 =	sshrl.u32 s20, $0x3;
	s25 =	sadd.s32 $0xA, s12  }
0x20: {  	s20 =	simm.s32 $0xA;
	s3 =	sadd.s32 s17, s3;
	[dreg:$0x18] =	wrdreg s25  }
0x21: {  	s2 =	sadd.s32 s2, s17;
	s25 =	simm.s32 $0x6;
	[dreg:$0xb] =	wrdreg s3  }
0x22: {  	s3 =	sshrl.u32 s30, $0x3;
	[dreg:$0x14] =	wrdreg s2;
	s30 =	sadd.s32 $0x4CE, s12  }
0x23: {  	s2 =	simm.s32 $0x0;
	s3 =	sadd.s32 s16, s3;
	[dreg:$0x1c] =	wrdreg s30  }
0x24: {  	s16 =	sadd.s32 $0x1B8, s0;
	s0 =	sadd.s32 $0x118, s0;
	[dreg:$0xe] =	wrdreg s3  }
0x25: {  	s3 =	sshrl.u32 s15, $0x3;
	s6 =	sshrl.u32 s16, $0x3;
	[dreg:$0x17] =	wrdreg s0  }
0x26: {  	s0 =	simm.s32 $0xF;
	s18 =	sadd.s32 s3, s17;
	s19 =	sadd.s32 s6, s17  }
0x27: {  	s3 =	sshrl.u32 s21, $0x3;
	s6 =	sshrl.u32 s22, $0x3;
	[dreg:$0x12] =	wrdreg s18  }
0x28: {  	s21 =	simm.s32 $0x4;
	s22 =	simm.s32 $0xB;
	[dreg:$0x13] =	wrdreg s19  }
0x29: {  	s23 =	sadd.s32 s3, s17;
	s24 =	sadd.s32 s6, s17;
	s6 =	simm.s32 $0x9  }
0x2a: {  	s19 =	simm.s32 $0x3;
	s3 =	simm.s32 $0xD;
	[dreg:$0x15] =	wrdreg s23  }
0x2b: {  	[dreg:$0x16] =	wrdreg s24;
	s23 =	simm.s32 $0x5;
	s24 =	simm.s32 $0xC  }
.LBB2_1:
0x2c: {  	[dreg:$0x1e] =	wrdreg s2  }
0x2d: {  	s11 =	rddreg [dreg:$0x5];
	s12 =	simm.s32 $0x80;
	s13 =	simm.s32 $0x400  }
0x2e: {  	[tilespmem:s5], [sflag:$0xF] =	stream.strided.gather [hbm4b:s11+s12], $0x2780, s13, s12, $0x38;
	[tilespmem:$0x1ED80] =	vst v63  }
0x2f: {  	_ =	swait.ge [sflag:s0], $0x2780  }
0x30: {  	[sflag:s0] =	ssyncset.done $0x0  }
0x31: {  	s13 =	simm.s32 $0x2780;
	s18 =	rddreg [dreg:$0x6];
	[sflag:s0] =	ssyncadd.s32 $0xFFFFD880  }
0x32: {  	[tilespmem:s13], [sflag:$0x8] =	stream.linear.gather [hbm4b:s18+s5], $0x28, $0x38;
	[tilespmem:$0x1ED80] =	vst v63  }
0x33: {  	s14 =	simm.s32 $0x2900  }
0x34: {  	[tilespmem:s14], [sflag:$0x1] =	stream.indirect.gather [hbm4b:s1+s9], $0x80, s5, s9, $0xb8;
	[tilespmem:$0x1ED80] =	vst v63  }
0x35: {  	s15 =	simm.s32 $0x27A8;
	s26 =	rddreg [dreg:$0x7]  }
0x36: {  	[tilespmem:s15], [sflag:$0x9] =	stream.linear.gather [hbm4b:s26+s5], $0x28, $0x38;
	[tilespmem:$0x1ED80] =	vst v63  }
0x37: {  	s16 =	simm.s32 $0x3D00  }
0x38: {  	[tilespmem:s16], [sflag:$0x2] =	stream.indirect.gather [hbm4b:s1+s9], $0x80, s9, s9, $0xb8;
	[tilespmem:$0x1ED80] =	vst v63  }
0x39: {  	s28 =	rddreg [dreg:$0x18];
	s18 =	simm.s32 $0x27D0  }
0x3a: {  	[tilespmem:s18], [sflag:$0xA] =	stream.linear.gather [hbm4b:s28+s5], $0x28, $0x38;
	[tilespmem:$0x1ED80] =	vst v63  }
0x3b: {  	s29 =	simm.s32 $0x50;
	s26 =	simm.s32 $0x5100  }
0x3c: {  	[tilespmem:s26], [sflag:$0x3] =	stream.indirect.gather [hbm4b:s1+s9], $0x80, s29, s9, $0xb8;
	[tilespmem:$0x1ED80] =	vst v63  }
0x3d: {  	s30 =	rddreg [dreg:$0x8];
	s28 =	simm.s32 $0x27F8  }
0x3e: {  	[tilespmem:s28], [sflag:$0xB] =	stream.linear.gather [hbm4b:s30+s5], $0x28, $0x38;
	[tilespmem:$0x1ED80] =	vst v63  }
0x3f: {  	s31 =	simm.s32 $0x78;
	s30 =	simm.s32 $0x6500  }
0x40: {  	[tilespmem:s30], [sflag:$0x4] =	stream.indirect.gather [hbm4b:s1+s9], $0x80, s31, s9, $0xb8;
	[tilespmem:$0x1ED80] =	vst v63  }
0x41: {  	s2 =	rddreg [dreg:$0x19];
	s31 =	simm.s32 $0x2820  }
0x42: {  	[tilespmem:s31], [sflag:$0xC] =	stream.linear.gather [hbm4b:s2+s5], $0x28, $0x38;
	[tilespmem:$0x1ED80] =	vst v63  }
0x43: {  	s12 =	simm.s32 $0xA0;
	s29 =	simm.s32 $0x7900  }
0x44: {  	[tilespmem:s29], [sflag:$0x5] =	stream.indirect.gather [hbm4b:s1+s9], $0x80, s12, s9, $0xb8;
	[tilespmem:$0x1ED80] =	vst v63  }
0x45: {  	s12 =	rddreg [dreg:$0x9];
	s29 =	simm.s32 $0x2848  }
0x46: {  	[tilespmem:s29], [sflag:$0xD] =	stream.linear.gather [hbm4b:s12+s5], $0x28, $0x38;
	[tilespmem:$0x1ED80] =	vst v63  }
0x47: {  	s12 =	simm.s32 $0xC8;
	s29 =	simm.s32 $0x8D00  }
0x48: {  	[tilespmem:s29], [sflag:$0x6] =	stream.indirect.gather [hbm4b:s1+s9], $0x80, s12, s9, $0xb8;
	[tilespmem:$0x1ED80] =	vst v63  }
0x49: {  	s12 =	rddreg [dreg:$0x1a];
	s29 =	simm.s32 $0x2870  }
0x4a: {  	[tilespmem:s29], [sflag:$0xE] =	stream.linear.gather [hbm4b:s12+s5], $0x28, $0x38;
	[tilespmem:$0x1ED80] =	vst v63  }
0x4b: {  	s2 =	simm.s32 $0xF0;
	s12 =	simm.s32 $0xA100  }
0x4c: {  	[tilespmem:s12], [sflag:$0x7] =	stream.indirect.gather [hbm4b:s1+s9], $0x80, s2, s9, $0xb8;
	[tilespmem:$0x1ED80] =	vst v63  }
0x4d: {  	s2 =	stileid.u32  }
0x4e: {  	s12 =	rddreg [dreg:$0xa];
	s11 =	sshll.u32 s2, $0x6  }
0x4f: {  	s12 =	sshrl.u32 s12, $0x3;
	s2 =	sor.u32 $0x1C0F, s11;
	s11 =	rddreg [dreg:$0x4]  }
0x50: {  	[smem:$0x7FC] =	sst s12  }
0x51: {  	[spmem:s12], [sflag:s2] =	dma.local [hbm:s11], $0x2700  }
0x52: {  	_ =	swait.ge [sflag:s0], $0x2700  }
0x53: {  	s12 =	rddreg [dreg:$0x1b]  }
0x54: {  	[dreg:$0x1f] =	wrdreg s2;
	[sflag:s0] =	ssyncset.done $0x0;
	s12 =	sshrl.u32 @!p0 s12, $0x3  }
0x55: {  	[sflag:s0] =	ssyncadd.s32 $0xFFFFD900;
	[smem:$0x7FD] =	sst s12  }
0x56: {  	[spmem:s12], [sflag:s2] =	dma.local @!p0 [hbm:s11], $0x100  }
0x57: {  	s11 =	simm.s32 @!p0 $0xF  }
0x58: {  	_ =	swait.ge @!p0 [sflag:s11], $0x100  }
0x59: {  	[sflag:s11] =	ssyncset.done @!p0 $0x0  }
0x5a: {  	[sflag:s11] =	ssyncadd.s32 @!p0 $0xFFFFFF00  }
0x5b: {  	s2 =	simm.s32 $0x1;
	[bflag:$0x0] =	sbarrier.arrive $0xFFFF  }
0x5c: {  	_ =	swait.ge [sflag:s2], $0x1400  }
0x5d: {  	[sflag:s2] =	ssyncset.done $0x0  }
0x5e: {  	s12 =	simm.s32 $0x8;
	[sflag:s2] =	ssyncadd.s32 $0xFFFFEC00  }
0x5f: {  	_ =	swait.ge [sflag:s12], $0x28  }
0x60: {  	[sflag:s12] =	ssyncset.done $0x0  }
0x61: {  	[sflag:s12] =	ssyncadd.s32 $0xFFFFFFD8  }
0x62: {  	[spmem:s4] =	stream.indirect.scatter.add.f32 [tilespmem:s14], [sflag:$0xF], $0x80, s13, s9, $0xb8;
	[tilespmem:$0x1ED80] =	vst v63  }
0x63: {  	_ =	swait.ge [sflag:s0], $0x1400  }
0x64: {  	s12 =	rddreg [dreg:$0x17]  }
0x65: {  	[sflag:s0] =	ssyncset.done $0x0;
	s2 =	sshrl.u32 s12, $0x3  }
0x66: {  	[sflag:s0] =	ssyncadd.s32 $0xFFFFEC00;
	s11 =	sadd.s32 s17, s2  }
0x67: {  	[tilespmem:s13], [sflag:$0x8] =	stream.linear.gather [hbm4b:s11+s5], $0x28, $0x38;
	[tilespmem:$0x1ED80] =	vst v63  }
0x68: {  	s13 =	simm.s32 $0x118  }
0x69: {  	[tilespmem:s14], [sflag:$0x1] =	stream.indirect.gather [hbm4b:s1+s9], $0x80, s13, s9, $0xb8;
	[tilespmem:$0x1ED80] =	vst v63  }
0x6a: {  	_ =	swait.ge [sflag:s8], $0x1400  }
0x6b: {  	[sflag:s8] =	ssyncset.done $0x0  }
0x6c: {  	[sflag:s8] =	ssyncadd.s32 $0xFFFFEC00  }
0x6d: {  	_ =	swait.ge [sflag:s6], $0x28  }
0x6e: {  	[sflag:s6] =	ssyncset.done $0x0  }
0x6f: {  	[sflag:s6] =	ssyncadd.s32 $0xFFFFFFD8  }
0x70: {  	[spmem:s4] =	stream.indirect.scatter.add.f32 [tilespmem:s16], [sflag:$0xF], $0x80, s15, s9, $0xb8;
	[tilespmem:$0x1ED80] =	vst v63  }
0x71: {  	_ =	swait.ge [sflag:s0], $0x1400  }
0x72: {  	[sflag:s0] =	ssyncset.done $0x0  }
0x73: {  	s14 =	rddreg [dreg:$0x16];
	[sflag:s0] =	ssyncadd.s32 $0xFFFFEC00  }
0x74: {  	[tilespmem:s15], [sflag:$0x9] =	stream.linear.gather [hbm4b:s14+s5], $0x28, $0x38;
	[tilespmem:$0x1ED80] =	vst v63  }
0x75: {  	s17 =	simm.s32 $0x140  }
0x76: {  	[tilespmem:s16], [sflag:$0x2] =	stream.indirect.gather [hbm4b:s1+s9], $0x80, s17, s9, $0xb8;
	[tilespmem:$0x1ED80] =	vst v63  }
0x77: {  	_ =	swait.ge [sflag:s19], $0x1400  }
0x78: {  	[sflag:s19] =	ssyncset.done $0x0  }
0x79: {  	[sflag:s19] =	ssyncadd.s32 $0xFFFFEC00  }
0x7a: {  	_ =	swait.ge [sflag:s20], $0x28  }
0x7b: {  	[sflag:s20] =	ssyncset.done $0x0  }
0x7c: {  	[sflag:s20] =	ssyncadd.s32 $0xFFFFFFD8  }
0x7d: {  	[spmem:s4] =	stream.indirect.scatter.add.f32 [tilespmem:s26], [sflag:$0xF], $0x80, s18, s9, $0xb8;
	[tilespmem:$0x1ED80] =	vst v63  }
0x7e: {  	_ =	swait.ge [sflag:s0], $0x1400  }
0x7f: {  	[sflag:s0] =	ssyncset.done $0x0  }
0x80: {  	s13 =	rddreg [dreg:$0x15];
	[sflag:s0] =	ssyncadd.s32 $0xFFFFEC00  }
0x81: {  	[tilespmem:s18], [sflag:$0xA] =	stream.linear.gather [hbm4b:s13+s5], $0x28, $0x38;
	[tilespmem:$0x1ED80] =	vst v63  }
0x82: {  	s18 =	simm.s32 $0x168  }
0x83: {  	[tilespmem:s26], [sflag:$0x3] =	stream.indirect.gather [hbm4b:s1+s9], $0x80, s18, s9, $0xb8;
	[tilespmem:$0x1ED80] =	vst v63  }
0x84: {  	_ =	swait.ge [sflag:s21], $0x1400  }
0x85: {  	[sflag:s21] =	ssyncset.done $0x0  }
0x86: {  	[sflag:s21] =	ssyncadd.s32 $0xFFFFEC00  }
0x87: {  	_ =	swait.ge [sflag:s22], $0x28  }
0x88: {  	[sflag:s22] =	ssyncset.done $0x0  }
0x89: {  	[sflag:s22] =	ssyncadd.s32 $0xFFFFFFD8  }
0x8a: {  	[spmem:s4] =	stream.indirect.scatter.add.f32 [tilespmem:s30], [sflag:$0xF], $0x80, s28, s9, $0xb8;
	[tilespmem:$0x1ED80] =	vst v63  }
0x8b: {  	_ =	swait.ge [sflag:s0], $0x1400  }
0x8c: {  	[sflag:s0] =	ssyncset.done $0x0  }
0x8d: {  	s16 =	rddreg [dreg:$0x14];
	[sflag:s0] =	ssyncadd.s32 $0xFFFFEC00  }
0x8e: {  	[tilespmem:s28], [sflag:$0xB] =	stream.linear.gather [hbm4b:s16+s5], $0x28, $0x38;
	[tilespmem:$0x1ED80] =	vst v63  }
0x8f: {  	s28 =	simm.s32 $0x190  }
0x90: {  	[tilespmem:s30], [sflag:$0x4] =	stream.indirect.gather [hbm4b:s1+s9], $0x80, s28, s9, $0xb8;
	[tilespmem:$0x1ED80] =	vst v63  }
0x91: {  	_ =	swait.ge [sflag:s23], $0x1400  }
0x92: {  	[sflag:s23] =	ssyncset.done $0x0  }
0x93: {  	[sflag:s23] =	ssyncadd.s32 $0xFFFFEC00  }
0x94: {  	_ =	swait.ge [sflag:s24], $0x28  }
0x95: {  	[sflag:s24] =	ssyncset.done $0x0  }
0x96: {  	s30 =	simm.s32 $0x7900;
	[sflag:s24] =	ssyncadd.s32 $0xFFFFFFD8  }
0x97: {  	[spmem:s4] =	stream.indirect.scatter.add.f32 [tilespmem:s30], [sflag:$0xF], $0x80, s31, s9, $0xb8;
	[tilespmem:$0x1ED80] =	vst v63  }
0x98: {  	_ =	swait.ge [sflag:s0], $0x1400  }
0x99: {  	[sflag:s0] =	ssyncset.done $0x0  }
0x9a: {  	s15 =	rddreg [dreg:$0x13];
	[sflag:s0] =	ssyncadd.s32 $0xFFFFEC00  }
0x9b: {  	[tilespmem:s31], [sflag:$0xC] =	stream.linear.gather [hbm4b:s15+s5], $0x28, $0x38;
	[tilespmem:$0x1ED80] =	vst v63  }
0x9c: {  	s31 =	simm.s32 $0x1B8  }
0x9d: {  	[tilespmem:s30], [sflag:$0x5] =	stream.indirect.gather [hbm4b:s1+s9], $0x80, s31, s9, $0xb8;
	[tilespmem:$0x1ED80] =	vst v63  }
0x9e: {  	_ =	swait.ge [sflag:s25], $0x1400  }
0x9f: {  	[sflag:s25] =	ssyncset.done $0x0  }
0xa0: {  	[sflag:s25] =	ssyncadd.s32 $0xFFFFEC00  }
0xa1: {  	_ =	swait.ge [sflag:s3], $0x28  }
0xa2: {  	[sflag:s3] =	ssyncset.done $0x0  }
0xa3: {  	s17 =	simm.s32 $0x8D00;
	s26 =	simm.s32 $0x2848;
	[sflag:s3] =	ssyncadd.s32 $0xFFFFFFD8  }
0xa4: {  	[spmem:s4] =	stream.indirect.scatter.add.f32 [tilespmem:s17], [sflag:$0xF], $0x80, s26, s9, $0xb8;
	[tilespmem:$0x1ED80] =	vst v63  }
0xa5: {  	_ =	swait.ge [sflag:s0], $0x1400  }
0xa6: {  	[sflag:s0] =	ssyncset.done $0x0  }
0xa7: {  	s18 =	rddreg [dreg:$0x12];
	[sflag:s0] =	ssyncadd.s32 $0xFFFFEC00  }
0xa8: {  	[tilespmem:s26], [sflag:$0xD] =	stream.linear.gather [hbm4b:s18+s5], $0x28, $0x38;
	[tilespmem:$0x1ED80] =	vst v63  }
0xa9: {  	s28 =	simm.s32 $0x1E0  }
0xaa: {  	[tilespmem:s17], [sflag:$0x6] =	stream.indirect.gather [hbm4b:s1+s9], $0x80, s28, s9, $0xb8;
	[tilespmem:$0x1ED80] =	vst v63  }
0xab: {  	_ =	swait.ge [sflag:s7], $0x1400  }
0xac: {  	[sflag:s7] =	ssyncset.done $0x0  }
0xad: {  	[sflag:s7] =	ssyncadd.s32 $0xFFFFEC00  }
0xae: {  	s12 =	sadd.s32 $0x118, s12;
	_ =	swait.ge [sflag:s10], $0x28  }
0xaf: {  	s11 =	simm.s32 $0x460;
	s14 =	sadd.s32 $0x23, s14;
	[sflag:s10] =	ssyncset.done $0x0  }
0xb0: {  	s13 =	sadd.s32 $0x23, s13;
	s30 =	simm.s32 $0xA100;
	[sflag:s10] =	ssyncadd.s32 $0xFFFFFFD8  }
0xb1: {  	[spmem:s4] =	stream.indirect.scatter.add.f32 [tilespmem:s30], [sflag:$0xF], $0x80, s29, s9, $0xb8;
	[tilespmem:$0x1ED80] =	vst v63  }
0xb2: {  	s16 =	sadd.s32 $0x23, s16;
	s15 =	sadd.s32 $0x23, s15;
	_ =	swait.ge [sflag:s0], $0x1400  }
0xb3: {  	s26 =	simm.s32 $0x208;
	[sflag:s0] =	ssyncset.done $0x0;
	s31 =	rddreg [dreg:$0x11]  }
0xb4: {  	s18 =	sadd.s32 $0x23, s18;
	[sflag:s0] =	ssyncadd.s32 $0xFFFFEC00;
	s17 =	sadd.s32 $0x23, s31  }
0xb5: {  	[tilespmem:s29], [sflag:$0xE] =	stream.linear.gather [hbm4b:s31+s5], $0x28, $0x38;
	[tilespmem:$0x1ED80] =	vst v63  }
.LBB2_2:
0xb6: {  	s2 =	simm.s32 $0xA100;
	s28 =	simm.s32 $0x1  }
0xb7: {  	[tilespmem:s2], [sflag:$0x7] =	stream.indirect.gather [hbm4b:s1+s9], $0x80, s26, s9, $0xb8;
	[tilespmem:$0x1ED80] =	vst v63  }
0xb8: {  	_ =	swait.ge [sflag:s28], $0x1400  }
0xb9: {  	[sflag:s28] =	ssyncset.done $0x0  }
0xba: {  	[sflag:s28] =	ssyncadd.s32 $0xFFFFEC00;
	s28 =	simm.s32 $0x8  }
0xbb: {  	_ =	swait.ge [sflag:s28], $0x28  }
0xbc: {  	[sflag:s28] =	ssyncset.done $0x0  }
0xbd: {  	s30 =	simm.s32 $0x2780;
	s31 =	simm.s32 $0x2900;
	[sflag:s28] =	ssyncadd.s32 $0xFFFFFFD8  }
0xbe: {  	[spmem:s4] =	stream.indirect.scatter.add.f32 [tilespmem:s31], [sflag:$0xF], $0x80, s30, s9, $0xb8;
	[tilespmem:$0x1ED80] =	vst v63  }
0xbf: {  	_ =	swait.ge [sflag:s0], $0x1400  }
0xc0: {  	[sflag:s0] =	ssyncset.done $0x0  }
0xc1: {  	[sflag:s0] =	ssyncadd.s32 $0xFFFFEC00  }
0xc2: {  	s26 =	smov.u32 s11;
	s28 =	sshrl.u32 s12, $0x3;
	s29 =	rddreg [dreg:$0x1]  }
0xc3: {  	s26 =	sshra.s32 s26, $0x2;
	s28 =	sadd.s32 s29, s28  }
0xc4: {  	[tilespmem:s30], [sflag:$0x8] =	stream.linear.gather [hbm4b:s28+s5], $0x28, $0x38;
	[tilespmem:$0x1ED80] =	vst v63  }
0xc5: {  	s28 =	sadd.s32 $0x118, s26  }
0xc6: {  	[tilespmem:s31], [sflag:$0x1] =	stream.indirect.gather [hbm4b:s1+s9], $0x80, s28, s9, $0xb8;
	[tilespmem:$0x1ED80] =	vst v63  }
0xc7: {  	_ =	swait.ge [sflag:s8], $0x1400  }
0xc8: {  	[sflag:s8] =	ssyncset.done $0x0  }
0xc9: {  	[sflag:s8] =	ssyncadd.s32 $0xFFFFEC00  }
0xca: {  	_ =	swait.ge [sflag:s6], $0x28  }
0xcb: {  	[sflag:s6] =	ssyncset.done $0x0  }
0xcc: {  	s30 =	simm.s32 $0x3D00;
	s28 =	simm.s32 $0x27A8;
	[sflag:s6] =	ssyncadd.s32 $0xFFFFFFD8  }
0xcd: {  	[spmem:s4] =	stream.indirect.scatter.add.f32 [tilespmem:s30], [sflag:$0xF], $0x80, s28, s9, $0xb8;
	[tilespmem:$0x1ED80] =	vst v63  }
0xce: {  	_ =	swait.ge [sflag:s0], $0x1400  }
0xcf: {  	[sflag:s0] =	ssyncset.done $0x0  }
0xd0: {  	[sflag:s0] =	ssyncadd.s32 $0xFFFFEC00  }
0xd1: {  	[tilespmem:s28], [sflag:$0x9] =	stream.linear.gather [hbm4b:s14+s5], $0x28, $0x38;
	[tilespmem:$0x1ED80] =	vst v63  }
0xd2: {  	s28 =	sadd.s32 $0x140, s26  }
0xd3: {  	[tilespmem:s30], [sflag:$0x2] =	stream.indirect.gather [hbm4b:s1+s9], $0x80, s28, s9, $0xb8;
	[tilespmem:$0x1ED80] =	vst v63  }
0xd4: {  	_ =	swait.ge [sflag:s19], $0x1400  }
0xd5: {  	[sflag:s19] =	ssyncset.done $0x0  }
0xd6: {  	[sflag:s19] =	ssyncadd.s32 $0xFFFFEC00  }
0xd7: {  	_ =	swait.ge [sflag:s20], $0x28  }
0xd8: {  	[sflag:s20] =	ssyncset.done $0x0  }
0xd9: {  	s28 =	simm.s32 $0x27D0;
	s30 =	simm.s32 $0x5100;
	[sflag:s20] =	ssyncadd.s32 $0xFFFFFFD8  }
0xda: {  	[spmem:s4] =	stream.indirect.scatter.add.f32 [tilespmem:s30], [sflag:$0xF], $0x80, s28, s9, $0xb8;
	[tilespmem:$0x1ED80] =	vst v63  }
0xdb: {  	_ =	swait.ge [sflag:s0], $0x1400  }
0xdc: {  	[sflag:s0] =	ssyncset.done $0x0  }
0xdd: {  	[sflag:s0] =	ssyncadd.s32 $0xFFFFEC00  }
0xde: {  	[tilespmem:s28], [sflag:$0xA] =	stream.linear.gather [hbm4b:s13+s5], $0x28, $0x38;
	[tilespmem:$0x1ED80] =	vst v63  }
0xdf: {  	s28 =	sadd.s32 $0x168, s26  }
0xe0: {  	[tilespmem:s30], [sflag:$0x3] =	stream.indirect.gather [hbm4b:s1+s9], $0x80, s28, s9, $0xb8;
	[tilespmem:$0x1ED80] =	vst v63  }
0xe1: {  	_ =	swait.ge [sflag:s21], $0x1400  }
0xe2: {  	[sflag:s21] =	ssyncset.done $0x0  }
0xe3: {  	[sflag:s21] =	ssyncadd.s32 $0xFFFFEC00  }
0xe4: {  	_ =	swait.ge [sflag:s22], $0x28  }
0xe5: {  	[sflag:s22] =	ssyncset.done $0x0  }
0xe6: {  	s28 =	simm.s32 $0x27F8;
	s30 =	simm.s32 $0x6500;
	[sflag:s22] =	ssyncadd.s32 $0xFFFFFFD8  }
0xe7: {  	[spmem:s4] =	stream.indirect.scatter.add.f32 [tilespmem:s30], [sflag:$0xF], $0x80, s28, s9, $0xb8;
	[tilespmem:$0x1ED80] =	vst v63  }
0xe8: {  	_ =	swait.ge [sflag:s0], $0x1400  }
0xe9: {  	[sflag:s0] =	ssyncset.done $0x0  }
0xea: {  	[sflag:s0] =	ssyncadd.s32 $0xFFFFEC00  }
0xeb: {  	[tilespmem:s28], [sflag:$0xB] =	stream.linear.gather [hbm4b:s16+s5], $0x28, $0x38;
	[tilespmem:$0x1ED80] =	vst v63  }
0xec: {  	s28 =	sadd.s32 $0x190, s26  }
0xed: {  	[tilespmem:s30], [sflag:$0x4] =	stream.indirect.gather [hbm4b:s1+s9], $0x80, s28, s9, $0xb8;
	[tilespmem:$0x1ED80] =	vst v63  }
0xee: {  	_ =	swait.ge [sflag:s23], $0x1400  }
0xef: {  	[sflag:s23] =	ssyncset.done $0x0  }
0xf0: {  	[sflag:s23] =	ssyncadd.s32 $0xFFFFEC00  }
0xf1: {  	_ =	swait.ge [sflag:s24], $0x28  }
0xf2: {  	[sflag:s24] =	ssyncset.done $0x0  }
0xf3: {  	s28 =	simm.s32 $0x2820;
	s30 =	simm.s32 $0x7900;
	[sflag:s24] =	ssyncadd.s32 $0xFFFFFFD8  }
0xf4: {  	[spmem:s4] =	stream.indirect.scatter.add.f32 [tilespmem:s30], [sflag:$0xF], $0x80, s28, s9, $0xb8;
	[tilespmem:$0x1ED80] =	vst v63  }
0xf5: {  	_ =	swait.ge [sflag:s0], $0x1400  }
0xf6: {  	[sflag:s0] =	ssyncset.done $0x0  }
0xf7: {  	[sflag:s0] =	ssyncadd.s32 $0xFFFFEC00  }
0xf8: {  	[tilespmem:s28], [sflag:$0xC] =	stream.linear.gather [hbm4b:s15+s5], $0x28, $0x38;
	[tilespmem:$0x1ED80] =	vst v63  }
0xf9: {  	s28 =	sadd.s32 $0x1B8, s26  }
0xfa: {  	[tilespmem:s30], [sflag:$0x5] =	stream.indirect.gather [hbm4b:s1+s9], $0x80, s28, s9, $0xb8;
	[tilespmem:$0x1ED80] =	vst v63  }
0xfb: {  	_ =	swait.ge [sflag:s25], $0x1400  }
0xfc: {  	[sflag:s25] =	ssyncset.done $0x0  }
0xfd: {  	[sflag:s25] =	ssyncadd.s32 $0xFFFFEC00  }
0xfe: {  	_ =	swait.ge [sflag:s3], $0x28  }
0xff: {  	[sflag:s3] =	ssyncset.done $0x0  }
0x100: {  	s29 =	simm.s32 $0x8D00;
	s28 =	simm.s32 $0x2848;
	[sflag:s3] =	ssyncadd.s32 $0xFFFFFFD8  }
0x101: {  	[spmem:s4] =	stream.indirect.scatter.add.f32 [tilespmem:s29], [sflag:$0xF], $0x80, s28, s9, $0xb8;
	[tilespmem:$0x1ED80] =	vst v63  }
0x102: {  	_ =	swait.ge [sflag:s0], $0x1400  }
0x103: {  	[sflag:s0] =	ssyncset.done $0x0  }
0x104: {  	[sflag:s0] =	ssyncadd.s32 $0xFFFFEC00  }
0x105: {  	[tilespmem:s28], [sflag:$0xD] =	stream.linear.gather [hbm4b:s18+s5], $0x28, $0x38;
	[tilespmem:$0x1ED80] =	vst v63  }
0x106: {  	s28 =	sadd.s32 $0x1E0, s26  }
0x107: {  	[tilespmem:s29], [sflag:$0x6] =	stream.indirect.gather [hbm4b:s1+s9], $0x80, s28, s9, $0xb8;
	[tilespmem:$0x1ED80] =	vst v63  }
0x108: {  	_ =	swait.ge [sflag:s7], $0x1400  }
0x109: {  	[sflag:s7] =	ssyncset.done $0x0  }
0x10a: {  	[sflag:s7] =	ssyncadd.s32 $0xFFFFEC00  }
0x10b: {  	p1 =	sne.s32 s11, $0x9060;
	s11 =	sadd.s32 $0x460, s11;
	_ =	swait.ge [sflag:s10], $0x28  }
0x10c: {  	s12 =	sadd.s32 $0x118, s12;
	s31 =	simm.s32 $0x2848;
	[sflag:s10] =	ssyncset.done $0x0  }
0x10d: {  	s14 =	sadd.s32 $0x23, s14;
	s28 =	simm.s32 $0x2870;
	[sflag:s10] =	ssyncadd.s32 $0xFFFFFFD8  }
0x10e: {  	[spmem:s4] =	stream.indirect.scatter.add.f32 [tilespmem:s2], [sflag:$0xF], $0x80, s28, s9, $0xb8;
	[tilespmem:$0x1ED80] =	vst v63  }
.Ltmp0:
0x10f: {  	s13 =	sadd.s32 $0x23, s13;
	_ =	swait.ge [sflag:s0], $0x1400;
	(pc) =	sbr.rel @p1 .LBB2_2-.Ltmp0, $4  }
0x110: {  	s16 =	sadd.s32 $0x23, s16;
	s15 =	sadd.s32 $0x23, s15;
	[sflag:s0] =	ssyncset.done $0x0  }
0x111: {  	s30 =	simm.s32 $0x8D00;
	s26 =	sadd.s32 $0x208, s26;
	[sflag:s0] =	ssyncadd.s32 $0xFFFFEC00  }
0x112: {  	[tilespmem:s28], [sflag:$0xE] =	stream.linear.gather [hbm4b:s17+s5], $0x28, $0x38;
	[tilespmem:$0x1ED80] =	vst v63  }
0x113: {  	s18 =	sadd.s32 $0x23, s18;
	s29 =	simm.s32 $0x2870;
	s17 =	sadd.s32 $0x23, s17  }
0x114: {  	s2 =	simm.s32 $0xA100  }
0x115: {  	[tilespmem:s2], [sflag:$0x7] =	stream.indirect.gather [hbm4b:s1+s9], $0x80, s26, s9, $0xb8;
	[tilespmem:$0x1ED80] =	vst v63  }
0x116: {  	s2 =	simm.s32 $0x1  }
0x117: {  	_ =	swait.ge [sflag:s2], $0x1400  }
0x118: {  	[sflag:s2] =	ssyncset.done $0x0  }
0x119: {  	s12 =	simm.s32 $0x8;
	[sflag:s2] =	ssyncadd.s32 $0xFFFFEC00  }
0x11a: {  	_ =	swait.ge [sflag:s12], $0x28  }
0x11b: {  	[sflag:s12] =	ssyncset.done $0x0  }
0x11c: {  	s13 =	simm.s32 $0x2780;
	s14 =	simm.s32 $0x2900;
	[sflag:s12] =	ssyncadd.s32 $0xFFFFFFD8  }
0x11d: {  	[spmem:s4] =	stream.indirect.scatter.add.f32 [tilespmem:s14], [sflag:$0xF], $0x80, s13, s9, $0xb8;
	[tilespmem:$0x1ED80] =	vst v63  }
0x11e: {  	_ =	swait.ge [sflag:s0], $0x1400  }
0x11f: {  	[sflag:s0] =	ssyncset.done $0x0  }
0x120: {  	s11 =	rddreg [dreg:$0xb];
	[sflag:s0] =	ssyncadd.s32 $0xFFFFEC00  }
0x121: {  	[tilespmem:s13], [sflag:$0x8] =	stream.linear.gather [hbm4b:s11+s5], $0x28, $0x38;
	[tilespmem:$0x1ED80] =	vst v63  }
0x122: {  	s16 =	simm.s32 $0x2648  }
0x123: {  	[tilespmem:s14], [sflag:$0x1] =	stream.indirect.gather [hbm4b:s1+s9], $0x80, s16, s9, $0xb8;
	[tilespmem:$0x1ED80] =	vst v63  }
0x124: {  	_ =	swait.ge [sflag:s8], $0x1400  }
0x125: {  	[sflag:s8] =	ssyncset.done $0x0  }
0x126: {  	[sflag:s8] =	ssyncadd.s32 $0xFFFFEC00  }
0x127: {  	_ =	swait.ge [sflag:s6], $0x28  }
0x128: {  	[sflag:s6] =	ssyncset.done $0x0  }
0x129: {  	s15 =	simm.s32 $0x3D00;
	s14 =	simm.s32 $0x27A8;
	[sflag:s6] =	ssyncadd.s32 $0xFFFFFFD8  }
0x12a: {  	[spmem:s4] =	stream.indirect.scatter.add.f32 [tilespmem:s15], [sflag:$0xF], $0x80, s14, s9, $0xb8;
	[tilespmem:$0x1ED80] =	vst v63  }
0x12b: {  	_ =	swait.ge [sflag:s0], $0x1400  }
0x12c: {  	[sflag:s0] =	ssyncset.done $0x0  }
0x12d: {  	s17 =	rddreg [dreg:$0x1c];
	[sflag:s0] =	ssyncadd.s32 $0xFFFFEC00  }
0x12e: {  	[tilespmem:s14], [sflag:$0x9] =	stream.linear.gather [hbm4b:s17+s5], $0x28, $0x38;
	[tilespmem:$0x1ED80] =	vst v63  }
0x12f: {  	s18 =	simm.s32 $0x2670  }
0x130: {  	[tilespmem:s15], [sflag:$0x2] =	stream.indirect.gather [hbm4b:s1+s9], $0x80, s18, s9, $0xb8;
	[tilespmem:$0x1ED80] =	vst v63  }
0x131: {  	_ =	swait.ge [sflag:s19], $0x1400  }
0x132: {  	[sflag:s19] =	ssyncset.done $0x0  }
0x133: {  	[sflag:s19] =	ssyncadd.s32 $0xFFFFEC00  }
0x134: {  	_ =	swait.ge [sflag:s20], $0x28  }
0x135: {  	[sflag:s20] =	ssyncset.done $0x0  }
0x136: {  	s16 =	simm.s32 $0x27D0;
	s17 =	simm.s32 $0x5100;
	[sflag:s20] =	ssyncadd.s32 $0xFFFFFFD8  }
0x137: {  	[spmem:s4] =	stream.indirect.scatter.add.f32 [tilespmem:s17], [sflag:$0xF], $0x80, s16, s9, $0xb8;
	[tilespmem:$0x1ED80] =	vst v63  }
0x138: {  	_ =	swait.ge [sflag:s0], $0x1400  }
0x139: {  	[sflag:s0] =	ssyncset.done $0x0  }
0x13a: {  	s26 =	rddreg [dreg:$0xc];
	[sflag:s0] =	ssyncadd.s32 $0xFFFFEC00  }
0x13b: {  	[tilespmem:s16], [sflag:$0xA] =	stream.linear.gather [hbm4b:s26+s5], $0x28, $0x38;
	[tilespmem:$0x1ED80] =	vst v63  }
0x13c: {  	s28 =	simm.s32 $0x2698  }
0x13d: {  	[tilespmem:s17], [sflag:$0x3] =	stream.indirect.gather [hbm4b:s1+s9], $0x80, s28, s9, $0xb8;
	[tilespmem:$0x1ED80] =	vst v63  }
0x13e: {  	_ =	swait.ge [sflag:s21], $0x1400  }
0x13f: {  	[sflag:s21] =	ssyncset.done $0x0  }
0x140: {  	[sflag:s21] =	ssyncadd.s32 $0xFFFFEC00  }
0x141: {  	_ =	swait.ge [sflag:s22], $0x28  }
0x142: {  	[sflag:s22] =	ssyncset.done $0x0  }
0x143: {  	s18 =	simm.s32 $0x27F8;
	s26 =	simm.s32 $0x6500;
	[sflag:s22] =	ssyncadd.s32 $0xFFFFFFD8  }
0x144: {  	[spmem:s4] =	stream.indirect.scatter.add.f32 [tilespmem:s26], [sflag:$0xF], $0x80, s18, s9, $0xb8;
	[tilespmem:$0x1ED80] =	vst v63  }
0x145: {  	_ =	swait.ge [sflag:s0], $0x1400  }
0x146: {  	[sflag:s0] =	ssyncset.done $0x0  }
0x147: {  	s13 =	rddreg [dreg:$0x1d];
	[sflag:s0] =	ssyncadd.s32 $0xFFFFEC00  }
0x148: {  	[tilespmem:s18], [sflag:$0xB] =	stream.linear.gather [hbm4b:s13+s5], $0x28, $0x38;
	[tilespmem:$0x1ED80] =	vst v63  }
0x149: {  	s28 =	simm.s32 $0x26C0  }
0x14a: {  	[tilespmem:s26], [sflag:$0x4] =	stream.indirect.gather [hbm4b:s1+s9], $0x80, s28, s9, $0xb8;
	[tilespmem:$0x1ED80] =	vst v63  }
0x14b: {  	_ =	swait.ge [sflag:s23], $0x1400  }
0x14c: {  	[sflag:s23] =	ssyncset.done $0x0  }
0x14d: {  	[sflag:s23] =	ssyncadd.s32 $0xFFFFEC00  }
0x14e: {  	_ =	swait.ge [sflag:s24], $0x28  }
0x14f: {  	[sflag:s24] =	ssyncset.done $0x0  }
0x150: {  	s13 =	simm.s32 $0x7900;
	s28 =	simm.s32 $0x2820;
	[sflag:s24] =	ssyncadd.s32 $0xFFFFFFD8  }
0x151: {  	[spmem:s4] =	stream.indirect.scatter.add.f32 [tilespmem:s13], [sflag:$0xF], $0x80, s28, s9, $0xb8;
	[tilespmem:$0x1ED80] =	vst v63  }
0x152: {  	_ =	swait.ge [sflag:s0], $0x1400  }
0x153: {  	[sflag:s0] =	ssyncset.done $0x0  }
0x154: {  	s11 =	rddreg [dreg:$0xd];
	[sflag:s0] =	ssyncadd.s32 $0xFFFFEC00  }
0x155: {  	[tilespmem:s28], [sflag:$0xC] =	stream.linear.gather [hbm4b:s11+s5], $0x28, $0x38;
	[tilespmem:$0x1ED80] =	vst v63  }
0x156: {  	s11 =	simm.s32 $0x26E8  }
0x157: {  	[tilespmem:s13], [sflag:$0x5] =	stream.indirect.gather [hbm4b:s1+s9], $0x80, s11, s9, $0xb8;
	[tilespmem:$0x1ED80] =	vst v63  }
0x158: {  	_ =	swait.ge [sflag:s25], $0x1400  }
0x159: {  	[sflag:s25] =	ssyncset.done $0x0  }
0x15a: {  	[sflag:s25] =	ssyncadd.s32 $0xFFFFEC00  }
0x15b: {  	_ =	swait.ge [sflag:s3], $0x28  }
0x15c: {  	[sflag:s3] =	ssyncset.done $0x0  }
0x15d: {  	[sflag:s3] =	ssyncadd.s32 $0xFFFFFFD8  }
0x15e: {  	[spmem:s4] =	stream.indirect.scatter.add.f32 [tilespmem:s30], [sflag:$0xF], $0x80, s31, s9, $0xb8;
	[tilespmem:$0x1ED80] =	vst v63  }
0x15f: {  	_ =	swait.ge [sflag:s0], $0x1400  }
0x160: {  	[sflag:s0] =	ssyncset.done $0x0  }
0x161: {  	[sflag:s0] =	ssyncadd.s32 $0xFFFFEC00  }
0x162: {  	_ =	swait.ge [sflag:s7], $0x1400  }
0x163: {  	[sflag:s7] =	ssyncset.done $0x0  }
0x164: {  	[sflag:s7] =	ssyncadd.s32 $0xFFFFEC00  }
0x165: {  	_ =	swait.ge [sflag:s10], $0x28  }
0x166: {  	[sflag:s10] =	ssyncset.done $0x0  }
0x167: {  	s31 =	simm.s32 $0xA100;
	[sflag:s10] =	ssyncadd.s32 $0xFFFFFFD8  }
0x168: {  	[spmem:s4] =	stream.indirect.scatter.add.f32 [tilespmem:s31], [sflag:$0xF], $0x80, s29, s9, $0xb8;
	[tilespmem:$0x1ED80] =	vst v63  }
0x169: {  	_ =	swait.ge [sflag:s0], $0x1400  }
0x16a: {  	[sflag:s0] =	ssyncset.done $0x0  }
0x16b: {  	[sflag:s0] =	ssyncadd.s32 $0xFFFFEC00  }
0x16c: {  	_ =	swait.ge [sflag:s2], $0x1400  }
0x16d: {  	[sflag:s2] =	ssyncset.done $0x0  }
0x16e: {  	[sflag:s2] =	ssyncadd.s32 $0xFFFFEC00  }
0x16f: {  	_ =	swait.ge [sflag:s12], $0x28  }
0x170: {  	[sflag:s12] =	ssyncset.done $0x0  }
0x171: {  	s11 =	simm.s32 $0x2780;
	[sflag:s12] =	ssyncadd.s32 $0xFFFFFFD8;
	s12 =	simm.s32 $0x2900  }
0x172: {  	[spmem:s4] =	stream.indirect.scatter.add.f32 [tilespmem:s12], [sflag:$0xF], $0x80, s11, s9, $0xb8;
	[tilespmem:$0x1ED80] =	vst v63  }
0x173: {  	_ =	swait.ge [sflag:s0], $0x1400  }
0x174: {  	[sflag:s0] =	ssyncset.done $0x0  }
0x175: {  	[sflag:s0] =	ssyncadd.s32 $0xFFFFEC00  }
0x176: {  	_ =	swait.ge [sflag:s8], $0x1400  }
0x177: {  	[sflag:s8] =	ssyncset.done $0x0  }
0x178: {  	[sflag:s8] =	ssyncadd.s32 $0xFFFFEC00  }
0x179: {  	_ =	swait.ge [sflag:s6], $0x28  }
0x17a: {  	[sflag:s6] =	ssyncset.done $0x0  }
0x17b: {  	[sflag:s6] =	ssyncadd.s32 $0xFFFFFFD8  }
0x17c: {  	[spmem:s4] =	stream.indirect.scatter.add.f32 [tilespmem:s15], [sflag:$0xF], $0x80, s14, s9, $0xb8;
	[tilespmem:$0x1ED80] =	vst v63  }
0x17d: {  	_ =	swait.ge [sflag:s0], $0x1400  }
0x17e: {  	[sflag:s0] =	ssyncset.done $0x0  }
0x17f: {  	[sflag:s0] =	ssyncadd.s32 $0xFFFFEC00  }
0x180: {  	_ =	swait.ge [sflag:s19], $0x1400  }
0x181: {  	[sflag:s19] =	ssyncset.done $0x0  }
0x182: {  	[sflag:s19] =	ssyncadd.s32 $0xFFFFEC00  }
0x183: {  	_ =	swait.ge [sflag:s20], $0x28  }
0x184: {  	[sflag:s20] =	ssyncset.done $0x0  }
0x185: {  	[sflag:s20] =	ssyncadd.s32 $0xFFFFFFD8  }
0x186: {  	[spmem:s4] =	stream.indirect.scatter.add.f32 [tilespmem:s17], [sflag:$0xF], $0x80, s16, s9, $0xb8;
	[tilespmem:$0x1ED80] =	vst v63  }
0x187: {  	_ =	swait.ge [sflag:s0], $0x1400  }
0x188: {  	[sflag:s0] =	ssyncset.done $0x0  }
0x189: {  	[sflag:s0] =	ssyncadd.s32 $0xFFFFEC00  }
0x18a: {  	_ =	swait.ge [sflag:s21], $0x1400  }
0x18b: {  	[sflag:s21] =	ssyncset.done $0x0  }
0x18c: {  	[sflag:s21] =	ssyncadd.s32 $0xFFFFEC00  }
0x18d: {  	_ =	swait.ge [sflag:s22], $0x28  }
0x18e: {  	[sflag:s22] =	ssyncset.done $0x0  }
0x18f: {  	[sflag:s22] =	ssyncadd.s32 $0xFFFFFFD8  }
0x190: {  	[spmem:s4] =	stream.indirect.scatter.add.f32 [tilespmem:s26], [sflag:$0xF], $0x80, s18, s9, $0xb8;
	[tilespmem:$0x1ED80] =	vst v63  }
0x191: {  	_ =	swait.ge [sflag:s0], $0x1400  }
0x192: {  	[sflag:s0] =	ssyncset.done $0x0  }
0x193: {  	[sflag:s0] =	ssyncadd.s32 $0xFFFFEC00  }
0x194: {  	_ =	swait.ge [sflag:s23], $0x1400  }
0x195: {  	[sflag:s23] =	ssyncset.done $0x0  }
0x196: {  	[sflag:s23] =	ssyncadd.s32 $0xFFFFEC00  }
0x197: {  	_ =	swait.ge [sflag:s24], $0x28  }
0x198: {  	[sflag:s24] =	ssyncset.done $0x0  }
0x199: {  	[sflag:s24] =	ssyncadd.s32 $0xFFFFFFD8  }
0x19a: {  	[spmem:s4] =	stream.indirect.scatter.add.f32 [tilespmem:s13], [sflag:$0xF], $0x80, s28, s9, $0xb8;
	[tilespmem:$0x1ED80] =	vst v63  }
0x19b: {  	_ =	swait.ge [sflag:s0], $0x1400  }
0x19c: {  	[sflag:s0] =	ssyncset.done $0x0  }
0x19d: {  	[sflag:s0] =	ssyncadd.s32 $0xFFFFEC00  }
0x19e: {  	[bflag:$0x0] =	sbarrier.arrive $0xFFFF  }
0x19f: {  	s29 =	sld [smem:$0x7FC]  }
0x1a0: {  	s28 =	rddreg [dreg:$0xe]  }
0x1a1: {  	s2 =	rddreg [dreg:$0x1f]  }
0x1a2: {  	[hbm:s28], [sflag:s2] =	dma.local [spmem:s29], $0x2700  }
0x1a3: {  	_ =	swait.ge [sflag:s0], $0x2700  }
0x1a4: {  	s12 =	sld [smem:$0x7FD]  }
0x1a5: {  	[sflag:s0] =	ssyncset.done $0x0  }
0x1a6: {  	s11 =	rddreg [dreg:$0xf];
	[sflag:s0] =	ssyncadd.s32 $0xFFFFD900  }
0x1a7: {  	[hbm:s11], [sflag:s2] =	dma.local @!p0 [spmem:s12], $0x100  }
0x1a8: {  	s11 =	simm.s32 @!p0 $0xF  }
0x1a9: {  	_ =	swait.ge @!p0 [sflag:s11], $0x100  }
0x1aa: {  	s30 =	rddreg [dreg:$0x1e]  }
0x1ab: {  	s31 =	rddreg [dreg:$0x10];
	s2 =	sadd.s32 $0x1, s30  }
0x1ac: {  	p1 =	sne.s32 s2, s31  }
.Ltmp1:
0x1ad: {  	_ = 	snop;
	(pc) =	sbr.rel @p1 .LBB2_1-.Ltmp1, $4  }
0x1ae: {  	_ = 	snop  }
0x1af: {  	[sflag:s11] =	ssyncset.done @!p0 $0x0  }
0x1b0: {  	[sflag:s11] =	ssyncadd.s32 @!p0 $0xFFFFFF00  }
0x1b1: {  	s17 =	rddreg [dreg:$0x1]  }
0x1b2: {  	_ =	sfence.sel $0x180000  }
0x1b3: {  	[bflag:$0x0] =	sbarrier.arrive $0xFFFF  }
0x1b4: {  	_ =	strace $0x90000047  }
0x1b5: {  	s0 =	stileid.u32;
	[bflag:$0x2] =	sbarrier.arrive $0xFFFF  }
0x1b6: {  	p0 =	sne.s32 s0, $0x0;
	s0 =	rddreg [dreg:$0x3]  }
0x1b7: {  	s0 =	sadd.s32 @!p0 $0x100000, s0  }
0x1b8: {  	[sflag:s0] =	ssyncadd.tile.s32 @!p0 $0x1;
	_ =	shalt  }
.Lfunc_end2:
_tile_overlayer_lowered:
.L_overlay_start_2:
0x1b9: {  	(tag) =	ssettag $0x2  }
0x1ba: {  	s0 =	rddreg [dreg:$0x0];
	s2 =	stileid.u32  }
0x1bb: {  	s1 =	rddreg [dreg:$0x1];
	p0 =	sne.s32 s2, $0x0  }
0x1bc: {  	s3 =	rddreg [dreg:$0x2];
	[bflag:$0x3] =	sbarrier.arrive $0xFFFF;
	s2 =	simm.s32 @!p0 $0x1C0F  }
0x1bd: {  	[timem:s3], [sflag:s2] =	dma.local @!p0 [hbm:s0], s1  }
0x1be: {  	s0 =	simm.s32 @!p0 $0xF  }
0x1bf: {  	_ =	swait.ge @!p0 [sflag:s0], s1  }
0x1c0: {  	s1 =	ssub.s32 @!p0 $0x0, s1;
	[sflag:s0] =	ssyncset.done @!p0 $0x0  }
0x1c1: {  	[sflag:s0] =	ssyncadd.s32 @!p0 s1  }
0x1c2: {  	[bflag:$0x3] =	sbarrier.arrive $0xFFFF  }
0x1c3: {  	_ =	shalt  }

</sc_bundles>
